<compile_context>
chip_gen: v7x
topology: tpu7x:2x2x1
jax: 0.10.2.dev20260603
libtpu: 0.0.44.dev20260713+nightly
codegen_flags: <defaults>
</compile_context>

<pallas_src>
import functools

import jax
import jax.numpy as jnp
from jax import lax
from jax.experimental import pallas as pl
from jax.experimental.pallas import tpu as pltpu
from jax.experimental.pallas import tpu_sc as plsc

B, M, HW, PATCH, D, C = 4, 8, 512, 16, 768, 8
G = HW // PATCH
P = G * G
BM = B * M
F32 = jnp.float32


_PK = 8


def _pool_body(mask_ref, pooled_ref):
    r = lax.broadcasted_iota(jnp.int32, (HW, G), 0) // PATCH
    c = lax.broadcasted_iota(jnp.int32, (HW, G), 1)
    a = (r == c).astype(F32)
    for u in range(_PK):
        inv = 1.0 - mask_ref[u]
        t = jnp.dot(inv, a, preferred_element_type=F32)
        s = lax.dot_general(a, t, (((0,), (0,)), ((), ())),
                            preferred_element_type=F32)
        pooled_ref[u] = jnp.where(s == 0.0, 1.0, 0.0)


def _pool_call(masks_flat):
    return pl.pallas_call(
        _pool_body,
        grid=(BM // _PK,),
        in_specs=[pl.BlockSpec((_PK, HW, HW), lambda i: (i, 0, 0))],
        out_specs=pl.BlockSpec((_PK, G, G), lambda i: (i, 0, 0)),
        out_shape=jax.ShapeDtypeStruct((BM, G, G), F32),
    )(masks_flat)


def _stats_body(pooled_ref, emb_ref, cat_ref, mref_ref, flat_ref, cnt_ref):
    pooled = pooled_ref[...]
    keep = (pooled != 0.0).astype(F32)
    cat_row = cat_ref[...]

    sums = []
    for b in range(B):
        kb = keep[b * M:(b + 1) * M]
        sums.append(jnp.dot(kb, emb_ref[b], preferred_element_type=F32))
    sum_per_mask = jnp.concatenate(sums, axis=0)

    cnt_col = jnp.dot(keep, jnp.ones((P, 1), F32),
                      preferred_element_type=F32)

    cid = lax.broadcasted_iota(jnp.int32, (C, BM), 0)
    onehot = (jnp.broadcast_to(cat_row, (C, BM)) == cid).astype(F32)

    cat_sum = jnp.dot(onehot, sum_per_mask, preferred_element_type=F32,
                      precision=lax.Precision.HIGHEST)
    cat_cnt = jnp.dot(onehot, cnt_col, preferred_element_type=F32)
    mean = cat_sum / jnp.maximum(cat_cnt, 1.0)
    nrm = jnp.sqrt(jnp.sum(mean * mean, axis=1, keepdims=True))
    mref_ref[...] = mean / jnp.maximum(nrm, 1e-12)

    counts_col = jnp.dot(onehot, jnp.ones((BM, 1), F32),
                         preferred_element_type=F32)
    cnt_ref[...] = counts_col.astype(jnp.int32)

    lessc = jnp.dot((lax.broadcasted_iota(jnp.int32, (C, C), 1) <
                     lax.broadcasted_iota(jnp.int32, (C, C), 0)).astype(F32),
                    counts_col, preferred_element_type=F32)
    less_row = jnp.sum(onehot * lessc, axis=0, keepdims=True)
    u_strict = (lax.broadcasted_iota(jnp.int32, (BM, BM), 0) <
                lax.broadcasted_iota(jnp.int32, (BM, BM), 1)).astype(F32)
    prefix = jnp.dot(onehot, u_strict, preferred_element_type=F32)
    eqb_row = jnp.sum(onehot * prefix, axis=0, keepdims=True)
    rank_row = less_row + eqb_row

    rowj = lax.broadcasted_iota(jnp.int32, (BM, BM), 0)
    pm = (jnp.broadcast_to(rank_row, (BM, BM)) ==
          rowj.astype(F32)).astype(F32)
    flat_ref[...] = jnp.dot(pm, pooled, preferred_element_type=F32)


def _stats_call(pooled2, embeddings, cat_2d):
    return pl.pallas_call(
        _stats_body,
        out_shape=(
            jax.ShapeDtypeStruct((C, D), F32),
            jax.ShapeDtypeStruct((BM, P), F32),
            jax.ShapeDtypeStruct((C, 1), jnp.int32),
        ),
    )(pooled2, embeddings, cat_2d)


_NC, _NS = 2, 16
_CHUNK = 64


def _order_body(cat_ref, idx_ref):
    cat_row = cat_ref[...]
    cid = lax.broadcasted_iota(jnp.int32, (C, BM), 0)
    onehot = (jnp.broadcast_to(cat_row, (C, BM)) == cid).astype(F32)
    counts_col = jnp.dot(onehot, jnp.ones((BM, 1), F32),
                         preferred_element_type=F32)
    lessc = jnp.dot((lax.broadcasted_iota(jnp.int32, (C, C), 1) <
                     lax.broadcasted_iota(jnp.int32, (C, C), 0)).astype(F32),
                    counts_col, preferred_element_type=F32)
    less_row = jnp.sum(onehot * lessc, axis=0, keepdims=True)
    u_strict = (lax.broadcasted_iota(jnp.int32, (BM, BM), 0) <
                lax.broadcasted_iota(jnp.int32, (BM, BM), 1)).astype(F32)
    prefix = jnp.dot(onehot, u_strict, preferred_element_type=F32)
    eqb_row = jnp.sum(onehot * prefix, axis=0, keepdims=True)
    rank_row = less_row + eqb_row
    rowj = lax.broadcasted_iota(jnp.int32, (BM, BM), 0)
    pm = (jnp.broadcast_to(rank_row, (BM, BM)) ==
          rowj.astype(F32)).astype(F32)
    rank_b = jnp.dot(
        (lax.broadcasted_iota(jnp.int32, (B, BM), 1) //
         M == lax.broadcasted_iota(jnp.int32, (B, BM), 0)).astype(F32) *
        jnp.broadcast_to(rank_row, (B, BM)),
        (lax.broadcasted_iota(jnp.int32, (BM, M), 0) % M ==
         lax.broadcasted_iota(jnp.int32, (BM, M), 1)).astype(F32),
        preferred_element_type=F32)
    rep_row = (lax.broadcasted_iota(jnp.int32, (BM, B), 0) // M ==
               lax.broadcasted_iota(jnp.int32, (BM, B), 1)).astype(F32)
    rep_col = (lax.broadcasted_iota(jnp.int32, (M, P), 1) // 128 ==
               lax.broadcasted_iota(jnp.int32, (M, P), 0)).astype(F32)
    rank_val = jnp.dot(jnp.dot(rep_row, rank_b, preferred_element_type=F32),
                       rep_col, preferred_element_type=F32)
    w_iota = lax.broadcasted_iota(jnp.int32, (BM, P), 0)
    q_iota = lax.broadcasted_iota(jnp.int32, (BM, P), 1)
    idx_ref[...] = (rank_val.astype(jnp.int32) * P +
                    (w_iota % M) * 128 + q_iota % 128)


def _order_call(cat_2d):
    return pl.pallas_call(
        _order_body,
        out_shape=jax.ShapeDtypeStruct((BM, P), jnp.int32),
    )(cat_2d)


_ROWS = P // M


def _gather_body(idx_hbm, emb_hbm, out_hbm, idx_v, buf, isem, osem):
    wid = lax.axis_index("s") * _NC + lax.axis_index("c")
    pltpu.sync_copy(idx_hbm.at[wid], idx_v)
    base = (wid // M) * P + (wid % M) * _ROWS
    pltpu.async_copy(emb_hbm.at[pl.ds(base, _ROWS)], buf, isem).wait()
    hs = []
    for j in range(M):
        hs.append(pltpu.async_copy(buf, out_hbm.at[idx_v.at[j]], osem))
    for h in hs:
        h.wait()


def _gather_call(idx3d, emb2d):
    mesh = plsc.VectorSubcoreMesh(core_axis_name="c", subcore_axis_name="s")
    fn = pl.kernel(
        _gather_body,
        mesh=mesh,
        out_type=jax.ShapeDtypeStruct((BM * P, D), F32),
        scratch_types=[
            pltpu.VMEM((M, _ROWS), jnp.int32),
            pltpu.VMEM((_ROWS, D), F32),
            pltpu.SemaphoreType.DMA,
            pltpu.SemaphoreType.DMA,
        ],
    )
    return fn(idx3d, emb2d)


def kernel(embeddings, masks, category_ids):
    cat_flat = category_ids.reshape(BM)
    masks_flat = masks.reshape(BM, HW, HW)

    idx3d = _order_call(cat_flat.reshape(1, BM)).reshape(BM, M, _ROWS)
    ref_emb = _gather_call(idx3d, embeddings.reshape(B * P, D))

    pooled = _pool_call(masks_flat).reshape(BM, P)
    masked_ref, flat_sorted, counts_col = _stats_call(
        pooled, embeddings, cat_flat.reshape(1, BM))

    return (masked_ref,
            flat_sorted.reshape(BM * P),
            ref_emb.reshape(BM * P, D),
            counts_col.reshape(C))

# --- scband reference (transcript-rebuilt; emitter-appended) ---
"""Pipeline reference for scband-masked-feature-extractor-25735444038480 (READ-ONLY COPY).

The authoritative reference and input builder live on the scoring server;
editing this copy changes nothing except your own understanding.
"""

import jax, jax.numpy as jnp
import numpy as np

B, M, HW, PATCH, D, C = 4, 8, 512, 16, 768, 8
G = HW // PATCH  # 32 -> 1024 patches
P = G * G


def setup_inputs(seed: int = 0) -> dict:
    key = jax.random.key(seed)
    k1, k2, k3 = jax.random.split(key, 3)
    embeddings = jax.random.normal(k1, (B, P, D), dtype=jnp.float32)
    # binary region masks (rand fill binarized so min-pool produces nontrivial keep patterns)
    masks = (jax.random.uniform(k2, (B, M, HW, HW)) > 0.35).astype(jnp.float32)
    category_ids = jax.random.randint(k3, (B, M), 0, C).astype(jnp.int32)
    return {"embeddings": embeddings, "masks": masks, "category_ids": category_ids}


def reference(embeddings, masks, category_ids):
    # transform: (1 - x) -> maxpool(patch) -> (1 - x)  == min-pool over patch blocks
    # masks are already input_size x input_size, so Resize is identity
    inv = 1.0 - masks
    pooled_inv = jnp.max(inv.reshape(B, M, G, PATCH, G, PATCH), axis=(3, 5))
    pooled = 1.0 - pooled_inv                         # [B, M, G, G]
    pooled_flat = pooled.reshape(B * M, P)            # [BM, P]

    keep = (pooled_flat != 0).astype(embeddings.dtype)  # bool() on pooled mask
    cat_flat = category_ids.reshape(-1)               # [BM]

    # embedding replicated per mask (ref_embeddings appends full embedding per mask)
    emb_per_mask = jnp.broadcast_to(embeddings[:, None], (B, M, P, D)).reshape(B * M, P, D)

    # masked_ref_embeddings: concat kept patches per category, then mean + L2 normalize
    weighted = emb_per_mask * keep[:, :, None]
    sum_per_mask = weighted.sum(axis=1)               # [BM, D]
    cnt_per_mask = keep.sum(axis=1)                   # [BM]
    cat_sum = jax.ops.segment_sum(sum_per_mask, cat_flat, num_segments=C)
    cat_cnt = jax.ops.segment_sum(cnt_per_mask, cat_flat, num_segments=C)
    mean = cat_sum / jnp.maximum(cat_cnt, 1.0)[:, None]
    norm = jnp.linalg.norm(mean, axis=-1, keepdims=True)
    masked_ref = mean / jnp.maximum(norm, 1e-12)      # [C, D]

    # dict-of-lists grouping == stable sort by category id (encounter order preserved)
    order = jnp.argsort(cat_flat)                     # stable
    flat_masks = pooled_flat[order].reshape(-1)       # concat of flattened pooled masks, category-grouped
    ref_emb = emb_per_mask[order].reshape(B * M * P, D)  # concat of full embeddings, category-grouped
    counts = jnp.bincount(cat_flat, length=C)         # masks per category (delimits ragged groups)
    return masked_ref, flat_masks, ref_emb, counts

if __name__ == "__main__":
    import jax
    _d = setup_inputs()
    print(jax.jit(kernel)(*tuple(_d.values())))

</pallas_src>

<mosaic_0001>
#map = affine_map<(d0, d1) -> (0, 0, 0)>
#map1 = affine_map<(d0, d1) -> (0, 0)>
module attributes {stable_mosaic.version = 14 : i64} {
  func.func @_gather_body(%arg0: i32, %arg1: i32, %arg2: memref<32x8x128xi32, #tpu.memory_space<hbm>>, %arg3: memref<4096x768xf32, #tpu.memory_space<hbm>>, %arg4: memref<32768x768xf32, #tpu.memory_space<hbm>>, %arg5: memref<8x128xi32, #tpu.memory_space<vmem>>, %arg6: memref<128x768xf32, #tpu.memory_space<vmem>>, %arg7: memref<!tpu.dma_semaphore, #tpu.memory_space<semaphore_mem>>, %arg8: memref<!tpu.dma_semaphore, #tpu.memory_space<semaphore_mem>>) attributes {dimension_semantics = [#tpu.dimension_semantics<core_parallel>, #tpu.dimension_semantics<subcore_parallel>], iteration_bounds = array<i64: 2, 16>, scalar_prefetch = 0 : i64, scratch_operands = 4 : i64, tpu.core_type = #tpu.core_type<sc_vector_subcore>, window_params = [{transform_indices = #map}, {transform_indices = #map1}, {transform_indices = #map1}]} {
    %mul3A = arith.constant 2 : i32
    %mul3A_0 = arith.muli %arg1, %mul3A : i32
    %add3A = arith.addi %mul3A_0, %arg0 : i32
    "tpu.region"() ({
      %run_scoped3A = tpu.sem_alloc : memref<!tpu.dma_semaphore, #tpu.memory_space<semaphore_mem>>
      %dma_start3A_154 = arith.constant 0 : i32
      %dma_start3A_155 = arith.constant 0 : i32
      %dma_start3A_156 = tpu.memref_slice %arg2[%add3A, %dma_start3A_154, %dma_start3A_155] : memref<32x8x128xi32, #tpu.memory_space<hbm>> -> memref<1x8x128xi32, #tpu.memory_space<hbm>>
      %dma_start3A_157 = tpu.memref_squeeze %dma_start3A_156 : memref<1x8x128xi32, #tpu.memory_space<hbm>> -> memref<8x128xi32, #tpu.memory_space<hbm>>
      %dma_start3A_158 = arith.constant 0 : i32
      %dma_start3A_159 = arith.constant 0 : i32
      %dma_start3A_160 = tpu.memref_slice %arg2[%add3A, %dma_start3A_158, %dma_start3A_159] : memref<32x8x128xi32, #tpu.memory_space<hbm>> -> memref<1x8x128xi32, #tpu.memory_space<hbm>>
      %dma_start3A_161 = tpu.memref_squeeze %dma_start3A_160 : memref<1x8x128xi32, #tpu.memory_space<hbm>> -> memref<8x128xi32, #tpu.memory_space<hbm>>
      tpu.enqueue_dma source(%dma_start3A_161 : memref<8x128xi32, #tpu.memory_space<hbm>>) target(%arg5 : memref<8x128xi32, #tpu.memory_space<vmem>>) target_semaphore(%run_scoped3A : memref<!tpu.dma_semaphore, #tpu.memory_space<semaphore_mem>>)
      %dma_wait3A_162 = arith.constant 0 : i32
      %dma_wait3A_163 = arith.constant 0 : i32
      %dma_wait3A_164 = tpu.memref_slice %arg2[%add3A, %dma_wait3A_162, %dma_wait3A_163] : memref<32x8x128xi32, #tpu.memory_space<hbm>> -> memref<1x8x128xi32, #tpu.memory_space<hbm>>
      %dma_wait3A_165 = tpu.memref_squeeze %dma_wait3A_164 : memref<1x8x128xi32, #tpu.memory_space<hbm>> -> memref<8x128xi32, #tpu.memory_space<hbm>>
      %dma_wait3A_166 = arith.constant 0 : i32
      %dma_wait3A_167 = arith.constant 0 : i32
      %dma_wait3A_168 = tpu.memref_slice %arg2[%add3A, %dma_wait3A_166, %dma_wait3A_167] : memref<32x8x128xi32, #tpu.memory_space<hbm>> -> memref<1x8x128xi32, #tpu.memory_space<hbm>>
      %dma_wait3A_169 = tpu.memref_squeeze %dma_wait3A_168 : memref<1x8x128xi32, #tpu.memory_space<hbm>> -> memref<8x128xi32, #tpu.memory_space<hbm>>
      tpu.wait_dma2 semaphore(%run_scoped3A : memref<!tpu.dma_semaphore, #tpu.memory_space<semaphore_mem>>) src(%dma_wait3A_169 : memref<8x128xi32, #tpu.memory_space<hbm>>) dst(%arg5 : memref<8x128xi32, #tpu.memory_space<vmem>>)
      tpu.yield
    }) : () -> ()
    %jit3A = arith.constant 8 : i32
    %div3A = arith.divsi %add3A, %jit3A : i32
    %sign3A = arith.constant 0 : i32
    %sign3A_1 = arith.cmpi sgt, %add3A, %sign3A : i32
    %sign3A_2 = arith.extui %sign3A_1 : i1 to i32
    %sign3A_3 = arith.constant 0 : i32
    %sign3A_4 = arith.cmpi slt, %add3A, %sign3A_3 : i32
    %sign3A_5 = arith.extui %sign3A_4 : i1 to i32
    %sign3A_6 = arith.subi %sign3A_2, %sign3A_5 : i32
    %sign3A_7 = arith.constant 0 : i32
    %sign3A_8 = arith.cmpi sgt, %jit3A, %sign3A_7 : i32
    %sign3A_9 = arith.extui %sign3A_8 : i1 to i32
    %sign3A_10 = arith.constant 0 : i32
    %sign3A_11 = arith.cmpi slt, %jit3A, %sign3A_10 : i32
    %sign3A_12 = arith.extui %sign3A_11 : i1 to i32
    %sign3A_13 = arith.subi %sign3A_9, %sign3A_12 : i32
    %ne3A = arith.cmpi ne, %sign3A_6, %sign3A_13 : i32
    %rem3A = arith.remsi %add3A, %jit3A : i32
    %ne3A_14 = arith.constant 0 : i32
    %ne3A_15 = arith.cmpi ne, %rem3A, %ne3A_14 : i32
    %and3A = arith.andi %ne3A, %ne3A_15 : i1
    %sub3A = arith.constant 1 : i32
    %sub3A_16 = arith.subi %div3A, %sub3A : i32
    %select_n3A = arith.select %and3A, %sub3A_16, %div3A : i32
    %mul3A_17 = arith.constant 1024 : i32
    %mul3A_18 = arith.muli %select_n3A, %mul3A_17 : i32
    %jit3A_19 = arith.constant 8 : i32
    %eq3A = arith.constant 0 : i32
    %eq3A_20 = arith.cmpi eq, %jit3A_19, %eq3A : i32
    %jit3A_21 = arith.constant 1 : i32
    %select_n3A_22 = arith.select %eq3A_20, %jit3A_21, %jit3A_19 : i32
    %rem3A_23 = arith.remsi %add3A, %select_n3A_22 : i32
    %ne3A_24 = arith.constant 0 : i32
    %ne3A_25 = arith.cmpi ne, %rem3A_23, %ne3A_24 : i32
    %lt3A = arith.constant 0 : i32
    %lt3A_26 = arith.cmpi slt, %rem3A_23, %lt3A : i32
    %lt3A_27 = arith.constant 0 : i32
    %lt3A_28 = arith.cmpi slt, %select_n3A_22, %lt3A_27 : i32
    %ne3A_29 = arith.xori %lt3A_26, %lt3A_28 : i1
    %and3A_30 = arith.andi %ne3A_29, %ne3A_25 : i1
    %add3A_31 = arith.addi %rem3A_23, %select_n3A_22 : i32
    %select_n3A_32 = arith.select %and3A_30, %add3A_31, %rem3A_23 : i32
    %mul3A_33 = arith.constant 128 : i32
    %mul3A_34 = arith.muli %select_n3A_32, %mul3A_33 : i32
    %add3A_35 = arith.addi %mul3A_18, %mul3A_34 : i32
    %dma_start3A = arith.constant 0 : i32
    %dma_start3A_36 = tpu.memref_slice %arg3[%add3A_35, %dma_start3A] : memref<4096x768xf32, #tpu.memory_space<hbm>> -> memref<128x768xf32, #tpu.memory_space<hbm>>
    %dma_start3A_37 = arith.constant 0 : i32
    %dma_start3A_38 = tpu.memref_slice %arg3[%add3A_35, %dma_start3A_37] : memref<4096x768xf32, #tpu.memory_space<hbm>> -> memref<128x768xf32, #tpu.memory_space<hbm>>
    tpu.enqueue_dma source(%dma_start3A_38 : memref<128x768xf32, #tpu.memory_space<hbm>>) target(%arg6 : memref<128x768xf32, #tpu.memory_space<vmem>>) target_semaphore(%arg7 : memref<!tpu.dma_semaphore, #tpu.memory_space<semaphore_mem>>)
    %dma_wait3A = arith.constant 0 : i32
    %dma_wait3A_39 = tpu.memref_slice %arg3[%add3A_35, %dma_wait3A] : memref<4096x768xf32, #tpu.memory_space<hbm>> -> memref<128x768xf32, #tpu.memory_space<hbm>>
    %dma_wait3A_40 = arith.constant 0 : i32
    %dma_wait3A_41 = tpu.memref_slice %arg3[%add3A_35, %dma_wait3A_40] : memref<4096x768xf32, #tpu.memory_space<hbm>> -> memref<128x768xf32, #tpu.memory_space<hbm>>
    tpu.wait_dma2 semaphore(%arg7 : memref<!tpu.dma_semaphore, #tpu.memory_space<semaphore_mem>>) src(%dma_wait3A_41 : memref<128x768xf32, #tpu.memory_space<hbm>>) dst(%arg6 : memref<128x768xf32, #tpu.memory_space<vmem>>)
    %dma_start3A_42 = arith.constant 0 : i32
    %dma_start3A_43 = arith.constant 0 : i32
    %dma_start3A_44 = tpu.memref_slice %arg5[%dma_start3A_42, %dma_start3A_43] : memref<8x128xi32, #tpu.memory_space<vmem>> -> memref<1x128xi32, #tpu.memory_space<vmem>>
    %dma_start3A_45 = tpu.memref_squeeze %dma_start3A_44 : memref<1x128xi32, #tpu.memory_space<vmem>> -> memref<128xi32, #tpu.memory_space<vmem>>
    %dma_start3A_46 = arith.constant 0 : i32
    %dma_start3A_47 = arith.constant 0 : i32
    %dma_start3A_48 = tpu.memref_slice %arg4[%dma_start3A_46, %dma_start3A_47] : memref<32768x768xf32, #tpu.memory_space<hbm>> -> memref<32768x768xf32, #tpu.memory_space<hbm>>
    tpu.enqueue_indirect_dma source(%arg6 : memref<128x768xf32, #tpu.memory_space<vmem>>) target(%dma_start3A_48 : memref<32768x768xf32, #tpu.memory_space<hbm>>) offsets(%dma_start3A_45 : memref<128xi32, #tpu.memory_space<vmem>>) semaphore(%arg8 : memref<!tpu.dma_semaphore, #tpu.memory_space<semaphore_mem>>)
    %dma_start3A_49 = arith.constant 1 : i32
    %dma_start3A_50 = arith.constant 0 : i32
    %dma_start3A_51 = tpu.memref_slice %arg5[%dma_start3A_49, %dma_start3A_50] : memref<8x128xi32, #tpu.memory_space<vmem>> -> memref<1x128xi32, #tpu.memory_space<vmem>>
    %dma_start3A_52 = tpu.memref_squeeze %dma_start3A_51 : memref<1x128xi32, #tpu.memory_space<vmem>> -> memref<128xi32, #tpu.memory_space<vmem>>
    %dma_start3A_53 = arith.constant 0 : i32
    %dma_start3A_54 = arith.constant 0 : i32
    %dma_start3A_55 = tpu.memref_slice %arg4[%dma_start3A_53, %dma_start3A_54] : memref<32768x768xf32, #tpu.memory_space<hbm>> -> memref<32768x768xf32, #tpu.memory_space<hbm>>
    tpu.enqueue_indirect_dma source(%arg6 : memref<128x768xf32, #tpu.memory_space<vmem>>) target(%dma_start3A_55 : memref<32768x768xf32, #tpu.memory_space<hbm>>) offsets(%dma_start3A_52 : memref<128xi32, #tpu.memory_space<vmem>>) semaphore(%arg8 : memref<!tpu.dma_semaphore, #tpu.memory_space<semaphore_mem>>)
    %dma_start3A_56 = arith.constant 2 : i32
    %dma_start3A_57 = arith.constant 0 : i32
    %dma_start3A_58 = tpu.memref_slice %arg5[%dma_start3A_56, %dma_start3A_57] : memref<8x128xi32, #tpu.memory_space<vmem>> -> memref<1x128xi32, #tpu.memory_space<vmem>>
    %dma_start3A_59 = tpu.memref_squeeze %dma_start3A_58 : memref<1x128xi32, #tpu.memory_space<vmem>> -> memref<128xi32, #tpu.memory_space<vmem>>
    %dma_start3A_60 = arith.constant 0 : i32
    %dma_start3A_61 = arith.constant 0 : i32
    %dma_start3A_62 = tpu.memref_slice %arg4[%dma_start3A_60, %dma_start3A_61] : memref<32768x768xf32, #tpu.memory_space<hbm>> -> memref<32768x768xf32, #tpu.memory_space<hbm>>
    tpu.enqueue_indirect_dma source(%arg6 : memref<128x768xf32, #tpu.memory_space<vmem>>) target(%dma_start3A_62 : memref<32768x768xf32, #tpu.memory_space<hbm>>) offsets(%dma_start3A_59 : memref<128xi32, #tpu.memory_space<vmem>>) semaphore(%arg8 : memref<!tpu.dma_semaphore, #tpu.memory_space<semaphore_mem>>)
    %dma_start3A_63 = arith.constant 3 : i32
    %dma_start3A_64 = arith.constant 0 : i32
    %dma_start3A_65 = tpu.memref_slice %arg5[%dma_start3A_63, %dma_start3A_64] : memref<8x128xi32, #tpu.memory_space<vmem>> -> memref<1x128xi32, #tpu.memory_space<vmem>>
    %dma_start3A_66 = tpu.memref_squeeze %dma_start3A_65 : memref<1x128xi32, #tpu.memory_space<vmem>> -> memref<128xi32, #tpu.memory_space<vmem>>
    %dma_start3A_67 = arith.constant 0 : i32
    %dma_start3A_68 = arith.constant 0 : i32
    %dma_start3A_69 = tpu.memref_slice %arg4[%dma_start3A_67, %dma_start3A_68] : memref<32768x768xf32, #tpu.memory_space<hbm>> -> memref<32768x768xf32, #tpu.memory_space<hbm>>
    tpu.enqueue_indirect_dma source(%arg6 : memref<128x768xf32, #tpu.memory_space<vmem>>) target(%dma_start3A_69 : memref<32768x768xf32, #tpu.memory_space<hbm>>) offsets(%dma_start3A_66 : memref<128xi32, #tpu.memory_space<vmem>>) semaphore(%arg8 : memref<!tpu.dma_semaphore, #tpu.memory_space<semaphore_mem>>)
    %dma_start3A_70 = arith.constant 4 : i32
    %dma_start3A_71 = arith.constant 0 : i32
    %dma_start3A_72 = tpu.memref_slice %arg5[%dma_start3A_70, %dma_start3A_71] : memref<8x128xi32, #tpu.memory_space<vmem>> -> memref<1x128xi32, #tpu.memory_space<vmem>>
    %dma_start3A_73 = tpu.memref_squeeze %dma_start3A_72 : memref<1x128xi32, #tpu.memory_space<vmem>> -> memref<128xi32, #tpu.memory_space<vmem>>
    %dma_start3A_74 = arith.constant 0 : i32
    %dma_start3A_75 = arith.constant 0 : i32
    %dma_start3A_76 = tpu.memref_slice %arg4[%dma_start3A_74, %dma_start3A_75] : memref<32768x768xf32, #tpu.memory_space<hbm>> -> memref<32768x768xf32, #tpu.memory_space<hbm>>
    tpu.enqueue_indirect_dma source(%arg6 : memref<128x768xf32, #tpu.memory_space<vmem>>) target(%dma_start3A_76 : memref<32768x768xf32, #tpu.memory_space<hbm>>) offsets(%dma_start3A_73 : memref<128xi32, #tpu.memory_space<vmem>>) semaphore(%arg8 : memref<!tpu.dma_semaphore, #tpu.memory_space<semaphore_mem>>)
    %dma_start3A_77 = arith.constant 5 : i32
    %dma_start3A_78 = arith.constant 0 : i32
    %dma_start3A_79 = tpu.memref_slice %arg5[%dma_start3A_77, %dma_start3A_78] : memref<8x128xi32, #tpu.memory_space<vmem>> -> memref<1x128xi32, #tpu.memory_space<vmem>>
    %dma_start3A_80 = tpu.memref_squeeze %dma_start3A_79 : memref<1x128xi32, #tpu.memory_space<vmem>> -> memref<128xi32, #tpu.memory_space<vmem>>
    %dma_start3A_81 = arith.constant 0 : i32
    %dma_start3A_82 = arith.constant 0 : i32
    %dma_start3A_83 = tpu.memref_slice %arg4[%dma_start3A_81, %dma_start3A_82] : memref<32768x768xf32, #tpu.memory_space<hbm>> -> memref<32768x768xf32, #tpu.memory_space<hbm>>
    tpu.enqueue_indirect_dma source(%arg6 : memref<128x768xf32, #tpu.memory_space<vmem>>) target(%dma_start3A_83 : memref<32768x768xf32, #tpu.memory_space<hbm>>) offsets(%dma_start3A_80 : memref<128xi32, #tpu.memory_space<vmem>>) semaphore(%arg8 : memref<!tpu.dma_semaphore, #tpu.memory_space<semaphore_mem>>)
    %dma_start3A_84 = arith.constant 6 : i32
    %dma_start3A_85 = arith.constant 0 : i32
    %dma_start3A_86 = tpu.memref_slice %arg5[%dma_start3A_84, %dma_start3A_85] : memref<8x128xi32, #tpu.memory_space<vmem>> -> memref<1x128xi32, #tpu.memory_space<vmem>>
    %dma_start3A_87 = tpu.memref_squeeze %dma_start3A_86 : memref<1x128xi32, #tpu.memory_space<vmem>> -> memref<128xi32, #tpu.memory_space<vmem>>
    %dma_start3A_88 = arith.constant 0 : i32
    %dma_start3A_89 = arith.constant 0 : i32
    %dma_start3A_90 = tpu.memref_slice %arg4[%dma_start3A_88, %dma_start3A_89] : memref<32768x768xf32, #tpu.memory_space<hbm>> -> memref<32768x768xf32, #tpu.memory_space<hbm>>
    tpu.enqueue_indirect_dma source(%arg6 : memref<128x768xf32, #tpu.memory_space<vmem>>) target(%dma_start3A_90 : memref<32768x768xf32, #tpu.memory_space<hbm>>) offsets(%dma_start3A_87 : memref<128xi32, #tpu.memory_space<vmem>>) semaphore(%arg8 : memref<!tpu.dma_semaphore, #tpu.memory_space<semaphore_mem>>)
    %dma_start3A_91 = arith.constant 7 : i32
    %dma_start3A_92 = arith.constant 0 : i32
    %dma_start3A_93 = tpu.memref_slice %arg5[%dma_start3A_91, %dma_start3A_92] : memref<8x128xi32, #tpu.memory_space<vmem>> -> memref<1x128xi32, #tpu.memory_space<vmem>>
    %dma_start3A_94 = tpu.memref_squeeze %dma_start3A_93 : memref<1x128xi32, #tpu.memory_space<vmem>> -> memref<128xi32, #tpu.memory_space<vmem>>
    %dma_start3A_95 = arith.constant 0 : i32
    %dma_start3A_96 = arith.constant 0 : i32
    %dma_start3A_97 = tpu.memref_slice %arg4[%dma_start3A_95, %dma_start3A_96] : memref<32768x768xf32, #tpu.memory_space<hbm>> -> memref<32768x768xf32, #tpu.memory_space<hbm>>
    tpu.enqueue_indirect_dma source(%arg6 : memref<128x768xf32, #tpu.memory_space<vmem>>) target(%dma_start3A_97 : memref<32768x768xf32, #tpu.memory_space<hbm>>) offsets(%dma_start3A_94 : memref<128xi32, #tpu.memory_space<vmem>>) semaphore(%arg8 : memref<!tpu.dma_semaphore, #tpu.memory_space<semaphore_mem>>)
    %dma_wait3A_98 = arith.constant 0 : i32
    %dma_wait3A_99 = arith.constant 0 : i32
    %dma_wait3A_100 = tpu.memref_slice %arg5[%dma_wait3A_98, %dma_wait3A_99] : memref<8x128xi32, #tpu.memory_space<vmem>> -> memref<1x128xi32, #tpu.memory_space<vmem>>
    %dma_wait3A_101 = tpu.memref_squeeze %dma_wait3A_100 : memref<1x128xi32, #tpu.memory_space<vmem>> -> memref<128xi32, #tpu.memory_space<vmem>>
    %dma_wait3A_102 = arith.constant 0 : i32
    %dma_wait3A_103 = arith.constant 0 : i32
    %dma_wait3A_104 = tpu.memref_slice %arg4[%dma_wait3A_102, %dma_wait3A_103] : memref<32768x768xf32, #tpu.memory_space<hbm>> -> memref<32768x768xf32, #tpu.memory_space<hbm>>
    tpu.wait_indirect_dma semaphore(%arg8 : memref<!tpu.dma_semaphore, #tpu.memory_space<semaphore_mem>>) src(%arg6 : memref<128x768xf32, #tpu.memory_space<vmem>>) dst(%dma_wait3A_104 : memref<32768x768xf32, #tpu.memory_space<hbm>>)
    %dma_wait3A_105 = arith.constant 1 : i32
    %dma_wait3A_106 = arith.constant 0 : i32
    %dma_wait3A_107 = tpu.memref_slice %arg5[%dma_wait3A_105, %dma_wait3A_106] : memref<8x128xi32, #tpu.memory_space<vmem>> -> memref<1x128xi32, #tpu.memory_space<vmem>>
    %dma_wait3A_108 = tpu.memref_squeeze %dma_wait3A_107 : memref<1x128xi32, #tpu.memory_space<vmem>> -> memref<128xi32, #tpu.memory_space<vmem>>
    %dma_wait3A_109 = arith.constant 0 : i32
    %dma_wait3A_110 = arith.constant 0 : i32
    %dma_wait3A_111 = tpu.memref_slice %arg4[%dma_wait3A_109, %dma_wait3A_110] : memref<32768x768xf32, #tpu.memory_space<hbm>> -> memref<32768x768xf32, #tpu.memory_space<hbm>>
    tpu.wait_indirect_dma semaphore(%arg8 : memref<!tpu.dma_semaphore, #tpu.memory_space<semaphore_mem>>) src(%arg6 : memref<128x768xf32, #tpu.memory_space<vmem>>) dst(%dma_wait3A_111 : memref<32768x768xf32, #tpu.memory_space<hbm>>)
    %dma_wait3A_112 = arith.constant 2 : i32
    %dma_wait3A_113 = arith.constant 0 : i32
    %dma_wait3A_114 = tpu.memref_slice %arg5[%dma_wait3A_112, %dma_wait3A_113] : memref<8x128xi32, #tpu.memory_space<vmem>> -> memref<1x128xi32, #tpu.memory_space<vmem>>
    %dma_wait3A_115 = tpu.memref_squeeze %dma_wait3A_114 : memref<1x128xi32, #tpu.memory_space<vmem>> -> memref<128xi32, #tpu.memory_space<vmem>>
    %dma_wait3A_116 = arith.constant 0 : i32
    %dma_wait3A_117 = arith.constant 0 : i32
    %dma_wait3A_118 = tpu.memref_slice %arg4[%dma_wait3A_116, %dma_wait3A_117] : memref<32768x768xf32, #tpu.memory_space<hbm>> -> memref<32768x768xf32, #tpu.memory_space<hbm>>
    tpu.wait_indirect_dma semaphore(%arg8 : memref<!tpu.dma_semaphore, #tpu.memory_space<semaphore_mem>>) src(%arg6 : memref<128x768xf32, #tpu.memory_space<vmem>>) dst(%dma_wait3A_118 : memref<32768x768xf32, #tpu.memory_space<hbm>>)
    %dma_wait3A_119 = arith.constant 3 : i32
    %dma_wait3A_120 = arith.constant 0 : i32
    %dma_wait3A_121 = tpu.memref_slice %arg5[%dma_wait3A_119, %dma_wait3A_120] : memref<8x128xi32, #tpu.memory_space<vmem>> -> memref<1x128xi32, #tpu.memory_space<vmem>>
    %dma_wait3A_122 = tpu.memref_squeeze %dma_wait3A_121 : memref<1x128xi32, #tpu.memory_space<vmem>> -> memref<128xi32, #tpu.memory_space<vmem>>
    %dma_wait3A_123 = arith.constant 0 : i32
    %dma_wait3A_124 = arith.constant 0 : i32
    %dma_wait3A_125 = tpu.memref_slice %arg4[%dma_wait3A_123, %dma_wait3A_124] : memref<32768x768xf32, #tpu.memory_space<hbm>> -> memref<32768x768xf32, #tpu.memory_space<hbm>>
    tpu.wait_indirect_dma semaphore(%arg8 : memref<!tpu.dma_semaphore, #tpu.memory_space<semaphore_mem>>) src(%arg6 : memref<128x768xf32, #tpu.memory_space<vmem>>) dst(%dma_wait3A_125 : memref<32768x768xf32, #tpu.memory_space<hbm>>)
    %dma_wait3A_126 = arith.constant 4 : i32
    %dma_wait3A_127 = arith.constant 0 : i32
    %dma_wait3A_128 = tpu.memref_slice %arg5[%dma_wait3A_126, %dma_wait3A_127] : memref<8x128xi32, #tpu.memory_space<vmem>> -> memref<1x128xi32, #tpu.memory_space<vmem>>
    %dma_wait3A_129 = tpu.memref_squeeze %dma_wait3A_128 : memref<1x128xi32, #tpu.memory_space<vmem>> -> memref<128xi32, #tpu.memory_space<vmem>>
    %dma_wait3A_130 = arith.constant 0 : i32
    %dma_wait3A_131 = arith.constant 0 : i32
    %dma_wait3A_132 = tpu.memref_slice %arg4[%dma_wait3A_130, %dma_wait3A_131] : memref<32768x768xf32, #tpu.memory_space<hbm>> -> memref<32768x768xf32, #tpu.memory_space<hbm>>
    tpu.wait_indirect_dma semaphore(%arg8 : memref<!tpu.dma_semaphore, #tpu.memory_space<semaphore_mem>>) src(%arg6 : memref<128x768xf32, #tpu.memory_space<vmem>>) dst(%dma_wait3A_132 : memref<32768x768xf32, #tpu.memory_space<hbm>>)
    %dma_wait3A_133 = arith.constant 5 : i32
    %dma_wait3A_134 = arith.constant 0 : i32
    %dma_wait3A_135 = tpu.memref_slice %arg5[%dma_wait3A_133, %dma_wait3A_134] : memref<8x128xi32, #tpu.memory_space<vmem>> -> memref<1x128xi32, #tpu.memory_space<vmem>>
    %dma_wait3A_136 = tpu.memref_squeeze %dma_wait3A_135 : memref<1x128xi32, #tpu.memory_space<vmem>> -> memref<128xi32, #tpu.memory_space<vmem>>
    %dma_wait3A_137 = arith.constant 0 : i32
    %dma_wait3A_138 = arith.constant 0 : i32
    %dma_wait3A_139 = tpu.memref_slice %arg4[%dma_wait3A_137, %dma_wait3A_138] : memref<32768x768xf32, #tpu.memory_space<hbm>> -> memref<32768x768xf32, #tpu.memory_space<hbm>>
    tpu.wait_indirect_dma semaphore(%arg8 : memref<!tpu.dma_semaphore, #tpu.memory_space<semaphore_mem>>) src(%arg6 : memref<128x768xf32, #tpu.memory_space<vmem>>) dst(%dma_wait3A_139 : memref<32768x768xf32, #tpu.memory_space<hbm>>)
    %dma_wait3A_140 = arith.constant 6 : i32
    %dma_wait3A_141 = arith.constant 0 : i32
    %dma_wait3A_142 = tpu.memref_slice %arg5[%dma_wait3A_140, %dma_wait3A_141] : memref<8x128xi32, #tpu.memory_space<vmem>> -> memref<1x128xi32, #tpu.memory_space<vmem>>
    %dma_wait3A_143 = tpu.memref_squeeze %dma_wait3A_142 : memref<1x128xi32, #tpu.memory_space<vmem>> -> memref<128xi32, #tpu.memory_space<vmem>>
    %dma_wait3A_144 = arith.constant 0 : i32
    %dma_wait3A_145 = arith.constant 0 : i32
    %dma_wait3A_146 = tpu.memref_slice %arg4[%dma_wait3A_144, %dma_wait3A_145] : memref<32768x768xf32, #tpu.memory_space<hbm>> -> memref<32768x768xf32, #tpu.memory_space<hbm>>
    tpu.wait_indirect_dma semaphore(%arg8 : memref<!tpu.dma_semaphore, #tpu.memory_space<semaphore_mem>>) src(%arg6 : memref<128x768xf32, #tpu.memory_space<vmem>>) dst(%dma_wait3A_146 : memref<32768x768xf32, #tpu.memory_space<hbm>>)
    %dma_wait3A_147 = arith.constant 7 : i32
    %dma_wait3A_148 = arith.constant 0 : i32
    %dma_wait3A_149 = tpu.memref_slice %arg5[%dma_wait3A_147, %dma_wait3A_148] : memref<8x128xi32, #tpu.memory_space<vmem>> -> memref<1x128xi32, #tpu.memory_space<vmem>>
    %dma_wait3A_150 = tpu.memref_squeeze %dma_wait3A_149 : memref<1x128xi32, #tpu.memory_space<vmem>> -> memref<128xi32, #tpu.memory_space<vmem>>
    %dma_wait3A_151 = arith.constant 0 : i32
    %dma_wait3A_152 = arith.constant 0 : i32
    %dma_wait3A_153 = tpu.memref_slice %arg4[%dma_wait3A_151, %dma_wait3A_152] : memref<32768x768xf32, #tpu.memory_space<hbm>> -> memref<32768x768xf32, #tpu.memory_space<hbm>>
    tpu.wait_indirect_dma semaphore(%arg8 : memref<!tpu.dma_semaphore, #tpu.memory_space<semaphore_mem>>) src(%arg6 : memref<128x768xf32, #tpu.memory_space<vmem>>) dst(%dma_wait3A_153 : memref<32768x768xf32, #tpu.memory_space<hbm>>)
    return
  }
}

module attributes {stable_mosaic.version = 14 : i64} {
  func.func @_order_body(%arg0: memref<1x32xi32, #tpu.memory_space<vmem>>, %arg1: memref<32x1024xi32, #tpu.memory_space<vmem>>) attributes {dimension_semantics = [], scalar_prefetch = 0 : i64, scratch_operands = 0 : i64, tpu.core_type = #tpu.core_type<tc>} {
    %get3A = arith.constant 0 : index
    %get3A_0 = arith.constant 0 : index
    %get3A_1 = vector.load %arg0[%get3A, %get3A_0] : memref<1x32xi32, #tpu.memory_space<vmem>>, vector<1x32xi32>
    %iota3A = tpu.iota {dimensions = array<i32: 0>} : vector<8x32xi32>
    %broadcast_in_dim3A = vector.shape_cast %get3A_1 : vector<1x32xi32> to vector<1x32xi32>
    %broadcast_in_dim3A_2 = vector.broadcast %broadcast_in_dim3A : vector<1x32xi32> to vector<8x32xi32>
    %eq3A = arith.cmpi eq, %broadcast_in_dim3A_2, %iota3A : vector<8x32xi32>
    %convert_element_type3A = arith.extui %eq3A : vector<8x32xi1> to vector<8x32xi32>
    %convert_element_type3A_3 = arith.sitofp %convert_element_type3A : vector<8x32xi32> to vector<8x32xf32>
    %broadcast_in_dim3A_4 = arith.constant 1.000000e+00 : f32
    %broadcast_in_dim3A_5 = vector.broadcast %broadcast_in_dim3A_4 : f32 to vector<32x1xf32>
    %dot_general3A = arith.constant dense<0.000000e+00> : vector<8x1xf32>
    %dot_general3A_6 = tpu.matmul %convert_element_type3A_3, %broadcast_in_dim3A_5, %dot_general3A {dimension_numbers = #tpu.dot_dimension_numbers<[1], [0], [0], [1], [0, 0, 1, 1], [], []>, transpose_lhs_hint = false} : vector<8x32xf32>, vector<32x1xf32>, vector<8x1xf32> -> vector<8x1xf32>
    %iota3A_7 = tpu.iota {dimensions = array<i32: 1>} : vector<8x8xi32>
    %iota3A_8 = tpu.iota {dimensions = array<i32: 0>} : vector<8x8xi32>
    %lt3A = arith.cmpi slt, %iota3A_7, %iota3A_8 : vector<8x8xi32>
    %convert_element_type3A_9 = arith.extui %lt3A : vector<8x8xi1> to vector<8x8xi32>
    %convert_element_type3A_10 = arith.sitofp %convert_element_type3A_9 : vector<8x8xi32> to vector<8x8xf32>
    %dot_general3A_11 = arith.constant dense<0.000000e+00> : vector<8x1xf32>
    %dot_general3A_12 = tpu.matmul %convert_element_type3A_10, %dot_general3A_6, %dot_general3A_11 {dimension_numbers = #tpu.dot_dimension_numbers<[1], [0], [0], [1], [0, 0, 1, 1], [], []>, transpose_lhs_hint = false} : vector<8x8xf32>, vector<8x1xf32>, vector<8x1xf32> -> vector<8x1xf32>
    %mul3A = vector.broadcast %dot_general3A_12 : vector<8x1xf32> to vector<8x32xf32>
    %mul3A_13 = arith.mulf %convert_element_type3A_3, %mul3A : vector<8x32xf32>
    %reduce_sum3A = arith.constant dense<0.000000e+00> : vector<32xf32>
    %reduce_sum3A_14 = vector.multi_reduction <add>, %mul3A_13, %reduce_sum3A [0] : vector<8x32xf32> to vector<32xf32>
    %broadcast_in_dim3A_15 = vector.shape_cast %reduce_sum3A_14 : vector<32xf32> to vector<1x32xf32>
    %iota3A_16 = tpu.iota {dimensions = array<i32: 0>} : vector<32x32xi32>
    %iota3A_17 = tpu.iota {dimensions = array<i32: 1>} : vector<32x32xi32>
    %lt3A_18 = arith.cmpi slt, %iota3A_16, %iota3A_17 : vector<32x32xi32>
    %convert_element_type3A_19 = arith.extui %lt3A_18 : vector<32x32xi1> to vector<32x32xi32>
    %convert_element_type3A_20 = arith.sitofp %convert_element_type3A_19 : vector<32x32xi32> to vector<32x32xf32>
    %dot_general3A_21 = arith.constant dense<0.000000e+00> : vector<8x32xf32>
    %dot_general3A_22 = tpu.matmul %convert_element_type3A_3, %convert_element_type3A_20, %dot_general3A_21 {dimension_numbers = #tpu.dot_dimension_numbers<[1], [0], [0], [1], [0, 0, 1, 1], [], []>, transpose_lhs_hint = false} : vector<8x32xf32>, vector<32x32xf32>, vector<8x32xf32> -> vector<8x32xf32>
    %mul3A_23 = arith.mulf %convert_element_type3A_3, %dot_general3A_22 : vector<8x32xf32>
    %reduce_sum3A_24 = arith.constant dense<0.000000e+00> : vector<32xf32>
    %reduce_sum3A_25 = vector.multi_reduction <add>, %mul3A_23, %reduce_sum3A_24 [0] : vector<8x32xf32> to vector<32xf32>
    %broadcast_in_dim3A_26 = vector.shape_cast %reduce_sum3A_25 : vector<32xf32> to vector<1x32xf32>
    %add3A = arith.addf %broadcast_in_dim3A_15, %broadcast_in_dim3A_26 : vector<1x32xf32>
    %iota3A_27 = tpu.iota {dimensions = array<i32: 1>} : vector<4x32xi32>
    %jit3A = arith.constant 8 : i32
    %div3A = vector.broadcast %jit3A : i32 to vector<4x32xi32>
    %div3A_28 = arith.divsi %iota3A_27, %div3A : vector<4x32xi32>
    %sign3A = arith.constant 0 : i32
    %sign3A_29 = vector.broadcast %sign3A : i32 to vector<4x32xi32>
    %sign3A_30 = arith.cmpi sgt, %iota3A_27, %sign3A_29 : vector<4x32xi32>
    %sign3A_31 = arith.extui %sign3A_30 : vector<4x32xi1> to vector<4x32xi32>
    %sign3A_32 = arith.constant 0 : i32
    %sign3A_33 = vector.broadcast %sign3A_32 : i32 to vector<4x32xi32>
    %sign3A_34 = arith.cmpi slt, %iota3A_27, %sign3A_33 : vector<4x32xi32>
    %sign3A_35 = arith.extui %sign3A_34 : vector<4x32xi1> to vector<4x32xi32>
    %sign3A_36 = arith.subi %sign3A_31, %sign3A_35 : vector<4x32xi32>
    %sign3A_37 = arith.constant 0 : i32
    %sign3A_38 = arith.cmpi sgt, %jit3A, %sign3A_37 : i32
    %sign3A_39 = arith.extui %sign3A_38 : i1 to i32
    %sign3A_40 = arith.constant 0 : i32
    %sign3A_41 = arith.cmpi slt, %jit3A, %sign3A_40 : i32
    %sign3A_42 = arith.extui %sign3A_41 : i1 to i32
    %sign3A_43 = arith.subi %sign3A_39, %sign3A_42 : i32
    %ne3A = vector.broadcast %sign3A_43 : i32 to vector<4x32xi32>
    %ne3A_44 = arith.cmpi ne, %sign3A_36, %ne3A : vector<4x32xi32>
    %rem3A = vector.broadcast %jit3A : i32 to vector<4x32xi32>
    %rem3A_45 = arith.remsi %iota3A_27, %rem3A : vector<4x32xi32>
    %ne3A_46 = arith.constant 0 : i32
    %ne3A_47 = vector.broadcast %ne3A_46 : i32 to vector<4x32xi32>
    %ne3A_48 = arith.cmpi ne, %rem3A_45, %ne3A_47 : vector<4x32xi32>
    %and3A = arith.andi %ne3A_44, %ne3A_48 : vector<4x32xi1>
    %sub3A = arith.constant 1 : i32
    %sub3A_49 = vector.broadcast %sub3A : i32 to vector<4x32xi32>
    %sub3A_50 = arith.subi %div3A_28, %sub3A_49 : vector<4x32xi32>
    %select_n3A = arith.select %and3A, %sub3A_50, %div3A_28 : vector<4x32xi1>, vector<4x32xi32>
    %iota3A_51 = tpu.iota {dimensions = array<i32: 0>} : vector<4x32xi32>
    %eq3A_52 = arith.cmpi eq, %select_n3A, %iota3A_51 : vector<4x32xi32>
    %convert_element_type3A_53 = arith.extui %eq3A_52 : vector<4x32xi1> to vector<4x32xi32>
    %convert_element_type3A_54 = arith.sitofp %convert_element_type3A_53 : vector<4x32xi32> to vector<4x32xf32>
    %broadcast_in_dim3A_55 = vector.shape_cast %add3A : vector<1x32xf32> to vector<1x32xf32>
    %broadcast_in_dim3A_56 = vector.broadcast %broadcast_in_dim3A_55 : vector<1x32xf32> to vector<4x32xf32>
    %mul3A_57 = arith.mulf %convert_element_type3A_54, %broadcast_in_dim3A_56 : vector<4x32xf32>
    %iota3A_58 = tpu.iota {dimensions = array<i32: 0>} : vector<32x8xi32>
    %jit3A_59 = arith.constant 8 : i32
    %eq3A_60 = arith.constant 0 : i32
    %eq3A_61 = arith.cmpi eq, %jit3A_59, %eq3A_60 : i32
    %jit3A_62 = arith.constant 1 : i32
    %select_n3A_63 = arith.select %eq3A_61, %jit3A_62, %jit3A_59 : i32
    %rem3A_64 = vector.broadcast %select_n3A_63 : i32 to vector<32x8xi32>
    %rem3A_65 = arith.remsi %iota3A_58, %rem3A_64 : vector<32x8xi32>
    %ne3A_66 = arith.constant 0 : i32
    %ne3A_67 = vector.broadcast %ne3A_66 : i32 to vector<32x8xi32>
    %ne3A_68 = arith.cmpi ne, %rem3A_65, %ne3A_67 : vector<32x8xi32>
    %lt3A_69 = arith.constant 0 : i32
    %lt3A_70 = vector.broadcast %lt3A_69 : i32 to vector<32x8xi32>
    %lt3A_71 = arith.cmpi slt, %rem3A_65, %lt3A_70 : vector<32x8xi32>
    %lt3A_72 = arith.constant 0 : i32
    %lt3A_73 = arith.cmpi slt, %select_n3A_63, %lt3A_72 : i32
    %ne3A_74 = vector.broadcast %lt3A_73 : i1 to vector<32x8xi1>
    %ne3A_75 = vector.broadcast %ne3A_74 : vector<32x8xi1> to vector<32x8xi1>
    %ne3A_76 = arith.xori %lt3A_71, %ne3A_75 : vector<32x8xi1>
    %and3A_77 = arith.andi %ne3A_76, %ne3A_68 : vector<32x8xi1>
    %add3A_78 = vector.broadcast %select_n3A_63 : i32 to vector<32x8xi32>
    %add3A_79 = arith.addi %rem3A_65, %add3A_78 : vector<32x8xi32>
    %select_n3A_80 = arith.select %and3A_77, %add3A_79, %rem3A_65 : vector<32x8xi1>, vector<32x8xi32>
    %iota3A_81 = tpu.iota {dimensions = array<i32: 1>} : vector<32x8xi32>
    %eq3A_82 = arith.cmpi eq, %select_n3A_80, %iota3A_81 : vector<32x8xi32>
    %convert_element_type3A_83 = arith.extui %eq3A_82 : vector<32x8xi1> to vector<32x8xi32>
    %convert_element_type3A_84 = arith.sitofp %convert_element_type3A_83 : vector<32x8xi32> to vector<32x8xf32>
    %dot_general3A_85 = arith.constant dense<0.000000e+00> : vector<4x8xf32>
    %dot_general3A_86 = tpu.matmul %mul3A_57, %convert_element_type3A_84, %dot_general3A_85 {dimension_numbers = #tpu.dot_dimension_numbers<[1], [0], [0], [1], [0, 0, 1, 1], [], []>, transpose_lhs_hint = false} : vector<4x32xf32>, vector<32x8xf32>, vector<4x8xf32> -> vector<4x8xf32>
    %iota3A_87 = tpu.iota {dimensions = array<i32: 0>} : vector<32x4xi32>
    %jit3A_88 = arith.constant 8 : i32
    %div3A_89 = vector.broadcast %jit3A_88 : i32 to vector<32x4xi32>
    %div3A_90 = arith.divsi %iota3A_87, %div3A_89 : vector<32x4xi32>
    %sign3A_91 = arith.constant 0 : i32
    %sign3A_92 = vector.broadcast %sign3A_91 : i32 to vector<32x4xi32>
    %sign3A_93 = arith.cmpi sgt, %iota3A_87, %sign3A_92 : vector<32x4xi32>
    %sign3A_94 = arith.extui %sign3A_93 : vector<32x4xi1> to vector<32x4xi32>
    %sign3A_95 = arith.constant 0 : i32
    %sign3A_96 = vector.broadcast %sign3A_95 : i32 to vector<32x4xi32>
    %sign3A_97 = arith.cmpi slt, %iota3A_87, %sign3A_96 : vector<32x4xi32>
    %sign3A_98 = arith.extui %sign3A_97 : vector<32x4xi1> to vector<32x4xi32>
    %sign3A_99 = arith.subi %sign3A_94, %sign3A_98 : vector<32x4xi32>
    %sign3A_100 = arith.constant 0 : i32
    %sign3A_101 = arith.cmpi sgt, %jit3A_88, %sign3A_100 : i32
    %sign3A_102 = arith.extui %sign3A_101 : i1 to i32
    %sign3A_103 = arith.constant 0 : i32
    %sign3A_104 = arith.cmpi slt, %jit3A_88, %sign3A_103 : i32
    %sign3A_105 = arith.extui %sign3A_104 : i1 to i32
    %sign3A_106 = arith.subi %sign3A_102, %sign3A_105 : i32
    %ne3A_107 = vector.broadcast %sign3A_106 : i32 to vector<32x4xi32>
    %ne3A_108 = arith.cmpi ne, %sign3A_99, %ne3A_107 : vector<32x4xi32>
    %rem3A_109 = vector.broadcast %jit3A_88 : i32 to vector<32x4xi32>
    %rem3A_110 = arith.remsi %iota3A_87, %rem3A_109 : vector<32x4xi32>
    %ne3A_111 = arith.constant 0 : i32
    %ne3A_112 = vector.broadcast %ne3A_111 : i32 to vector<32x4xi32>
    %ne3A_113 = arith.cmpi ne, %rem3A_110, %ne3A_112 : vector<32x4xi32>
    %and3A_114 = arith.andi %ne3A_108, %ne3A_113 : vector<32x4xi1>
    %sub3A_115 = arith.constant 1 : i32
    %sub3A_116 = vector.broadcast %sub3A_115 : i32 to vector<32x4xi32>
    %sub3A_117 = arith.subi %div3A_90, %sub3A_116 : vector<32x4xi32>
    %select_n3A_118 = arith.select %and3A_114, %sub3A_117, %div3A_90 : vector<32x4xi1>, vector<32x4xi32>
    %iota3A_119 = tpu.iota {dimensions = array<i32: 1>} : vector<32x4xi32>
    %eq3A_120 = arith.cmpi eq, %select_n3A_118, %iota3A_119 : vector<32x4xi32>
    %convert_element_type3A_121 = arith.extui %eq3A_120 : vector<32x4xi1> to vector<32x4xi32>
    %convert_element_type3A_122 = arith.sitofp %convert_element_type3A_121 : vector<32x4xi32> to vector<32x4xf32>
    %iota3A_123 = tpu.iota {dimensions = array<i32: 1>} : vector<8x1024xi32>
    %jit3A_124 = arith.constant 128 : i32
    %div3A_125 = vector.broadcast %jit3A_124 : i32 to vector<8x1024xi32>
    %div3A_126 = arith.divsi %iota3A_123, %div3A_125 : vector<8x1024xi32>
    %sign3A_127 = arith.constant 0 : i32
    %sign3A_128 = vector.broadcast %sign3A_127 : i32 to vector<8x1024xi32>
    %sign3A_129 = arith.cmpi sgt, %iota3A_123, %sign3A_128 : vector<8x1024xi32>
    %sign3A_130 = arith.extui %sign3A_129 : vector<8x1024xi1> to vector<8x1024xi32>
    %sign3A_131 = arith.constant 0 : i32
    %sign3A_132 = vector.broadcast %sign3A_131 : i32 to vector<8x1024xi32>
    %sign3A_133 = arith.cmpi slt, %iota3A_123, %sign3A_132 : vector<8x1024xi32>
    %sign3A_134 = arith.extui %sign3A_133 : vector<8x1024xi1> to vector<8x1024xi32>
    %sign3A_135 = arith.subi %sign3A_130, %sign3A_134 : vector<8x1024xi32>
    %sign3A_136 = arith.constant 0 : i32
    %sign3A_137 = arith.cmpi sgt, %jit3A_124, %sign3A_136 : i32
    %sign3A_138 = arith.extui %sign3A_137 : i1 to i32
    %sign3A_139 = arith.constant 0 : i32
    %sign3A_140 = arith.cmpi slt, %jit3A_124, %sign3A_139 : i32
    %sign3A_141 = arith.extui %sign3A_140 : i1 to i32
    %sign3A_142 = arith.subi %sign3A_138, %sign3A_141 : i32
    %ne3A_143 = vector.broadcast %sign3A_142 : i32 to vector<8x1024xi32>
    %ne3A_144 = arith.cmpi ne, %sign3A_135, %ne3A_143 : vector<8x1024xi32>
    %rem3A_145 = vector.broadcast %jit3A_124 : i32 to vector<8x1024xi32>
    %rem3A_146 = arith.remsi %iota3A_123, %rem3A_145 : vector<8x1024xi32>
    %ne3A_147 = arith.constant 0 : i32
    %ne3A_148 = vector.broadcast %ne3A_147 : i32 to vector<8x1024xi32>
    %ne3A_149 = arith.cmpi ne, %rem3A_146, %ne3A_148 : vector<8x1024xi32>
    %and3A_150 = arith.andi %ne3A_144, %ne3A_149 : vector<8x1024xi1>
    %sub3A_151 = arith.constant 1 : i32
    %sub3A_152 = vector.broadcast %sub3A_151 : i32 to vector<8x1024xi32>
    %sub3A_153 = arith.subi %div3A_126, %sub3A_152 : vector<8x1024xi32>
    %select_n3A_154 = arith.select %and3A_150, %sub3A_153, %div3A_126 : vector<8x1024xi1>, vector<8x1024xi32>
    %iota3A_155 = tpu.iota {dimensions = array<i32: 0>} : vector<8x1024xi32>
    %eq3A_156 = arith.cmpi eq, %select_n3A_154, %iota3A_155 : vector<8x1024xi32>
    %convert_element_type3A_157 = arith.extui %eq3A_156 : vector<8x1024xi1> to vector<8x1024xi32>
    %convert_element_type3A_158 = arith.sitofp %convert_element_type3A_157 : vector<8x1024xi32> to vector<8x1024xf32>
    %dot_general3A_159 = arith.constant dense<0.000000e+00> : vector<32x8xf32>
    %dot_general3A_160 = tpu.matmul %convert_element_type3A_122, %dot_general3A_86, %dot_general3A_159 {dimension_numbers = #tpu.dot_dimension_numbers<[1], [0], [0], [1], [0, 0, 1, 1], [], []>, transpose_lhs_hint = false} : vector<32x4xf32>, vector<4x8xf32>, vector<32x8xf32> -> vector<32x8xf32>
    %dot_general3A_161 = arith.constant dense<0.000000e+00> : vector<32x1024xf32>
    %dot_general3A_162 = tpu.matmul %dot_general3A_160, %convert_element_type3A_158, %dot_general3A_161 {dimension_numbers = #tpu.dot_dimension_numbers<[1], [0], [0], [1], [0, 0, 1, 1], [], []>, transpose_lhs_hint = false} : vector<32x8xf32>, vector<8x1024xf32>, vector<32x1024xf32> -> vector<32x1024xf32>
    %iota3A_163 = tpu.iota {dimensions = array<i32: 0>} : vector<32x1024xi32>
    %iota3A_164 = tpu.iota {dimensions = array<i32: 1>} : vector<32x1024xi32>
    %convert_element_type3A_165 = arith.fptosi %dot_general3A_162 : vector<32x1024xf32> to vector<32x1024xi32>
    %mul3A_166 = arith.constant 1024 : i32
    %mul3A_167 = vector.broadcast %mul3A_166 : i32 to vector<32x1024xi32>
    %mul3A_168 = arith.muli %convert_element_type3A_165, %mul3A_167 : vector<32x1024xi32>
    %jit3A_169 = arith.constant 8 : i32
    %eq3A_170 = arith.constant 0 : i32
    %eq3A_171 = arith.cmpi eq, %jit3A_169, %eq3A_170 : i32
    %jit3A_172 = arith.constant 1 : i32
    %select_n3A_173 = arith.select %eq3A_171, %jit3A_172, %jit3A_169 : i32
    %rem3A_174 = vector.broadcast %select_n3A_173 : i32 to vector<32x1024xi32>
    %rem3A_175 = arith.remsi %iota3A_163, %rem3A_174 : vector<32x1024xi32>
    %ne3A_176 = arith.constant 0 : i32
    %ne3A_177 = vector.broadcast %ne3A_176 : i32 to vector<32x1024xi32>
    %ne3A_178 = arith.cmpi ne, %rem3A_175, %ne3A_177 : vector<32x1024xi32>
    %lt3A_179 = arith.constant 0 : i32
    %lt3A_180 = vector.broadcast %lt3A_179 : i32 to vector<32x1024xi32>
    %lt3A_181 = arith.cmpi slt, %rem3A_175, %lt3A_180 : vector<32x1024xi32>
    %lt3A_182 = arith.constant 0 : i32
    %lt3A_183 = arith.cmpi slt, %select_n3A_173, %lt3A_182 : i32
    %ne3A_184 = vector.broadcast %lt3A_183 : i1 to vector<32x1024xi1>
    %ne3A_185 = vector.broadcast %ne3A_184 : vector<32x1024xi1> to vector<32x1024xi1>
    %ne3A_186 = arith.xori %lt3A_181, %ne3A_185 : vector<32x1024xi1>
    %and3A_187 = arith.andi %ne3A_186, %ne3A_178 : vector<32x1024xi1>
    %add3A_188 = vector.broadcast %select_n3A_173 : i32 to vector<32x1024xi32>
    %add3A_189 = arith.addi %rem3A_175, %add3A_188 : vector<32x1024xi32>
    %select_n3A_190 = arith.select %and3A_187, %add3A_189, %rem3A_175 : vector<32x1024xi1>, vector<32x1024xi32>
    %mul3A_191 = arith.constant 128 : i32
    %mul3A_192 = vector.broadcast %mul3A_191 : i32 to vector<32x1024xi32>
    %mul3A_193 = arith.muli %select_n3A_190, %mul3A_192 : vector<32x1024xi32>
    %add3A_194 = arith.addi %mul3A_168, %mul3A_193 : vector<32x1024xi32>
    %jit3A_195 = arith.constant 128 : i32
    %eq3A_196 = arith.constant 0 : i32
    %eq3A_197 = arith.cmpi eq, %jit3A_195, %eq3A_196 : i32
    %jit3A_198 = arith.constant 1 : i32
    %select_n3A_199 = arith.select %eq3A_197, %jit3A_198, %jit3A_195 : i32
    %rem3A_200 = vector.broadcast %select_n3A_199 : i32 to vector<32x1024xi32>
    %rem3A_201 = arith.remsi %iota3A_164, %rem3A_200 : vector<32x1024xi32>
    %ne3A_202 = arith.constant 0 : i32
    %ne3A_203 = vector.broadcast %ne3A_202 : i32 to vector<32x1024xi32>
    %ne3A_204 = arith.cmpi ne, %rem3A_201, %ne3A_203 : vector<32x1024xi32>
    %lt3A_205 = arith.constant 0 : i32
    %lt3A_206 = vector.broadcast %lt3A_205 : i32 to vector<32x1024xi32>
    %lt3A_207 = arith.cmpi slt, %rem3A_201, %lt3A_206 : vector<32x1024xi32>
    %lt3A_208 = arith.constant 0 : i32
    %lt3A_209 = arith.cmpi slt, %select_n3A_199, %lt3A_208 : i32
    %ne3A_210 = vector.broadcast %lt3A_209 : i1 to vector<32x1024xi1>
    %ne3A_211 = vector.broadcast %ne3A_210 : vector<32x1024xi1> to vector<32x1024xi1>
    %ne3A_212 = arith.xori %lt3A_207, %ne3A_211 : vector<32x1024xi1>
    %and3A_213 = arith.andi %ne3A_212, %ne3A_204 : vector<32x1024xi1>
    %add3A_214 = vector.broadcast %select_n3A_199 : i32 to vector<32x1024xi32>
    %add3A_215 = arith.addi %rem3A_201, %add3A_214 : vector<32x1024xi32>
    %select_n3A_216 = arith.select %and3A_213, %add3A_215, %rem3A_201 : vector<32x1024xi1>, vector<32x1024xi32>
    %add3A_217 = arith.addi %add3A_194, %select_n3A_216 : vector<32x1024xi32>
    %swap3A = arith.constant 0 : index
    %swap3A_218 = arith.constant 0 : index
    %swap3A_219 = vector.load %arg1[%swap3A, %swap3A_218] : memref<32x1024xi32, #tpu.memory_space<vmem>>, vector<32x1024xi32>
    tpu.vector_store %arg1[%swap3A, %swap3A_218], %add3A_217 {strides = array<i32>} : memref<32x1024xi32, #tpu.memory_space<vmem>>, vector<32x1024xi32>,
    return
  }
}

module attributes {stable_mosaic.version = 14 : i64} {
  func.func @_pool_body(%arg0: i32, %arg1: memref<8x512x512xf32, #tpu.memory_space<vmem>>, %arg2: memref<8x32x32xf32, #tpu.memory_space<vmem>>) attributes {dimension_semantics = [#tpu.dimension_semantics<arbitrary>], iteration_bounds = array<i64: 4>, scalar_prefetch = 0 : i64, scratch_operands = 0 : i64, tpu.core_type = #tpu.core_type<tc>, window_params = [{transform_indices = @transform_0, window_bounds = array<i64: 8, 512, 512>}, {transform_indices = @transform_1, window_bounds = array<i64: 8, 32, 32>}]} {
    %iota3A = tpu.iota {dimensions = array<i32: 0>} : vector<512x32xi32>
    %jit3A = arith.constant 16 : i32
    %div3A = vector.broadcast %jit3A : i32 to vector<512x32xi32>
    %div3A_0 = arith.divsi %iota3A, %div3A : vector<512x32xi32>
    %sign3A = arith.constant 0 : i32
    %sign3A_1 = vector.broadcast %sign3A : i32 to vector<512x32xi32>
    %sign3A_2 = arith.cmpi sgt, %iota3A, %sign3A_1 : vector<512x32xi32>
    %sign3A_3 = arith.extui %sign3A_2 : vector<512x32xi1> to vector<512x32xi32>
    %sign3A_4 = arith.constant 0 : i32
    %sign3A_5 = vector.broadcast %sign3A_4 : i32 to vector<512x32xi32>
    %sign3A_6 = arith.cmpi slt, %iota3A, %sign3A_5 : vector<512x32xi32>
    %sign3A_7 = arith.extui %sign3A_6 : vector<512x32xi1> to vector<512x32xi32>
    %sign3A_8 = arith.subi %sign3A_3, %sign3A_7 : vector<512x32xi32>
    %sign3A_9 = arith.constant 0 : i32
    %sign3A_10 = arith.cmpi sgt, %jit3A, %sign3A_9 : i32
    %sign3A_11 = arith.extui %sign3A_10 : i1 to i32
    %sign3A_12 = arith.constant 0 : i32
    %sign3A_13 = arith.cmpi slt, %jit3A, %sign3A_12 : i32
    %sign3A_14 = arith.extui %sign3A_13 : i1 to i32
    %sign3A_15 = arith.subi %sign3A_11, %sign3A_14 : i32
    %ne3A = vector.broadcast %sign3A_15 : i32 to vector<512x32xi32>
    %ne3A_16 = arith.cmpi ne, %sign3A_8, %ne3A : vector<512x32xi32>
    %rem3A = vector.broadcast %jit3A : i32 to vector<512x32xi32>
    %rem3A_17 = arith.remsi %iota3A, %rem3A : vector<512x32xi32>
    %ne3A_18 = arith.constant 0 : i32
    %ne3A_19 = vector.broadcast %ne3A_18 : i32 to vector<512x32xi32>
    %ne3A_20 = arith.cmpi ne, %rem3A_17, %ne3A_19 : vector<512x32xi32>
    %and3A = arith.andi %ne3A_16, %ne3A_20 : vector<512x32xi1>
    %sub3A = arith.constant 1 : i32
    %sub3A_21 = vector.broadcast %sub3A : i32 to vector<512x32xi32>
    %sub3A_22 = arith.subi %div3A_0, %sub3A_21 : vector<512x32xi32>
    %select_n3A = arith.select %and3A, %sub3A_22, %div3A_0 : vector<512x32xi1>, vector<512x32xi32>
    %iota3A_23 = tpu.iota {dimensions = array<i32: 1>} : vector<512x32xi32>
    %eq3A = arith.cmpi eq, %select_n3A, %iota3A_23 : vector<512x32xi32>
    %convert_element_type3A = arith.extui %eq3A : vector<512x32xi1> to vector<512x32xi32>
    %convert_element_type3A_24 = arith.sitofp %convert_element_type3A : vector<512x32xi32> to vector<512x32xf32>
    %get3A = arith.constant 0 : index
    %get3A_25 = arith.constant 0 : index
    %get3A_26 = arith.constant 0 : index
    %get3A_27 = vector.load %arg1[%get3A, %get3A_25, %get3A_26] : memref<8x512x512xf32, #tpu.memory_space<vmem>>, vector<1x512x512xf32>
    %get3A_28 = vector.shape_cast %get3A_27 : vector<1x512x512xf32> to vector<512x512xf32>
    %sub3A_29 = arith.constant 1.000000e+00 : f32
    %sub3A_30 = vector.broadcast %sub3A_29 : f32 to vector<512x512xf32>
    %sub3A_31 = arith.subf %sub3A_30, %get3A_28 : vector<512x512xf32>
    %dot_general3A = arith.constant dense<0.000000e+00> : vector<512x32xf32>
    %dot_general3A_32 = tpu.matmul %sub3A_31, %convert_element_type3A_24, %dot_general3A {dimension_numbers = #tpu.dot_dimension_numbers<[1], [0], [0], [1], [0, 0, 1, 1], [], []>, transpose_lhs_hint = false} : vector<512x512xf32>, vector<512x32xf32>, vector<512x32xf32> -> vector<512x32xf32>
    %dot_general3A_33 = arith.constant dense<0.000000e+00> : vector<32x32xf32>
    %dot_general3A_34 = tpu.matmul %convert_element_type3A_24, %dot_general3A_32, %dot_general3A_33 {dimension_numbers = #tpu.dot_dimension_numbers<[0], [0], [1], [1], [0, 1, 1, 1], [], []>, transpose_lhs_hint = false} : vector<512x32xf32>, vector<512x32xf32>, vector<32x32xf32> -> vector<32x32xf32>
    %eq3A_35 = arith.constant 0.000000e+00 : f32
    %eq3A_36 = vector.broadcast %eq3A_35 : f32 to vector<32x32xf32>
    %eq3A_37 = arith.cmpf oeq, %dot_general3A_34, %eq3A_36 : vector<32x32xf32>
    %jit3A_38 = arith.constant 1.000000e+00 : f32
    %jit3A_39 = arith.constant 0.000000e+00 : f32
    %broadcast_in_dim3A = vector.broadcast %jit3A_38 : f32 to vector<32x32xf32>
    %broadcast_in_dim3A_40 = vector.broadcast %jit3A_39 : f32 to vector<32x32xf32>
    %select_n3A_41 = arith.select %eq3A_37, %broadcast_in_dim3A, %broadcast_in_dim3A_40 : vector<32x32xi1>, vector<32x32xf32>
    %swap3A = arith.constant 0 : index
    %swap3A_42 = arith.constant 0 : index
    %swap3A_43 = arith.constant 0 : index
    %swap3A_44 = vector.load %arg2[%swap3A, %swap3A_42, %swap3A_43] : memref<8x32x32xf32, #tpu.memory_space<vmem>>, vector<1x32x32xf32>
    %swap3A_45 = vector.shape_cast %swap3A_44 : vector<1x32x32xf32> to vector<32x32xf32>
    %swap3A_46 = vector.shape_cast %select_n3A_41 : vector<32x32xf32> to vector<1x32x32xf32>
    tpu.vector_store %arg2[%swap3A, %swap3A_42, %swap3A_43], %swap3A_46 {strides = array<i32>} : memref<8x32x32xf32, #tpu.memory_space<vmem>>, vector<1x32x32xf32>,
    %get3A_47 = arith.constant 1 : index
    %get3A_48 = arith.constant 0 : index
    %get3A_49 = arith.constant 0 : index
    %get3A_50 = vector.load %arg1[%get3A_47, %get3A_48, %get3A_49] : memref<8x512x512xf32, #tpu.memory_space<vmem>>, vector<1x512x512xf32>
    %get3A_51 = vector.shape_cast %get3A_50 : vector<1x512x512xf32> to vector<512x512xf32>
    %sub3A_52 = arith.constant 1.000000e+00 : f32
    %sub3A_53 = vector.broadcast %sub3A_52 : f32 to vector<512x512xf32>
    %sub3A_54 = arith.subf %sub3A_53, %get3A_51 : vector<512x512xf32>
    %dot_general3A_55 = arith.constant dense<0.000000e+00> : vector<512x32xf32>
    %dot_general3A_56 = tpu.matmul %sub3A_54, %convert_element_type3A_24, %dot_general3A_55 {dimension_numbers = #tpu.dot_dimension_numbers<[1], [0], [0], [1], [0, 0, 1, 1], [], []>, transpose_lhs_hint = false} : vector<512x512xf32>, vector<512x32xf32>, vector<512x32xf32> -> vector<512x32xf32>
    %dot_general3A_57 = arith.constant dense<0.000000e+00> : vector<32x32xf32>
    %dot_general3A_58 = tpu.matmul %convert_element_type3A_24, %dot_general3A_56, %dot_general3A_57 {dimension_numbers = #tpu.dot_dimension_numbers<[0], [0], [1], [1], [0, 1, 1, 1], [], []>, transpose_lhs_hint = false} : vector<512x32xf32>, vector<512x32xf32>, vector<32x32xf32> -> vector<32x32xf32>
    %eq3A_59 = arith.constant 0.000000e+00 : f32
    %eq3A_60 = vector.broadcast %eq3A_59 : f32 to vector<32x32xf32>
    %eq3A_61 = arith.cmpf oeq, %dot_general3A_58, %eq3A_60 : vector<32x32xf32>
    %jit3A_62 = arith.constant 1.000000e+00 : f32
    %jit3A_63 = arith.constant 0.000000e+00 : f32
    %broadcast_in_dim3A_64 = vector.broadcast %jit3A_62 : f32 to vector<32x32xf32>
    %broadcast_in_dim3A_65 = vector.broadcast %jit3A_63 : f32 to vector<32x32xf32>
    %select_n3A_66 = arith.select %eq3A_61, %broadcast_in_dim3A_64, %broadcast_in_dim3A_65 : vector<32x32xi1>, vector<32x32xf32>
    %swap3A_67 = arith.constant 1 : index
    %swap3A_68 = arith.constant 0 : index
    %swap3A_69 = arith.constant 0 : index
    %swap3A_70 = vector.load %arg2[%swap3A_67, %swap3A_68, %swap3A_69] : memref<8x32x32xf32, #tpu.memory_space<vmem>>, vector<1x32x32xf32>
    %swap3A_71 = vector.shape_cast %swap3A_70 : vector<1x32x32xf32> to vector<32x32xf32>
    %swap3A_72 = vector.shape_cast %select_n3A_66 : vector<32x32xf32> to vector<1x32x32xf32>
    tpu.vector_store %arg2[%swap3A_67, %swap3A_68, %swap3A_69], %swap3A_72 {strides = array<i32>} : memref<8x32x32xf32, #tpu.memory_space<vmem>>, vector<1x32x32xf32>,
    %get3A_73 = arith.constant 2 : index
    %get3A_74 = arith.constant 0 : index
    %get3A_75 = arith.constant 0 : index
    %get3A_76 = vector.load %arg1[%get3A_73, %get3A_74, %get3A_75] : memref<8x512x512xf32, #tpu.memory_space<vmem>>, vector<1x512x512xf32>
    %get3A_77 = vector.shape_cast %get3A_76 : vector<1x512x512xf32> to vector<512x512xf32>
    %sub3A_78 = arith.constant 1.000000e+00 : f32
    %sub3A_79 = vector.broadcast %sub3A_78 : f32 to vector<512x512xf32>
    %sub3A_80 = arith.subf %sub3A_79, %get3A_77 : vector<512x512xf32>
    %dot_general3A_81 = arith.constant dense<0.000000e+00> : vector<512x32xf32>
    %dot_general3A_82 = tpu.matmul %sub3A_80, %convert_element_type3A_24, %dot_general3A_81 {dimension_numbers = #tpu.dot_dimension_numbers<[1], [0], [0], [1], [0, 0, 1, 1], [], []>, transpose_lhs_hint = false} : vector<512x512xf32>, vector<512x32xf32>, vector<512x32xf32> -> vector<512x32xf32>
    %dot_general3A_83 = arith.constant dense<0.000000e+00> : vector<32x32xf32>
    %dot_general3A_84 = tpu.matmul %convert_element_type3A_24, %dot_general3A_82, %dot_general3A_83 {dimension_numbers = #tpu.dot_dimension_numbers<[0], [0], [1], [1], [0, 1, 1, 1], [], []>, transpose_lhs_hint = false} : vector<512x32xf32>, vector<512x32xf32>, vector<32x32xf32> -> vector<32x32xf32>
    %eq3A_85 = arith.constant 0.000000e+00 : f32
    %eq3A_86 = vector.broadcast %eq3A_85 : f32 to vector<32x32xf32>
    %eq3A_87 = arith.cmpf oeq, %dot_general3A_84, %eq3A_86 : vector<32x32xf32>
    %jit3A_88 = arith.constant 1.000000e+00 : f32
    %jit3A_89 = arith.constant 0.000000e+00 : f32
    %broadcast_in_dim3A_90 = vector.broadcast %jit3A_88 : f32 to vector<32x32xf32>
    %broadcast_in_dim3A_91 = vector.broadcast %jit3A_89 : f32 to vector<32x32xf32>
    %select_n3A_92 = arith.select %eq3A_87, %broadcast_in_dim3A_90, %broadcast_in_dim3A_91 : vector<32x32xi1>, vector<32x32xf32>
    %swap3A_93 = arith.constant 2 : index
    %swap3A_94 = arith.constant 0 : index
    %swap3A_95 = arith.constant 0 : index
    %swap3A_96 = vector.load %arg2[%swap3A_93, %swap3A_94, %swap3A_95] : memref<8x32x32xf32, #tpu.memory_space<vmem>>, vector<1x32x32xf32>
    %swap3A_97 = vector.shape_cast %swap3A_96 : vector<1x32x32xf32> to vector<32x32xf32>
    %swap3A_98 = vector.shape_cast %select_n3A_92 : vector<32x32xf32> to vector<1x32x32xf32>
    tpu.vector_store %arg2[%swap3A_93, %swap3A_94, %swap3A_95], %swap3A_98 {strides = array<i32>} : memref<8x32x32xf32, #tpu.memory_space<vmem>>, vector<1x32x32xf32>,
    %get3A_99 = arith.constant 3 : index
    %get3A_100 = arith.constant 0 : index
    %get3A_101 = arith.constant 0 : index
    %get3A_102 = vector.load %arg1[%get3A_99, %get3A_100, %get3A_101] : memref<8x512x512xf32, #tpu.memory_space<vmem>>, vector<1x512x512xf32>
    %get3A_103 = vector.shape_cast %get3A_102 : vector<1x512x512xf32> to vector<512x512xf32>
    %sub3A_104 = arith.constant 1.000000e+00 : f32
    %sub3A_105 = vector.broadcast %sub3A_104 : f32 to vector<512x512xf32>
    %sub3A_106 = arith.subf %sub3A_105, %get3A_103 : vector<512x512xf32>
    %dot_general3A_107 = arith.constant dense<0.000000e+00> : vector<512x32xf32>
    %dot_general3A_108 = tpu.matmul %sub3A_106, %convert_element_type3A_24, %dot_general3A_107 {dimension_numbers = #tpu.dot_dimension_numbers<[1], [0], [0], [1], [0, 0, 1, 1], [], []>, transpose_lhs_hint = false} : vector<512x512xf32>, vector<512x32xf32>, vector<512x32xf32> -> vector<512x32xf32>
    %dot_general3A_109 = arith.constant dense<0.000000e+00> : vector<32x32xf32>
    %dot_general3A_110 = tpu.matmul %convert_element_type3A_24, %dot_general3A_108, %dot_general3A_109 {dimension_numbers = #tpu.dot_dimension_numbers<[0], [0], [1], [1], [0, 1, 1, 1], [], []>, transpose_lhs_hint = false} : vector<512x32xf32>, vector<512x32xf32>, vector<32x32xf32> -> vector<32x32xf32>
    %eq3A_111 = arith.constant 0.000000e+00 : f32
    %eq3A_112 = vector.broadcast %eq3A_111 : f32 to vector<32x32xf32>
    %eq3A_113 = arith.cmpf oeq, %dot_general3A_110, %eq3A_112 : vector<32x32xf32>
    %jit3A_114 = arith.constant 1.000000e+00 : f32
    %jit3A_115 = arith.constant 0.000000e+00 : f32
    %broadcast_in_dim3A_116 = vector.broadcast %jit3A_114 : f32 to vector<32x32xf32>
    %broadcast_in_dim3A_117 = vector.broadcast %jit3A_115 : f32 to vector<32x32xf32>
    %select_n3A_118 = arith.select %eq3A_113, %broadcast_in_dim3A_116, %broadcast_in_dim3A_117 : vector<32x32xi1>, vector<32x32xf32>
    %swap3A_119 = arith.constant 3 : index
    %swap3A_120 = arith.constant 0 : index
    %swap3A_121 = arith.constant 0 : index
    %swap3A_122 = vector.load %arg2[%swap3A_119, %swap3A_120, %swap3A_121] : memref<8x32x32xf32, #tpu.memory_space<vmem>>, vector<1x32x32xf32>
    %swap3A_123 = vector.shape_cast %swap3A_122 : vector<1x32x32xf32> to vector<32x32xf32>
    %swap3A_124 = vector.shape_cast %select_n3A_118 : vector<32x32xf32> to vector<1x32x32xf32>
    tpu.vector_store %arg2[%swap3A_119, %swap3A_120, %swap3A_121], %swap3A_124 {strides = array<i32>} : memref<8x32x32xf32, #tpu.memory_space<vmem>>, vector<1x32x32xf32>,
    %get3A_125 = arith.constant 4 : index
    %get3A_126 = arith.constant 0 : index
    %get3A_127 = arith.constant 0 : index
    %get3A_128 = vector.load %arg1[%get3A_125, %get3A_126, %get3A_127] : memref<8x512x512xf32, #tpu.memory_space<vmem>>, vector<1x512x512xf32>
    %get3A_129 = vector.shape_cast %get3A_128 : vector<1x512x512xf32> to vector<512x512xf32>
    %sub3A_130 = arith.constant 1.000000e+00 : f32
    %sub3A_131 = vector.broadcast %sub3A_130 : f32 to vector<512x512xf32>
    %sub3A_132 = arith.subf %sub3A_131, %get3A_129 : vector<512x512xf32>
    %dot_general3A_133 = arith.constant dense<0.000000e+00> : vector<512x32xf32>
    %dot_general3A_134 = tpu.matmul %sub3A_132, %convert_element_type3A_24, %dot_general3A_133 {dimension_numbers = #tpu.dot_dimension_numbers<[1], [0], [0], [1], [0, 0, 1, 1], [], []>, transpose_lhs_hint = false} : vector<512x512xf32>, vector<512x32xf32>, vector<512x32xf32> -> vector<512x32xf32>
    %dot_general3A_135 = arith.constant dense<0.000000e+00> : vector<32x32xf32>
    %dot_general3A_136 = tpu.matmul %convert_element_type3A_24, %dot_general3A_134, %dot_general3A_135 {dimension_numbers = #tpu.dot_dimension_numbers<[0], [0], [1], [1], [0, 1, 1, 1], [], []>, transpose_lhs_hint = false} : vector<512x32xf32>, vector<512x32xf32>, vector<32x32xf32> -> vector<32x32xf32>
    %eq3A_137 = arith.constant 0.000000e+00 : f32
    %eq3A_138 = vector.broadcast %eq3A_137 : f32 to vector<32x32xf32>
    %eq3A_139 = arith.cmpf oeq, %dot_general3A_136, %eq3A_138 : vector<32x32xf32>
    %jit3A_140 = arith.constant 1.000000e+00 : f32
    %jit3A_141 = arith.constant 0.000000e+00 : f32
    %broadcast_in_dim3A_142 = vector.broadcast %jit3A_140 : f32 to vector<32x32xf32>
    %broadcast_in_dim3A_143 = vector.broadcast %jit3A_141 : f32 to vector<32x32xf32>
    %select_n3A_144 = arith.select %eq3A_139, %broadcast_in_dim3A_142, %broadcast_in_dim3A_143 : vector<32x32xi1>, vector<32x32xf32>
    %swap3A_145 = arith.constant 4 : index
    %swap3A_146 = arith.constant 0 : index
    %swap3A_147 = arith.constant 0 : index
    %swap3A_148 = vector.load %arg2[%swap3A_145, %swap3A_146, %swap3A_147] : memref<8x32x32xf32, #tpu.memory_space<vmem>>, vector<1x32x32xf32>
    %swap3A_149 = vector.shape_cast %swap3A_148 : vector<1x32x32xf32> to vector<32x32xf32>
    %swap3A_150 = vector.shape_cast %select_n3A_144 : vector<32x32xf32> to vector<1x32x32xf32>
    tpu.vector_store %arg2[%swap3A_145, %swap3A_146, %swap3A_147], %swap3A_150 {strides = array<i32>} : memref<8x32x32xf32, #tpu.memory_space<vmem>>, vector<1x32x32xf32>,
    %get3A_151 = arith.constant 5 : index
    %get3A_152 = arith.constant 0 : index
    %get3A_153 = arith.constant 0 : index
    %get3A_154 = vector.load %arg1[%get3A_151, %get3A_152, %get3A_153] : memref<8x512x512xf32, #tpu.memory_space<vmem>>, vector<1x512x512xf32>
    %get3A_155 = vector.shape_cast %get3A_154 : vector<1x512x512xf32> to vector<512x512xf32>
    %sub3A_156 = arith.constant 1.000000e+00 : f32
    %sub3A_157 = vector.broadcast %sub3A_156 : f32 to vector<512x512xf32>
    %sub3A_158 = arith.subf %sub3A_157, %get3A_155 : vector<512x512xf32>
    %dot_general3A_159 = arith.constant dense<0.000000e+00> : vector<512x32xf32>
    %dot_general3A_160 = tpu.matmul %sub3A_158, %convert_element_type3A_24, %dot_general3A_159 {dimension_numbers = #tpu.dot_dimension_numbers<[1], [0], [0], [1], [0, 0, 1, 1], [], []>, transpose_lhs_hint = false} : vector<512x512xf32>, vector<512x32xf32>, vector<512x32xf32> -> vector<512x32xf32>
    %dot_general3A_161 = arith.constant dense<0.000000e+00> : vector<32x32xf32>
    %dot_general3A_162 = tpu.matmul %convert_element_type3A_24, %dot_general3A_160, %dot_general3A_161 {dimension_numbers = #tpu.dot_dimension_numbers<[0], [0], [1], [1], [0, 1, 1, 1], [], []>, transpose_lhs_hint = false} : vector<512x32xf32>, vector<512x32xf32>, vector<32x32xf32> -> vector<32x32xf32>
    %eq3A_163 = arith.constant 0.000000e+00 : f32
    %eq3A_164 = vector.broadcast %eq3A_163 : f32 to vector<32x32xf32>
    %eq3A_165 = arith.cmpf oeq, %dot_general3A_162, %eq3A_164 : vector<32x32xf32>
    %jit3A_166 = arith.constant 1.000000e+00 : f32
    %jit3A_167 = arith.constant 0.000000e+00 : f32
    %broadcast_in_dim3A_168 = vector.broadcast %jit3A_166 : f32 to vector<32x32xf32>
    %broadcast_in_dim3A_169 = vector.broadcast %jit3A_167 : f32 to vector<32x32xf32>
    %select_n3A_170 = arith.select %eq3A_165, %broadcast_in_dim3A_168, %broadcast_in_dim3A_169 : vector<32x32xi1>, vector<32x32xf32>
    %swap3A_171 = arith.constant 5 : index
    %swap3A_172 = arith.constant 0 : index
    %swap3A_173 = arith.constant 0 : index
    %swap3A_174 = vector.load %arg2[%swap3A_171, %swap3A_172, %swap3A_173] : memref<8x32x32xf32, #tpu.memory_space<vmem>>, vector<1x32x32xf32>
    %swap3A_175 = vector.shape_cast %swap3A_174 : vector<1x32x32xf32> to vector<32x32xf32>
    %swap3A_176 = vector.shape_cast %select_n3A_170 : vector<32x32xf32> to vector<1x32x32xf32>
    tpu.vector_store %arg2[%swap3A_171, %swap3A_172, %swap3A_173], %swap3A_176 {strides = array<i32>} : memref<8x32x32xf32, #tpu.memory_space<vmem>>, vector<1x32x32xf32>,
    %get3A_177 = arith.constant 6 : index
    %get3A_178 = arith.constant 0 : index
    %get3A_179 = arith.constant 0 : index
    %get3A_180 = vector.load %arg1[%get3A_177, %get3A_178, %get3A_179] : memref<8x512x512xf32, #tpu.memory_space<vmem>>, vector<1x512x512xf32>
    %get3A_181 = vector.shape_cast %get3A_180 : vector<1x512x512xf32> to vector<512x512xf32>
    %sub3A_182 = arith.constant 1.000000e+00 : f32
    %sub3A_183 = vector.broadcast %sub3A_182 : f32 to vector<512x512xf32>
    %sub3A_184 = arith.subf %sub3A_183, %get3A_181 : vector<512x512xf32>
    %dot_general3A_185 = arith.constant dense<0.000000e+00> : vector<512x32xf32>
    %dot_general3A_186 = tpu.matmul %sub3A_184, %convert_element_type3A_24, %dot_general3A_185 {dimension_numbers = #tpu.dot_dimension_numbers<[1], [0], [0], [1], [0, 0, 1, 1], [], []>, transpose_lhs_hint = false} : vector<512x512xf32>, vector<512x32xf32>, vector<512x32xf32> -> vector<512x32xf32>
    %dot_general3A_187 = arith.constant dense<0.000000e+00> : vector<32x32xf32>
    %dot_general3A_188 = tpu.matmul %convert_element_type3A_24, %dot_general3A_186, %dot_general3A_187 {dimension_numbers = #tpu.dot_dimension_numbers<[0], [0], [1], [1], [0, 1, 1, 1], [], []>, transpose_lhs_hint = false} : vector<512x32xf32>, vector<512x32xf32>, vector<32x32xf32> -> vector<32x32xf32>
    %eq3A_189 = arith.constant 0.000000e+00 : f32
    %eq3A_190 = vector.broadcast %eq3A_189 : f32 to vector<32x32xf32>
    %eq3A_191 = arith.cmpf oeq, %dot_general3A_188, %eq3A_190 : vector<32x32xf32>
    %jit3A_192 = arith.constant 1.000000e+00 : f32
    %jit3A_193 = arith.constant 0.000000e+00 : f32
    %broadcast_in_dim3A_194 = vector.broadcast %jit3A_192 : f32 to vector<32x32xf32>
    %broadcast_in_dim3A_195 = vector.broadcast %jit3A_193 : f32 to vector<32x32xf32>
    %select_n3A_196 = arith.select %eq3A_191, %broadcast_in_dim3A_194, %broadcast_in_dim3A_195 : vector<32x32xi1>, vector<32x32xf32>
    %swap3A_197 = arith.constant 6 : index
    %swap3A_198 = arith.constant 0 : index
    %swap3A_199 = arith.constant 0 : index
    %swap3A_200 = vector.load %arg2[%swap3A_197, %swap3A_198, %swap3A_199] : memref<8x32x32xf32, #tpu.memory_space<vmem>>, vector<1x32x32xf32>
    %swap3A_201 = vector.shape_cast %swap3A_200 : vector<1x32x32xf32> to vector<32x32xf32>
    %swap3A_202 = vector.shape_cast %select_n3A_196 : vector<32x32xf32> to vector<1x32x32xf32>
    tpu.vector_store %arg2[%swap3A_197, %swap3A_198, %swap3A_199], %swap3A_202 {strides = array<i32>} : memref<8x32x32xf32, #tpu.memory_space<vmem>>, vector<1x32x32xf32>,
    %get3A_203 = arith.constant 7 : index
    %get3A_204 = arith.constant 0 : index
    %get3A_205 = arith.constant 0 : index
    %get3A_206 = vector.load %arg1[%get3A_203, %get3A_204, %get3A_205] : memref<8x512x512xf32, #tpu.memory_space<vmem>>, vector<1x512x512xf32>
    %get3A_207 = vector.shape_cast %get3A_206 : vector<1x512x512xf32> to vector<512x512xf32>
    %sub3A_208 = arith.constant 1.000000e+00 : f32
    %sub3A_209 = vector.broadcast %sub3A_208 : f32 to vector<512x512xf32>
    %sub3A_210 = arith.subf %sub3A_209, %get3A_207 : vector<512x512xf32>
    %dot_general3A_211 = arith.constant dense<0.000000e+00> : vector<512x32xf32>
    %dot_general3A_212 = tpu.matmul %sub3A_210, %convert_element_type3A_24, %dot_general3A_211 {dimension_numbers = #tpu.dot_dimension_numbers<[1], [0], [0], [1], [0, 0, 1, 1], [], []>, transpose_lhs_hint = false} : vector<512x512xf32>, vector<512x32xf32>, vector<512x32xf32> -> vector<512x32xf32>
    %dot_general3A_213 = arith.constant dense<0.000000e+00> : vector<32x32xf32>
    %dot_general3A_214 = tpu.matmul %convert_element_type3A_24, %dot_general3A_212, %dot_general3A_213 {dimension_numbers = #tpu.dot_dimension_numbers<[0], [0], [1], [1], [0, 1, 1, 1], [], []>, transpose_lhs_hint = false} : vector<512x32xf32>, vector<512x32xf32>, vector<32x32xf32> -> vector<32x32xf32>
    %eq3A_215 = arith.constant 0.000000e+00 : f32
    %eq3A_216 = vector.broadcast %eq3A_215 : f32 to vector<32x32xf32>
    %eq3A_217 = arith.cmpf oeq, %dot_general3A_214, %eq3A_216 : vector<32x32xf32>
    %jit3A_218 = arith.constant 1.000000e+00 : f32
    %jit3A_219 = arith.constant 0.000000e+00 : f32
    %broadcast_in_dim3A_220 = vector.broadcast %jit3A_218 : f32 to vector<32x32xf32>
    %broadcast_in_dim3A_221 = vector.broadcast %jit3A_219 : f32 to vector<32x32xf32>
    %select_n3A_222 = arith.select %eq3A_217, %broadcast_in_dim3A_220, %broadcast_in_dim3A_221 : vector<32x32xi1>, vector<32x32xf32>
    %swap3A_223 = arith.constant 7 : index
    %swap3A_224 = arith.constant 0 : index
    %swap3A_225 = arith.constant 0 : index
    %swap3A_226 = vector.load %arg2[%swap3A_223, %swap3A_224, %swap3A_225] : memref<8x32x32xf32, #tpu.memory_space<vmem>>, vector<1x32x32xf32>
    %swap3A_227 = vector.shape_cast %swap3A_226 : vector<1x32x32xf32> to vector<32x32xf32>
    %swap3A_228 = vector.shape_cast %select_n3A_222 : vector<32x32xf32> to vector<1x32x32xf32>
    tpu.vector_store %arg2[%swap3A_223, %swap3A_224, %swap3A_225], %swap3A_228 {strides = array<i32>} : memref<8x32x32xf32, #tpu.memory_space<vmem>>, vector<1x32x32xf32>,
    return
  }
  func.func @transform_0(%arg0: i32) -> (i32, i32, i32) {
    %c0_i32 = arith.constant 0 : i32
    %c0_i32_0 = arith.constant 0 : i32
    %c0_i32_1 = arith.constant 0 : i32
    return %arg0, %c0_i32, %c0_i32_0 : i32, i32, i32
  }
  func.func @transform_1(%arg0: i32) -> (i32, i32, i32) {
    %c0_i32 = arith.constant 0 : i32
    %c0_i32_0 = arith.constant 0 : i32
    %c0_i32_1 = arith.constant 0 : i32
    return %arg0, %c0_i32, %c0_i32_0 : i32, i32, i32
  }
}

module attributes {stable_mosaic.version = 14 : i64} {
  func.func @_stats_body(%arg0: memref<32x1024xf32, #tpu.memory_space<vmem>>, %arg1: memref<4x1024x768xf32, #tpu.memory_space<vmem>>, %arg2: memref<1x32xi32, #tpu.memory_space<vmem>>, %arg3: memref<8x768xf32, #tpu.memory_space<vmem>>, %arg4: memref<32x1024xf32, #tpu.memory_space<vmem>>, %arg5: memref<8x1xi32, #tpu.memory_space<vmem>>) attributes {dimension_semantics = [], scalar_prefetch = 0 : i64, scratch_operands = 0 : i64, tpu.core_type = #tpu.core_type<tc>} {
    %get3A = arith.constant 0 : index
    %get3A_0 = arith.constant 0 : index
    %get3A_1 = vector.load %arg0[%get3A, %get3A_0] : memref<32x1024xf32, #tpu.memory_space<vmem>>, vector<32x1024xf32>
    %ne3A = arith.constant 0.000000e+00 : f32
    %ne3A_2 = vector.broadcast %ne3A : f32 to vector<32x1024xf32>
    %ne3A_3 = arith.cmpf one, %get3A_1, %ne3A_2 : vector<32x1024xf32>
    %convert_element_type3A = arith.extui %ne3A_3 : vector<32x1024xi1> to vector<32x1024xi32>
    %convert_element_type3A_4 = arith.sitofp %convert_element_type3A : vector<32x1024xi32> to vector<32x1024xf32>
    %get3A_5 = arith.constant 0 : index
    %get3A_6 = arith.constant 0 : index
    %get3A_7 = vector.load %arg2[%get3A_5, %get3A_6] : memref<1x32xi32, #tpu.memory_space<vmem>>, vector<1x32xi32>
    %slice3A = vector.extract_strided_slice %convert_element_type3A_4 {offsets = [0, 0], sizes = [8, 1024], strides = [1, 1]} : vector<32x1024xf32> to vector<8x1024xf32>
    %get3A_8 = arith.constant 0 : index
    %get3A_9 = arith.constant 0 : index
    %get3A_10 = arith.constant 0 : index
    %get3A_11 = vector.load %arg1[%get3A_8, %get3A_9, %get3A_10] : memref<4x1024x768xf32, #tpu.memory_space<vmem>>, vector<1x1024x768xf32>
    %get3A_12 = vector.shape_cast %get3A_11 : vector<1x1024x768xf32> to vector<1024x768xf32>
    %dot_general3A = arith.constant dense<0.000000e+00> : vector<8x768xf32>
    %dot_general3A_13 = tpu.matmul %slice3A, %get3A_12, %dot_general3A {dimension_numbers = #tpu.dot_dimension_numbers<[1], [0], [0], [1], [0, 0, 1, 1], [], []>, transpose_lhs_hint = false} : vector<8x1024xf32>, vector<1024x768xf32>, vector<8x768xf32> -> vector<8x768xf32>
    %slice3A_14 = vector.extract_strided_slice %convert_element_type3A_4 {offsets = [8, 0], sizes = [8, 1024], strides = [1, 1]} : vector<32x1024xf32> to vector<8x1024xf32>
    %get3A_15 = arith.constant 1 : index
    %get3A_16 = arith.constant 0 : index
    %get3A_17 = arith.constant 0 : index
    %get3A_18 = vector.load %arg1[%get3A_15, %get3A_16, %get3A_17] : memref<4x1024x768xf32, #tpu.memory_space<vmem>>, vector<1x1024x768xf32>
    %get3A_19 = vector.shape_cast %get3A_18 : vector<1x1024x768xf32> to vector<1024x768xf32>
    %dot_general3A_20 = arith.constant dense<0.000000e+00> : vector<8x768xf32>
    %dot_general3A_21 = tpu.matmul %slice3A_14, %get3A_19, %dot_general3A_20 {dimension_numbers = #tpu.dot_dimension_numbers<[1], [0], [0], [1], [0, 0, 1, 1], [], []>, transpose_lhs_hint = false} : vector<8x1024xf32>, vector<1024x768xf32>, vector<8x768xf32> -> vector<8x768xf32>
    %slice3A_22 = vector.extract_strided_slice %convert_element_type3A_4 {offsets = [16, 0], sizes = [8, 1024], strides = [1, 1]} : vector<32x1024xf32> to vector<8x1024xf32>
    %get3A_23 = arith.constant 2 : index
    %get3A_24 = arith.constant 0 : index
    %get3A_25 = arith.constant 0 : index
    %get3A_26 = vector.load %arg1[%get3A_23, %get3A_24, %get3A_25] : memref<4x1024x768xf32, #tpu.memory_space<vmem>>, vector<1x1024x768xf32>
    %get3A_27 = vector.shape_cast %get3A_26 : vector<1x1024x768xf32> to vector<1024x768xf32>
    %dot_general3A_28 = arith.constant dense<0.000000e+00> : vector<8x768xf32>
    %dot_general3A_29 = tpu.matmul %slice3A_22, %get3A_27, %dot_general3A_28 {dimension_numbers = #tpu.dot_dimension_numbers<[1], [0], [0], [1], [0, 0, 1, 1], [], []>, transpose_lhs_hint = false} : vector<8x1024xf32>, vector<1024x768xf32>, vector<8x768xf32> -> vector<8x768xf32>
    %slice3A_30 = vector.extract_strided_slice %convert_element_type3A_4 {offsets = [24, 0], sizes = [8, 1024], strides = [1, 1]} : vector<32x1024xf32> to vector<8x1024xf32>
    %get3A_31 = arith.constant 3 : index
    %get3A_32 = arith.constant 0 : index
    %get3A_33 = arith.constant 0 : index
    %get3A_34 = vector.load %arg1[%get3A_31, %get3A_32, %get3A_33] : memref<4x1024x768xf32, #tpu.memory_space<vmem>>, vector<1x1024x768xf32>
    %get3A_35 = vector.shape_cast %get3A_34 : vector<1x1024x768xf32> to vector<1024x768xf32>
    %dot_general3A_36 = arith.constant dense<0.000000e+00> : vector<8x768xf32>
    %dot_general3A_37 = tpu.matmul %slice3A_30, %get3A_35, %dot_general3A_36 {dimension_numbers = #tpu.dot_dimension_numbers<[1], [0], [0], [1], [0, 0, 1, 1], [], []>, transpose_lhs_hint = false} : vector<8x1024xf32>, vector<1024x768xf32>, vector<8x768xf32> -> vector<8x768xf32>
    %concatenate3A = tpu.concatenate %dot_general3A_13, %dot_general3A_21, %dot_general3A_29, %dot_general3A_37 in 0 : vector<8x768xf32>, vector<8x768xf32>, vector<8x768xf32>, vector<8x768xf32> -> vector<32x768xf32>
    %broadcast_in_dim3A = arith.constant 1.000000e+00 : f32
    %broadcast_in_dim3A_38 = vector.broadcast %broadcast_in_dim3A : f32 to vector<1024x1xf32>
    %dot_general3A_39 = arith.constant dense<0.000000e+00> : vector<32x1xf32>
    %dot_general3A_40 = tpu.matmul %convert_element_type3A_4, %broadcast_in_dim3A_38, %dot_general3A_39 {dimension_numbers = #tpu.dot_dimension_numbers<[1], [0], [0], [1], [0, 0, 1, 1], [], []>, transpose_lhs_hint = false} : vector<32x1024xf32>, vector<1024x1xf32>, vector<32x1xf32> -> vector<32x1xf32>
    %iota3A = tpu.iota {dimensions = array<i32: 0>} : vector<8x32xi32>
    %broadcast_in_dim3A_41 = vector.shape_cast %get3A_7 : vector<1x32xi32> to vector<1x32xi32>
    %broadcast_in_dim3A_42 = vector.broadcast %broadcast_in_dim3A_41 : vector<1x32xi32> to vector<8x32xi32>
    %eq3A = arith.cmpi eq, %broadcast_in_dim3A_42, %iota3A : vector<8x32xi32>
    %convert_element_type3A_43 = arith.extui %eq3A : vector<8x32xi1> to vector<8x32xi32>
    %convert_element_type3A_44 = arith.sitofp %convert_element_type3A_43 : vector<8x32xi32> to vector<8x32xf32>
    %dot_general3A_45 = arith.constant dense<0.000000e+00> : vector<8x768xf32>
    %dot_general3A_46 = tpu.matmul %convert_element_type3A_44, %concatenate3A, %dot_general3A_45 {dimension_numbers = #tpu.dot_dimension_numbers<[1], [0], [0], [1], [0, 0, 1, 1], [], []>, precision = #tpu.contract_precision<fp32>, transpose_lhs_hint = false} : vector<8x32xf32>, vector<32x768xf32>, vector<8x768xf32> -> vector<8x768xf32>
    %dot_general3A_47 = arith.constant dense<0.000000e+00> : vector<8x1xf32>
    %dot_general3A_48 = tpu.matmul %convert_element_type3A_44, %dot_general3A_40, %dot_general3A_47 {dimension_numbers = #tpu.dot_dimension_numbers<[1], [0], [0], [1], [0, 0, 1, 1], [], []>, transpose_lhs_hint = false} : vector<8x32xf32>, vector<32x1xf32>, vector<8x1xf32> -> vector<8x1xf32>
    %max3A = arith.constant 1.000000e+00 : f32
    %max3A_49 = vector.broadcast %max3A : f32 to vector<8x1xf32>
    %max3A_50 = arith.maximumf %dot_general3A_48, %max3A_49 : vector<8x1xf32>
    %div3A = vector.broadcast %max3A_50 : vector<8x1xf32> to vector<8x768xf32>
    %div3A_51 = arith.divf %dot_general3A_46, %div3A : vector<8x768xf32>
    %mul3A = arith.mulf %div3A_51, %div3A_51 : vector<8x768xf32>
    %reduce_sum3A = arith.constant dense<0.000000e+00> : vector<8xf32>
    %reduce_sum3A_52 = vector.multi_reduction <add>, %mul3A, %reduce_sum3A [1] : vector<8x768xf32> to vector<8xf32>
    %broadcast_in_dim3A_53 = vector.shape_cast %reduce_sum3A_52 : vector<8xf32> to vector<8x1xf32>
    %sqrt3A = math.sqrt %broadcast_in_dim3A_53 : vector<8x1xf32>
    %max3A_54 = arith.constant 9.99999996E-13 : f32
    %max3A_55 = vector.broadcast %max3A_54 : f32 to vector<8x1xf32>
    %max3A_56 = arith.maximumf %sqrt3A, %max3A_55 : vector<8x1xf32>
    %div3A_57 = vector.broadcast %max3A_56 : vector<8x1xf32> to vector<8x768xf32>
    %div3A_58 = arith.divf %div3A_51, %div3A_57 : vector<8x768xf32>
    %swap3A = arith.constant 0 : index
    %swap3A_59 = arith.constant 0 : index
    %swap3A_60 = vector.load %arg3[%swap3A, %swap3A_59] : memref<8x768xf32, #tpu.memory_space<vmem>>, vector<8x768xf32>
    tpu.vector_store %arg3[%swap3A, %swap3A_59], %div3A_58 {strides = array<i32>} : memref<8x768xf32, #tpu.memory_space<vmem>>, vector<8x768xf32>,
    %broadcast_in_dim3A_61 = arith.constant 1.000000e+00 : f32
    %broadcast_in_dim3A_62 = vector.broadcast %broadcast_in_dim3A_61 : f32 to vector<32x1xf32>
    %dot_general3A_63 = arith.constant dense<0.000000e+00> : vector<8x1xf32>
    %dot_general3A_64 = tpu.matmul %convert_element_type3A_44, %broadcast_in_dim3A_62, %dot_general3A_63 {dimension_numbers = #tpu.dot_dimension_numbers<[1], [0], [0], [1], [0, 0, 1, 1], [], []>, transpose_lhs_hint = false} : vector<8x32xf32>, vector<32x1xf32>, vector<8x1xf32> -> vector<8x1xf32>
    %convert_element_type3A_65 = arith.fptosi %dot_general3A_64 : vector<8x1xf32> to vector<8x1xi32>
    %swap3A_66 = arith.constant 0 : index
    %swap3A_67 = arith.constant 0 : index
    %swap3A_68 = vector.load %arg5[%swap3A_66, %swap3A_67] : memref<8x1xi32, #tpu.memory_space<vmem>>, vector<8x1xi32>
    tpu.vector_store %arg5[%swap3A_66, %swap3A_67], %convert_element_type3A_65 {strides = array<i32>} : memref<8x1xi32, #tpu.memory_space<vmem>>, vector<8x1xi32>,
    %iota3A_69 = tpu.iota {dimensions = array<i32: 1>} : vector<8x8xi32>
    %iota3A_70 = tpu.iota {dimensions = array<i32: 0>} : vector<8x8xi32>
    %lt3A = arith.cmpi slt, %iota3A_69, %iota3A_70 : vector<8x8xi32>
    %convert_element_type3A_71 = arith.extui %lt3A : vector<8x8xi1> to vector<8x8xi32>
    %convert_element_type3A_72 = arith.sitofp %convert_element_type3A_71 : vector<8x8xi32> to vector<8x8xf32>
    %dot_general3A_73 = arith.constant dense<0.000000e+00> : vector<8x1xf32>
    %dot_general3A_74 = tpu.matmul %convert_element_type3A_72, %dot_general3A_64, %dot_general3A_73 {dimension_numbers = #tpu.dot_dimension_numbers<[1], [0], [0], [1], [0, 0, 1, 1], [], []>, transpose_lhs_hint = false} : vector<8x8xf32>, vector<8x1xf32>, vector<8x1xf32> -> vector<8x1xf32>
    %mul3A_75 = vector.broadcast %dot_general3A_74 : vector<8x1xf32> to vector<8x32xf32>
    %mul3A_76 = arith.mulf %convert_element_type3A_44, %mul3A_75 : vector<8x32xf32>
    %reduce_sum3A_77 = arith.constant dense<0.000000e+00> : vector<32xf32>
    %reduce_sum3A_78 = vector.multi_reduction <add>, %mul3A_76, %reduce_sum3A_77 [0] : vector<8x32xf32> to vector<32xf32>
    %broadcast_in_dim3A_79 = vector.shape_cast %reduce_sum3A_78 : vector<32xf32> to vector<1x32xf32>
    %iota3A_80 = tpu.iota {dimensions = array<i32: 0>} : vector<32x32xi32>
    %iota3A_81 = tpu.iota {dimensions = array<i32: 1>} : vector<32x32xi32>
    %lt3A_82 = arith.cmpi slt, %iota3A_80, %iota3A_81 : vector<32x32xi32>
    %convert_element_type3A_83 = arith.extui %lt3A_82 : vector<32x32xi1> to vector<32x32xi32>
    %convert_element_type3A_84 = arith.sitofp %convert_element_type3A_83 : vector<32x32xi32> to vector<32x32xf32>
    %dot_general3A_85 = arith.constant dense<0.000000e+00> : vector<8x32xf32>
    %dot_general3A_86 = tpu.matmul %convert_element_type3A_44, %convert_element_type3A_84, %dot_general3A_85 {dimension_numbers = #tpu.dot_dimension_numbers<[1], [0], [0], [1], [0, 0, 1, 1], [], []>, transpose_lhs_hint = false} : vector<8x32xf32>, vector<32x32xf32>, vector<8x32xf32> -> vector<8x32xf32>
    %mul3A_87 = arith.mulf %convert_element_type3A_44, %dot_general3A_86 : vector<8x32xf32>
    %reduce_sum3A_88 = arith.constant dense<0.000000e+00> : vector<32xf32>
    %reduce_sum3A_89 = vector.multi_reduction <add>, %mul3A_87, %reduce_sum3A_88 [0] : vector<8x32xf32> to vector<32xf32>
    %broadcast_in_dim3A_90 = vector.shape_cast %reduce_sum3A_89 : vector<32xf32> to vector<1x32xf32>
    %add3A = arith.addf %broadcast_in_dim3A_79, %broadcast_in_dim3A_90 : vector<1x32xf32>
    %iota3A_91 = tpu.iota {dimensions = array<i32: 0>} : vector<32x32xi32>
    %broadcast_in_dim3A_92 = vector.shape_cast %add3A : vector<1x32xf32> to vector<1x32xf32>
    %broadcast_in_dim3A_93 = vector.broadcast %broadcast_in_dim3A_92 : vector<1x32xf32> to vector<32x32xf32>
    %convert_element_type3A_94 = arith.sitofp %iota3A_91 : vector<32x32xi32> to vector<32x32xf32>
    %eq3A_95 = arith.cmpf oeq, %broadcast_in_dim3A_93, %convert_element_type3A_94 : vector<32x32xf32>
    %convert_element_type3A_96 = arith.extui %eq3A_95 : vector<32x32xi1> to vector<32x32xi32>
    %convert_element_type3A_97 = arith.sitofp %convert_element_type3A_96 : vector<32x32xi32> to vector<32x32xf32>
    %dot_general3A_98 = arith.constant dense<0.000000e+00> : vector<32x1024xf32>
    %dot_general3A_99 = tpu.matmul %convert_element_type3A_97, %get3A_1, %dot_general3A_98 {dimension_numbers = #tpu.dot_dimension_numbers<[1], [0], [0], [1], [0, 0, 1, 1], [], []>, transpose_lhs_hint = false} : vector<32x32xf32>, vector<32x1024xf32>, vector<32x1024xf32> -> vector<32x1024xf32>
    %swap3A_100 = arith.constant 0 : index
    %swap3A_101 = arith.constant 0 : index
    %swap3A_102 = vector.load %arg4[%swap3A_100, %swap3A_101] : memref<32x1024xf32, #tpu.memory_space<vmem>>, vector<32x1024xf32>
    tpu.vector_store %arg4[%swap3A_100, %swap3A_101], %dot_general3A_99 {strides = array<i32>} : memref<32x1024xf32, #tpu.memory_space<vmem>>, vector<32x1024xf32>,
    return
  }
}

</mosaic_0001>

<sc_bundles>
// kernel: kernel.6.cloned.1.call-start
scs
__scs_entry_jumppad:
0x0: {  	(pc) =	sbr.rel $0x88, $3  }
0x1: {  	(tag) =	ssettag $0x0;
	lr =	simm.s32 $0x1  }
0x2: {  	[smem:$0x3F9E] =	sst lr;
	_ =	strace $0xD0000000  }
0x3: {  	_ = 	snop  }
0x4: {  	_ = 	snop  }
0x5: {  	_ = 	snop  }
0x6: {  	_ = 	snop  }
0x7: {  	_ = 	snop  }
__scs_overlays_trampoline_lowered:
0x8: {  	[smem:$0x3FAD] =	sst s0  }
0x9: {  	[smem:$0x3FAE] =	sst s1  }
0xa: {  	[smem:$0x3FAF] =	sst s2  }
0xb: {  	[smem:$0x3FB0] =	sst s3  }
0xc: {  	[smem:$0x3FB1] =	sst s4  }
0xd: {  	[smem:$0x3FB2] =	sst s5  }
0xe: {  	[smem:$0x3FB3] =	sst s6  }
0xf: {  	[smem:$0x3FB4] =	sst s7  }
0x10: {  	[smem:$0x3FB5] =	sst s8  }
0x11: {  	[smem:$0x3FB6] =	sst s9;
	s0 =	simm.s32 @!p0 $0x0  }
0x12: {  	s1 =	sld [smem:$0x3F9C];
	s0 =	simm.s32 @p0 $0x1  }
0x13: {  	[smem:$0x3FB7] =	sst s0;
	s0 =	simm.s32 @!p1 $0x0  }
0x14: {  	s2 =	sld [smem:$0x3F9B];
	s0 =	simm.s32 @p1 $0x1  }
0x15: {  	[smem:$0x3FB8] =	sst s0;
	s0 =	simm.s32 @!p2 $0x0  }
0x16: {  	s3 =	sld [smem:$0x3FDB];
	s0 =	simm.s32 @p2 $0x1  }
0x17: {  	s4 =	simm.s32 $0x1BF5;
	[smem:$0x3FBA] =	sst s0  }
0x18: {  	s0 =	sld [smem:$0x3F9D];
	_ =	swait.ge [sflag:s4], $0x0  }
0x19: {  	s7 =	sld [smem:$0x3F9E]  }
0x1a: {  	s8 =	sadd.s32 $0xFFFFE003, lr  }
0x1b: {  	s9 =	sadd.s32 $0xFFFFFEF7, lr;
	s5 =	simm.s32 $0xFFFFFFFF;
	p2 =	slt.u32 s8, $0xFFFFF086  }
0x1c: {  	p1 =	slt.u32 s9, $0xF7A;
	s5 =	simm.s32 @!p2 $0x0  }
0x1d: {  	s5 =	simm.s32 @p1 $0x1;
	p0 =	seq.s32 s7, s2  }
0x1e: {  	s7 =	smul.u32 @!p0 $0xF7A, s2;
	p2 =	seq.s32 @!p0 s5, $0x0  }
0x1f: {  	s9 =	smul.u32 $0xF7A, s1;
	s8 =	simm.s32 @!p0 $0x1BF5;
	p2 =	por !p2, p0  }
0x20: {  	[sflag:s8] =	ssyncset.s32 @!p0 $0xFFFFF086;
	s6 =	sadd.s32 @!p0 s3, s7;
	s7 =	simm.s32 @!p0 $0x108  }
0x21: {  	s3 =	sadd.s32 s3, s9;
	s6 =	sadd.s32 @!p0 $0x88, s6;
	s7 =	simm.s32 @p2 $0x1082  }
0x22: {  	[simem:s7], [sflag:s8] =	dma.local @!p0 [hbm:s6], $0xF7A  }
0x23: {  	s9 =	sor.u32 $0xD0000000, s2;
	s6 =	simm.s32 $0x108;
	_ =	swait.ge @!p0 [sflag:s8], $0x0  }
0x24: {  	s3 =	sadd.s32 $0x88, s3;
	s6 =	simm.s32 @!p1 $0x1082;
	[sflag:s4] =	ssyncset.s32 $0xFFFFF086  }
0x25: {  	[simem:s6], [sflag:s4] =	dma.local [hbm:s3], $0xF7A  }
0x26: {  	[smem:$0x3F9E] =	sst s1;
	(tag) =	ssettag s2;
	_ =	strace s9  }
0x27: {  	s1 =	sld [smem:$0x3FAE]  }
0x28: {  	s2 =	sld [smem:$0x3FAF]  }
0x29: {  	s4 =	sld [smem:$0x3FB1]  }
0x2a: {  	p0 =	seq.s32 s5, $0x0;
	s5 =	sld [smem:$0x3FB2]  }
0x2b: {  	s6 =	sld [smem:$0x3FB3]  }
0x2c: {  	s7 =	sld [smem:$0x3FB4]  }
0x2d: {  	s3 =	simm.s32 $0x108;
	s8 =	sld [smem:$0x3FB5]  }
0x2e: {  	s3 =	simm.s32 @!p0 $0x1082;
	s9 =	sld [smem:$0x3FB6]  }
0x2f: {  	lr =	sadd.s32 s0, s3;
	s0 =	sld [smem:$0x3FAD]  }
0x30: {  	s3 =	sld [smem:$0x3FB0]  }
0x31: {  	[smem:$0x3FB9] =	sst s10  }
0x32: {  	s10 =	sld [smem:$0x3FB7];
	_ =	sdelay $0x3  }
0x33: {  	p0 =	seq.s32 s10, $0x1;
	s10 =	sld [smem:$0x3FB9];
	_ =	sdelay $0x3  }
0x34: {  	[smem:$0x3FB9] =	sst s10  }
0x35: {  	s10 =	sld [smem:$0x3FB8];
	_ =	sdelay $0x3  }
0x36: {  	p1 =	seq.s32 s10, $0x1;
	s10 =	sld [smem:$0x3FB9];
	_ =	sdelay $0x3  }
0x37: {  	[smem:$0x3FB9] =	sst s10  }
0x38: {  	s10 =	sld [smem:$0x3FBA]  }
0x39: {  	_ = 	snop;
	(pc) =	sbr.ind lr, $3  }
0x3a: {  	_ = 	snop  }
0x3b: {  	_ = 	snop  }
0x3c: {  	p2 =	seq.s32 s10, $0x1;
	s10 =	sld [smem:$0x3FB9]  }
0x3d: {  	_ =	shalt  }
0x3e: {  	_ =	shalt  }
0x3f: {  	_ =	shalt  }
0x40: {  	_ =	shalt  }
0x41: {  	_ =	shalt  }
0x42: {  	_ =	shalt  }
0x43: {  	_ =	shalt  }
0x44: {  	_ =	shalt  }
0x45: {  	_ =	shalt  }
0x46: {  	_ =	shalt  }
0x47: {  	_ =	shalt  }
0x48: {  	_ =	shalt  }
0x49: {  	_ =	shalt  }
0x4a: {  	_ =	shalt  }
0x4b: {  	_ =	shalt  }
0x4c: {  	_ =	shalt  }
0x4d: {  	_ =	shalt  }
0x4e: {  	_ =	shalt  }
0x4f: {  	_ =	shalt  }
0x50: {  	_ =	shalt  }
0x51: {  	_ =	shalt  }
0x52: {  	_ =	shalt  }
0x53: {  	_ =	shalt  }
0x54: {  	_ =	shalt  }
0x55: {  	_ =	shalt  }
0x56: {  	_ =	shalt  }
0x57: {  	_ =	shalt  }
0x58: {  	_ =	shalt  }
0x59: {  	_ =	shalt  }
0x5a: {  	_ =	shalt  }
0x5b: {  	_ =	shalt  }
0x5c: {  	_ =	shalt  }
0x5d: {  	_ =	shalt  }
0x5e: {  	_ =	shalt  }
0x5f: {  	_ =	shalt  }
0x60: {  	_ =	shalt  }
0x61: {  	_ =	shalt  }
0x62: {  	_ =	shalt  }
0x63: {  	_ =	shalt  }
0x64: {  	_ =	shalt  }
0x65: {  	_ =	shalt  }
0x66: {  	_ =	shalt  }
0x67: {  	_ =	shalt  }
0x68: {  	_ =	shalt  }
0x69: {  	_ =	shalt  }
0x6a: {  	_ =	shalt  }
0x6b: {  	_ =	shalt  }
0x6c: {  	_ =	shalt  }
0x6d: {  	_ =	shalt  }
0x6e: {  	_ =	shalt  }
0x6f: {  	_ =	shalt  }
0x70: {  	_ =	shalt  }
0x71: {  	_ =	shalt  }
0x72: {  	_ =	shalt  }
0x73: {  	_ =	shalt  }
0x74: {  	_ =	shalt  }
0x75: {  	_ =	shalt  }
0x76: {  	_ =	shalt  }
0x77: {  	_ =	shalt  }
0x78: {  	_ =	shalt  }
0x79: {  	_ =	shalt  }
0x7a: {  	_ =	shalt  }
0x7b: {  	_ =	shalt  }
0x7c: {  	_ =	shalt  }
0x7d: {  	_ =	shalt  }
0x7e: {  	_ =	shalt  }
0x7f: {  	_ =	shalt  }
0x80: {  	_ =	shalt  }
0x81: {  	_ =	shalt  }
0x82: {  	_ =	shalt  }
0x83: {  	_ =	shalt  }
0x84: {  	_ =	shalt  }
0x85: {  	_ =	shalt  }
0x86: {  	_ =	shalt  }
0x87: {  	_ =	shalt  }
.Lfunc_end0:
.L_simem_size_0:
called_computation_lowered:
.L_overlay_start_0:
0x88: {  	s2 =	sld [smem:$0x3FD9]  }
0x89: {  	s3 =	sld [smem:$0x3FFE];
	_ =	sdelay $0x1  }
0x8a: {  	s1 =	srdreg.scid  }
0x8b: {  	s0 =	sand.u32 $0x1, s1  }
0x8c: {  	s14 =	sshll.u32 s0, $0xA;
	s2 =	sadd.s32 s3, s2  }
0x8d: {  	s2 =	sadd.s32 s2, s14  }
0x8e: {  	[smem:$0x3FC5] =	sst s2  }
0x8f: {  	_ = 	snop  }
0x90: {  	s2 =	sld [smem:$0x3FD0];
	_ =	sdelay $0x2  }
0x91: {  	s4 =	simm.s32 $0xA;
	s5 =	simm.s32 $0x10;
	s15 =	sld [smem:$0x3FC9]  }
0x92: {  	[smem:s5], [sflag:s4] =	dma.local [hbm:s2], $0x1  }
0x93: {  	_ =	swait.eq [sflag:s4], $0x1  }
0x94: {  	[sflag:s4] =	ssyncset.done $0x0  }
0x95: {  	[sflag:s4] =	ssyncadd.s32 $0xFFFFFFFF  }
0x96: {  	s16 =	sld [smem:$0x12];
	(tm) =	ssettm $0x1  }
0x97: {  	s17 =	sld [smem:$0x3FFB];
	_ =	sdelay $0x3  }
0x98: {  	_ =	strace s17  }
0x99: {  	s4 =	sld [smem:$0x3FFC];
	_ =	sdelay $0x3  }
0x9a: {  	_ =	strace s4  }
0x9b: {  	s4 =	sld [smem:$0x3FFD];
	_ =	sdelay $0x3  }
0x9c: {  	_ =	strace s4  }
0x9d: {  	_ =	strace $0x8FFFFFFF  }
0x9e: {  	s18 =	sld [smem:$0x3FDB];
	_ =	sdelay $0x1  }
0x9f: {  	s19 =	simm.s32 $_scs_section_size  }
0xa0: {  	s6 =	simm.s32 $_size__tile_overlayer_lowered;
	s7 =	simm.s32 $_tile_overlayer_lowered  }
0xa1: {  	s22 =	simm.s32 $0x1BFF;
	s21 =	sshll.u32 s7, $0x1;
	s4 =	sadd.s32 s19, s18  }
0xa2: {  	s8 =	simm.s32 $0x0;
	s20 =	sshll.u32 s6, $0x1;
	s6 =	sadd.s32 s21, s4  }
0xa3: {  	[timem:s8], [sflag:s22] =	dma.local [hbm:s6], s20  }
0xa4: {  	_ =	swait.ge [sflag:s22], s20  }
0xa5: {  	s5 =	ssub.s32 $0x0, s20;
	[sflag:s22] =	ssyncset.done $0x0  }
0xa6: {  	[sflag:s22] =	ssyncadd.s32 s5;
	_ =	sdelay $0x1  }
0xa7: {  	s23 =	simm.s32 $0x1B8B  }
0xa8: {  	_ =	swait.ge [sflag:s23], $0x1  }
0xa9: {  	[sflag:s23] =	ssyncset.done $0x0  }
0xaa: {  	s25 =	simm.s32 $0x1B8E;
	s24 =	sld [smem:$0x3FFE];
	[sflag:s23] =	ssyncadd.s32 $0xFFFFFFFF  }
0xab: {  	s26 =	simm.s32 $execute0_lowered;
	[smem:$0x3FD2] =	sst s25  }
0xac: {  	s6 =	sshll.u32 s26, $0x1;
	_ =	strace $0x80000046;
	[dreg:$0x1] =	wrdreg $0xFFFFFFFF  }
0xad: {  	s28 =	simm.s32 $_size_execute0_lowered;
	s4 =	sadd.s32 s4, s6;
	[dreg:$0x0] =	wrdreg $0x0  }
0xae: {  	s6 =	sshll.u32 s28, $0x1;
	[dreg:$0x2] =	wrdreg s4  }
0xaf: {  	[dreg:$0x3] =	wrdreg s6  }
0xb0: {  	[dreg:$0x4] =	wrdreg $0xC0  }
0xb1: {  	_ =	task [dreg:s8], $0x5FFFF  }
0xb2: {  	[dreg:$0x1] =	wrdreg $0xFFFFFFFF  }
0xb3: {  	[dreg:$0x0] =	wrdreg $0x60  }
0xb4: {  	[dreg:$0x2] =	wrdreg s24  }
0xb5: {  	[dreg:$0x3] =	wrdreg s15  }
0xb6: {  	[dreg:$0x4] =	wrdreg s16  }
0xb7: {  	[dreg:$0x5] =	wrdreg $0x9  }
0xb8: {  	_ =	task.clear_ibuf [dreg:s8], $0x6FFFF;
	_ =	strace $0x90000046  }
0xb9: {  	s29 =	simm.s32 $0x9;
	_ =	strace $0x80000048  }
0xba: {  	_ =	swait.ge [sflag:s29], $0x1  }
0xbb: {  	[sflag:s29] =	ssyncadd.s32 $0xFFFFFFFF  }
0xbc: {  	_ =	strace $0x90000048  }
0xbd: {  	_ =	sfence  }
0xbe: {  	s30 =	sld [smem:$0x0];
	_ =	sdelay $0x2  }
0xbf: {  	s31 =	sshll.u32 s1, $0xD;
	s1 =	sshrl.u32 s1, $0x2  }
0xc0: {  	s3 =	sand.u32 $0x4000, s31;
	s1 =	sadd.s32 s1, s30  }
0xc1: {  	s0 =	sor.u32 s3, s0;
	s1 =	sshll.u32 s1, $0x11  }
0xc2: {  	s0 =	sor.u32 s1, s0  }
0xc3: {  	s0 =	sadd.s32 $0x8F2B, s0  }
0xc4: {  	[sflag:s0] =	ssyncadd.remote.s32 $0x1  }
0xc5: {  	_ =	sfence.sel $0xFFFF  }
0xc6: {  	[dreg:$0x0] =	wrdreg $0xFFFFFFFF;
	(pc) =	sbr.abs _section_cstart, $3  }
0xc7: {  	[dreg:$0x1] =	wrdreg $0xFFFFFFFF  }
0xc8: {  	_ =	task.clear_ibuf [dreg:s8], $0x2FFFF;
	_ =	strace $0x9FFFFFFF  }
0xc9: {  	(tm) =	ssettm $0x7FFFFFFF  }
tec
execute0_lowered:
.L_overlay_start_1:
0x0: {  	(tag) =	ssettag $0x1  }
0x1: {  	s0 =	srdreg.scid  }
0x2: {  	s3 =	stileid.u32;
	s1 =	rddreg [dreg:$0x0]  }
0x3: {  	s4 =	rddreg [dreg:$0x1];
	s0 =	sand.u32 $0x1, s0;
	s2 =	sshll.u32 s3, $0x1  }
0x4: {  	s3 =	sshll.u32 s3, $0x5;
	s5 =	sor.u32 s0, s2;
	s2 =	rddreg [dreg:$0x2]  }
0x5: {  	s7 =	sand.u32 $0x180, s3;
	s3 =	simm.s32 $0x0;
	s6 =	sshll.u32 s5, $0x4  }
0x6: {  	s0 =	ssub.s32 $0x2, s0;
	s5 =	sshll.u32 s5, $0x7;
	s6 =	sand.u32 $0x70, s6  }
0x7: {  	[smem:$0x7FF] =	sst s3;
	s30 =	sshrl.u32 s0, $0x1;
	s6 =	sor.u32 s7, s6  }
0x8: {  	s1 =	sadd.s32 s5, s1;
	_ =	strace $0x80000047;
	s29 =	smul.u32 $0x300, s6  }
0x9: {  	v2 =	vlaneseq.u32;
	s0 =	ssub.s32 s0, s30;
	s5 =	sadd.s32 $0x200, s2;
	s1 =	sadd.s32 $0xE00, s1  }
0xa: {  	vm0 =	vmmov $0xffff;
	v1 =	vshrl.u32 v2, $0x3;
	[dreg:$0x4] =	wrdreg s1;
	s1 =	smax.u32 s0, $0x1;
	s31 =	sadd.s32 s4, s29  }
0xb: {  	v0 =	vand.u32 $0x7, v2;
	v2 =	vor.u32 $0x8, v2;
	v1 =	vmul.u32 $0x8, v1;
	s0 =	simm.s32 $0x2;
	s4 =	sadd.s32 $0x100, s2;
	[dreg:$0x5] =	wrdreg s31  }
.LBB2_1:
0xc: {  	[dreg:$0x6] =	wrdreg s1  }
0xd: {  	s7 =	rddreg [dreg:$0x4];
	s9 =	simm.s32 $0x3  }
0xe: {  	[tilespmem:s3], [sflag:$0x3] =	stream.linear.gather [hbm4b:s7+s3], $0x400, $0x38;
	[tilespmem:$0x18400] =	vst v63  }
0xf: {  	_ =	swait.ge [sflag:s9], $0x400  }
0x10: {  	s16 =	simm.s32 $0x400;
	[sflag:s9] =	ssyncset.done $0x0  }
0x11: {  	s18 =	simm.s32 $0x1;
	s15 =	rddreg [dreg:$0x5];
	[sflag:s9] =	ssyncadd.s32 $0xFFFFFC00  }
0x12: {  	[tilespmem:s16], [sflag:$0x1] =	stream.linear.gather [hbm4b:s15+s3], $0x18000, $0x38;
	[tilespmem:$0x18400] =	vst v63  }
0x13: {  	_ =	swait.ge [sflag:s18], $0x18000  }
0x14: {  	[sflag:s18] =	ssyncset.done $0x0  }
0x15: {  	[sflag:s18] =	ssyncadd.s32 $0xFFFE8000  }
0x16: {  	v3 =	vld [tilespmem:$0x0];
	_ =	sdelay $0x4  }
0x17: {  	v4 =	vshrl.u32 v3, $0x3  }
0x18: {  	v4 =	vmul.u32 $0x30, v4  }
0x19: {  	v3 =	vand.u32 $0x7, v3  }
0x1a: {  	v3 =	vor.u32 v3, v4  }
0x1b: {  	v4 =	vperm.xlane v3, v0;
	_ =	sdelay $0x1  }
0x1c: {  	v4 =	vadd.s32 v1, v4;
	_ =	sdelay $0x3  }
0x1d: {  	s17 =	simm.s32 $0x400;
	v3 =	vperm.xlane v3, v2  }
0x1e: {  	[hbm4b:s2+s3] =	stream.indirect_vreg.scatter [tilespmem:s17], [sflag:$0x2], $0x80, v4, vm0, $0xb8;
	[tilespmem:$0x18400] =	vst v63  }
0x1f: {  	s19 =	simm.s32 $0xC00;
	v3 =	vadd.s32 v1, v3  }
0x20: {  	[hbm4b:s4+s3] =	stream.indirect_vreg.scatter [tilespmem:s19], [sflag:$0x2], $0x80, v4, vm0, $0xb8;
	[tilespmem:$0x18400] =	vst v63  }
0x21: {  	s20 =	simm.s32 $0x1400  }
0x22: {  	[hbm4b:s5+s3] =	stream.indirect_vreg.scatter [tilespmem:s20], [sflag:$0x2], $0x80, v4, vm0, $0xb8;
	[tilespmem:$0x18400] =	vst v63  }
0x23: {  	s21 =	simm.s32 $0x1C00  }
0x24: {  	[hbm4b:s2+s3] =	stream.indirect_vreg.scatter [tilespmem:s21], [sflag:$0x2], $0x80, v3, vm0, $0xb8;
	[tilespmem:$0x18400] =	vst v63  }
0x25: {  	s22 =	simm.s32 $0x2400  }
0x26: {  	[hbm4b:s4+s3] =	stream.indirect_vreg.scatter [tilespmem:s22], [sflag:$0x2], $0x80, v3, vm0, $0xb8;
	[tilespmem:$0x18400] =	vst v63  }
0x27: {  	s23 =	simm.s32 $0x2C00  }
0x28: {  	[hbm4b:s5+s3] =	stream.indirect_vreg.scatter [tilespmem:s23], [sflag:$0x2], $0x80, v3, vm0, $0xb8;
	[tilespmem:$0x18400] =	vst v63  }
0x29: {  	v3 =	vld [tilespmem:$0x10];
	_ =	sdelay $0x4  }
0x2a: {  	v57 =	vshrl.u32 v3, $0x3  }
0x2b: {  	v4 =	vmul.u32 $0x30, v57  }
0x2c: {  	v3 =	vand.u32 $0x7, v3  }
0x2d: {  	v3 =	vor.u32 v3, v4  }
0x2e: {  	v4 =	vperm.xlane v3, v0;
	_ =	sdelay $0x1  }
0x2f: {  	v4 =	vadd.s32 v1, v4;
	_ =	sdelay $0x3  }
0x30: {  	s24 =	simm.s32 $0x3400;
	v3 =	vperm.xlane v3, v2  }
0x31: {  	[hbm4b:s2+s3] =	stream.indirect_vreg.scatter [tilespmem:s24], [sflag:$0x2], $0x80, v4, vm0, $0xb8;
	[tilespmem:$0x18400] =	vst v63  }
0x32: {  	s25 =	simm.s32 $0x3C00;
	v3 =	vadd.s32 v1, v3  }
0x33: {  	[hbm4b:s4+s3] =	stream.indirect_vreg.scatter [tilespmem:s25], [sflag:$0x2], $0x80, v4, vm0, $0xb8;
	[tilespmem:$0x18400] =	vst v63  }
0x34: {  	s26 =	simm.s32 $0x4400  }
0x35: {  	[hbm4b:s5+s3] =	stream.indirect_vreg.scatter [tilespmem:s26], [sflag:$0x2], $0x80, v4, vm0, $0xb8;
	[tilespmem:$0x18400] =	vst v63  }
0x36: {  	s28 =	simm.s32 $0x4C00  }
0x37: {  	[hbm4b:s2+s3] =	stream.indirect_vreg.scatter [tilespmem:s28], [sflag:$0x2], $0x80, v3, vm0, $0xb8;
	[tilespmem:$0x18400] =	vst v63  }
0x38: {  	s29 =	simm.s32 $0x5400  }
0x39: {  	[hbm4b:s4+s3] =	stream.indirect_vreg.scatter [tilespmem:s29], [sflag:$0x2], $0x80, v3, vm0, $0xb8;
	[tilespmem:$0x18400] =	vst v63  }
0x3a: {  	s30 =	simm.s32 $0x5C00  }
0x3b: {  	[hbm4b:s5+s3] =	stream.indirect_vreg.scatter [tilespmem:s30], [sflag:$0x2], $0x80, v3, vm0, $0xb8;
	[tilespmem:$0x18400] =	vst v63  }
0x3c: {  	v3 =	vld [tilespmem:$0x20];
	_ =	sdelay $0x4  }
0x3d: {  	v58 =	vshrl.u32 v3, $0x3  }
0x3e: {  	v4 =	vmul.u32 $0x30, v58  }
0x3f: {  	v3 =	vand.u32 $0x7, v3  }
0x40: {  	v3 =	vor.u32 v3, v4  }
0x41: {  	v4 =	vperm.xlane v3, v0;
	_ =	sdelay $0x1  }
0x42: {  	v4 =	vadd.s32 v1, v4;
	_ =	sdelay $0x3  }
0x43: {  	s31 =	simm.s32 $0x6400;
	v3 =	vperm.xlane v3, v2  }
0x44: {  	[hbm4b:s2+s3] =	stream.indirect_vreg.scatter [tilespmem:s31], [sflag:$0x2], $0x80, v4, vm0, $0xb8;
	[tilespmem:$0x18400] =	vst v63  }
0x45: {  	s7 =	simm.s32 $0x6C00;
	v3 =	vadd.s32 v1, v3  }
0x46: {  	[hbm4b:s4+s3] =	stream.indirect_vreg.scatter [tilespmem:s7], [sflag:$0x2], $0x80, v4, vm0, $0xb8;
	[tilespmem:$0x18400] =	vst v63  }
0x47: {  	s8 =	simm.s32 $0x7400  }
0x48: {  	[hbm4b:s5+s3] =	stream.indirect_vreg.scatter [tilespmem:s8], [sflag:$0x2], $0x80, v4, vm0, $0xb8;
	[tilespmem:$0x18400] =	vst v63  }
0x49: {  	s9 =	simm.s32 $0x7C00  }
0x4a: {  	[hbm4b:s2+s3] =	stream.indirect_vreg.scatter [tilespmem:s9], [sflag:$0x2], $0x80, v3, vm0, $0xb8;
	[tilespmem:$0x18400] =	vst v63  }
0x4b: {  	s10 =	simm.s32 $0x8400  }
0x4c: {  	[hbm4b:s4+s3] =	stream.indirect_vreg.scatter [tilespmem:s10], [sflag:$0x2], $0x80, v3, vm0, $0xb8;
	[tilespmem:$0x18400] =	vst v63  }
0x4d: {  	s11 =	simm.s32 $0x8C00  }
0x4e: {  	[hbm4b:s5+s3] =	stream.indirect_vreg.scatter [tilespmem:s11], [sflag:$0x2], $0x80, v3, vm0, $0xb8;
	[tilespmem:$0x18400] =	vst v63  }
0x4f: {  	v3 =	vld [tilespmem:$0x30];
	_ =	sdelay $0x4  }
0x50: {  	v59 =	vshrl.u32 v3, $0x3  }
0x51: {  	v4 =	vmul.u32 $0x30, v59  }
0x52: {  	v3 =	vand.u32 $0x7, v3  }
0x53: {  	v3 =	vor.u32 v3, v4  }
0x54: {  	v4 =	vperm.xlane v3, v0;
	_ =	sdelay $0x1  }
0x55: {  	v4 =	vadd.s32 v1, v4;
	_ =	sdelay $0x3  }
0x56: {  	s12 =	simm.s32 $0x9400;
	v3 =	vperm.xlane v3, v2  }
0x57: {  	[hbm4b:s2+s3] =	stream.indirect_vreg.scatter [tilespmem:s12], [sflag:$0x2], $0x80, v4, vm0, $0xb8;
	[tilespmem:$0x18400] =	vst v63  }
0x58: {  	s13 =	simm.s32 $0x9C00;
	v3 =	vadd.s32 v1, v3  }
0x59: {  	[hbm4b:s4+s3] =	stream.indirect_vreg.scatter [tilespmem:s13], [sflag:$0x2], $0x80, v4, vm0, $0xb8;
	[tilespmem:$0x18400] =	vst v63  }
0x5a: {  	s14 =	simm.s32 $0xA400  }
0x5b: {  	[hbm4b:s5+s3] =	stream.indirect_vreg.scatter [tilespmem:s14], [sflag:$0x2], $0x80, v4, vm0, $0xb8;
	[tilespmem:$0x18400] =	vst v63  }
0x5c: {  	s15 =	simm.s32 $0xAC00  }
0x5d: {  	[hbm4b:s2+s3] =	stream.indirect_vreg.scatter [tilespmem:s15], [sflag:$0x2], $0x80, v3, vm0, $0xb8;
	[tilespmem:$0x18400] =	vst v63  }
0x5e: {  	s16 =	simm.s32 $0xB400  }
0x5f: {  	[hbm4b:s4+s3] =	stream.indirect_vreg.scatter [tilespmem:s16], [sflag:$0x2], $0x80, v3, vm0, $0xb8;
	[tilespmem:$0x18400] =	vst v63  }
0x60: {  	s17 =	simm.s32 $0xBC00  }
0x61: {  	[hbm4b:s5+s3] =	stream.indirect_vreg.scatter [tilespmem:s17], [sflag:$0x2], $0x80, v3, vm0, $0xb8;
	[tilespmem:$0x18400] =	vst v63  }
0x62: {  	v3 =	vld [tilespmem:$0x40];
	_ =	sdelay $0x4  }
0x63: {  	v60 =	vshrl.u32 v3, $0x3  }
0x64: {  	v4 =	vmul.u32 $0x30, v60  }
0x65: {  	v3 =	vand.u32 $0x7, v3  }
0x66: {  	v3 =	vor.u32 v3, v4  }
0x67: {  	v4 =	vperm.xlane v3, v0;
	_ =	sdelay $0x1  }
0x68: {  	v4 =	vadd.s32 v1, v4;
	_ =	sdelay $0x3  }
0x69: {  	s8 =	simm.s32 $0xC400;
	v3 =	vperm.xlane v3, v2  }
0x6a: {  	[hbm4b:s2+s3] =	stream.indirect_vreg.scatter [tilespmem:s8], [sflag:$0x2], $0x80, v4, vm0, $0xb8;
	[tilespmem:$0x18400] =	vst v63  }
0x6b: {  	s20 =	simm.s32 $0xCC00;
	v3 =	vadd.s32 v1, v3  }
0x6c: {  	[hbm4b:s4+s3] =	stream.indirect_vreg.scatter [tilespmem:s20], [sflag:$0x2], $0x80, v4, vm0, $0xb8;
	[tilespmem:$0x18400] =	vst v63  }
0x6d: {  	s21 =	simm.s32 $0xD400  }
0x6e: {  	[hbm4b:s5+s3] =	stream.indirect_vreg.scatter [tilespmem:s21], [sflag:$0x2], $0x80, v4, vm0, $0xb8;
	[tilespmem:$0x18400] =	vst v63  }
0x6f: {  	s24 =	simm.s32 $0xDC00  }
0x70: {  	[hbm4b:s2+s3] =	stream.indirect_vreg.scatter [tilespmem:s24], [sflag:$0x2], $0x80, v3, vm0, $0xb8;
	[tilespmem:$0x18400] =	vst v63  }
0x71: {  	s25 =	simm.s32 $0xE400  }
0x72: {  	[hbm4b:s4+s3] =	stream.indirect_vreg.scatter [tilespmem:s25], [sflag:$0x2], $0x80, v3, vm0, $0xb8;
	[tilespmem:$0x18400] =	vst v63  }
0x73: {  	s29 =	simm.s32 $0xEC00  }
0x74: {  	[hbm4b:s5+s3] =	stream.indirect_vreg.scatter [tilespmem:s29], [sflag:$0x2], $0x80, v3, vm0, $0xb8;
	[tilespmem:$0x18400] =	vst v63  }
0x75: {  	v3 =	vld [tilespmem:$0x50];
	_ =	sdelay $0x4  }
0x76: {  	v61 =	vshrl.u32 v3, $0x3  }
0x77: {  	v4 =	vmul.u32 $0x30, v61  }
0x78: {  	v3 =	vand.u32 $0x7, v3  }
0x79: {  	v3 =	vor.u32 v3, v4  }
0x7a: {  	v4 =	vperm.xlane v3, v0;
	_ =	sdelay $0x1  }
0x7b: {  	v4 =	vadd.s32 v1, v4;
	_ =	sdelay $0x3  }
0x7c: {  	s30 =	simm.s32 $0xF400;
	v3 =	vperm.xlane v3, v2  }
0x7d: {  	[hbm4b:s2+s3] =	stream.indirect_vreg.scatter [tilespmem:s30], [sflag:$0x2], $0x80, v4, vm0, $0xb8;
	[tilespmem:$0x18400] =	vst v63  }
0x7e: {  	s1 =	simm.s32 $0xFC00;
	v3 =	vadd.s32 v1, v3  }
0x7f: {  	[hbm4b:s4+s3] =	stream.indirect_vreg.scatter [tilespmem:s1], [sflag:$0x2], $0x80, v4, vm0, $0xb8;
	[tilespmem:$0x18400] =	vst v63  }
0x80: {  	s9 =	simm.s32 $0x10400  }
0x81: {  	[hbm4b:s5+s3] =	stream.indirect_vreg.scatter [tilespmem:s9], [sflag:$0x2], $0x80, v4, vm0, $0xb8;
	[tilespmem:$0x18400] =	vst v63  }
0x82: {  	s10 =	simm.s32 $0x10C00  }
0x83: {  	[hbm4b:s2+s3] =	stream.indirect_vreg.scatter [tilespmem:s10], [sflag:$0x2], $0x80, v3, vm0, $0xb8;
	[tilespmem:$0x18400] =	vst v63  }
0x84: {  	s12 =	simm.s32 $0x11400  }
0x85: {  	[hbm4b:s4+s3] =	stream.indirect_vreg.scatter [tilespmem:s12], [sflag:$0x2], $0x80, v3, vm0, $0xb8;
	[tilespmem:$0x18400] =	vst v63  }
0x86: {  	s13 =	simm.s32 $0x11C00  }
0x87: {  	[hbm4b:s5+s3] =	stream.indirect_vreg.scatter [tilespmem:s13], [sflag:$0x2], $0x80, v3, vm0, $0xb8;
	[tilespmem:$0x18400] =	vst v63  }
0x88: {  	v3 =	vld [tilespmem:$0x60];
	_ =	sdelay $0x4  }
0x89: {  	v62 =	vshrl.u32 v3, $0x3  }
0x8a: {  	v4 =	vmul.u32 $0x30, v62  }
0x8b: {  	v3 =	vand.u32 $0x7, v3  }
0x8c: {  	v3 =	vor.u32 v3, v4  }
0x8d: {  	v4 =	vperm.xlane v3, v0;
	_ =	sdelay $0x1  }
0x8e: {  	v4 =	vadd.s32 v1, v4;
	_ =	sdelay $0x3  }
0x8f: {  	s14 =	simm.s32 $0x12400;
	v3 =	vperm.xlane v3, v2  }
0x90: {  	[hbm4b:s2+s3] =	stream.indirect_vreg.scatter [tilespmem:s14], [sflag:$0x2], $0x80, v4, vm0, $0xb8;
	[tilespmem:$0x18400] =	vst v63  }
0x91: {  	s15 =	simm.s32 $0x12C00;
	v3 =	vadd.s32 v1, v3  }
0x92: {  	[hbm4b:s4+s3] =	stream.indirect_vreg.scatter [tilespmem:s15], [sflag:$0x2], $0x80, v4, vm0, $0xb8;
	[tilespmem:$0x18400] =	vst v63  }
0x93: {  	s16 =	simm.s32 $0x13400  }
0x94: {  	[hbm4b:s5+s3] =	stream.indirect_vreg.scatter [tilespmem:s16], [sflag:$0x2], $0x80, v4, vm0, $0xb8;
	[tilespmem:$0x18400] =	vst v63  }
0x95: {  	s17 =	simm.s32 $0x13C00  }
0x96: {  	[hbm4b:s2+s3] =	stream.indirect_vreg.scatter [tilespmem:s17], [sflag:$0x2], $0x80, v3, vm0, $0xb8;
	[tilespmem:$0x18400] =	vst v63  }
0x97: {  	s20 =	simm.s32 $0x14400  }
0x98: {  	[hbm4b:s4+s3] =	stream.indirect_vreg.scatter [tilespmem:s20], [sflag:$0x2], $0x80, v3, vm0, $0xb8;
	[tilespmem:$0x18400] =	vst v63  }
0x99: {  	s21 =	simm.s32 $0x14C00  }
0x9a: {  	[hbm4b:s5+s3] =	stream.indirect_vreg.scatter [tilespmem:s21], [sflag:$0x2], $0x80, v3, vm0, $0xb8;
	[tilespmem:$0x18400] =	vst v63  }
0x9b: {  	v3 =	vld [tilespmem:$0x70];
	_ =	sdelay $0x4  }
0x9c: {  	v63 =	vshrl.u32 v3, $0x3  }
0x9d: {  	v4 =	vmul.u32 $0x30, v63  }
0x9e: {  	v3 =	vand.u32 $0x7, v3  }
0x9f: {  	v3 =	vor.u32 v3, v4  }
0xa0: {  	v4 =	vperm.xlane v3, v0;
	_ =	sdelay $0x1  }
0xa1: {  	v4 =	vadd.s32 v1, v4;
	_ =	sdelay $0x3  }
0xa2: {  	s24 =	simm.s32 $0x15400;
	v3 =	vperm.xlane v3, v2  }
0xa3: {  	[hbm4b:s2+s3] =	stream.indirect_vreg.scatter [tilespmem:s24], [sflag:$0x2], $0x80, v4, vm0, $0xb8;
	[tilespmem:$0x18400] =	vst v63  }
0xa4: {  	s25 =	simm.s32 $0x15C00;
	v3 =	vadd.s32 v1, v3  }
0xa5: {  	[hbm4b:s4+s3] =	stream.indirect_vreg.scatter [tilespmem:s25], [sflag:$0x2], $0x80, v4, vm0, $0xb8;
	[tilespmem:$0x18400] =	vst v63  }
0xa6: {  	s29 =	simm.s32 $0x16400  }
0xa7: {  	[hbm4b:s5+s3] =	stream.indirect_vreg.scatter [tilespmem:s29], [sflag:$0x2], $0x80, v4, vm0, $0xb8;
	[tilespmem:$0x18400] =	vst v63  }
0xa8: {  	s30 =	simm.s32 $0x16C00  }
0xa9: {  	[hbm4b:s2+s3] =	stream.indirect_vreg.scatter [tilespmem:s30], [sflag:$0x2], $0x80, v3, vm0, $0xb8;
	[tilespmem:$0x18400] =	vst v63  }
0xaa: {  	s1 =	simm.s32 $0x17400  }
0xab: {  	[hbm4b:s4+s3] =	stream.indirect_vreg.scatter [tilespmem:s1], [sflag:$0x2], $0x80, v3, vm0, $0xb8;
	[tilespmem:$0x18400] =	vst v63  }
0xac: {  	s7 =	simm.s32 $0x17C00  }
0xad: {  	[hbm4b:s5+s3] =	stream.indirect_vreg.scatter [tilespmem:s7], [sflag:$0x2], $0x80, v3, vm0, $0xb8;
	[tilespmem:$0x18400] =	vst v63  }
0xae: {  	v3 =	vld [tilespmem:$0x80];
	_ =	sdelay $0x4  }
0xaf: {  	v8 =	vshrl.u32 v3, $0x3  }
0xb0: {  	v4 =	vmul.u32 $0x30, v8  }
0xb1: {  	v3 =	vand.u32 $0x7, v3  }
0xb2: {  	v3 =	vor.u32 v3, v4  }
0xb3: {  	v4 =	vperm.xlane v3, v0;
	_ =	sdelay $0x1  }
0xb4: {  	v4 =	vadd.s32 v1, v4;
	_ =	sdelay $0x3  }
0xb5: {  	s6 =	simm.s32 $0x400;
	v3 =	vperm.xlane v3, v2  }
0xb6: {  	[hbm4b:s2+s3] =	stream.indirect_vreg.scatter [tilespmem:s6], [sflag:$0x2], $0x80, v4, vm0, $0xb8;
	[tilespmem:$0x18400] =	vst v63  }
0xb7: {  	v3 =	vadd.s32 v1, v3;
	s6 =	simm.s32 $0xC00  }
0xb8: {  	[hbm4b:s4+s3] =	stream.indirect_vreg.scatter [tilespmem:s6], [sflag:$0x2], $0x80, v4, vm0, $0xb8;
	[tilespmem:$0x18400] =	vst v63  }
0xb9: {  	s15 =	simm.s32 $0x1400  }
0xba: {  	[hbm4b:s5+s3] =	stream.indirect_vreg.scatter [tilespmem:s15], [sflag:$0x2], $0x80, v4, vm0, $0xb8;
	[tilespmem:$0x18400] =	vst v63  }
0xbb: {  	s16 =	simm.s32 $0x1C00  }
0xbc: {  	[hbm4b:s2+s3] =	stream.indirect_vreg.scatter [tilespmem:s16], [sflag:$0x2], $0x80, v3, vm0, $0xb8;
	[tilespmem:$0x18400] =	vst v63  }
0xbd: {  	s17 =	simm.s32 $0x2400  }
0xbe: {  	[hbm4b:s4+s3] =	stream.indirect_vreg.scatter [tilespmem:s17], [sflag:$0x2], $0x80, v3, vm0, $0xb8;
	[tilespmem:$0x18400] =	vst v63  }
0xbf: {  	s18 =	simm.s32 $0x2C00  }
0xc0: {  	[hbm4b:s5+s3] =	stream.indirect_vreg.scatter [tilespmem:s18], [sflag:$0x2], $0x80, v3, vm0, $0xb8;
	[tilespmem:$0x18400] =	vst v63  }
0xc1: {  	v3 =	vld [tilespmem:$0x90];
	_ =	sdelay $0x4  }
0xc2: {  	v9 =	vshrl.u32 v3, $0x3  }
0xc3: {  	v4 =	vmul.u32 $0x30, v9  }
0xc4: {  	v3 =	vand.u32 $0x7, v3  }
0xc5: {  	v3 =	vor.u32 v3, v4  }
0xc6: {  	v4 =	vperm.xlane v3, v0;
	_ =	sdelay $0x1  }
0xc7: {  	v4 =	vadd.s32 v1, v4;
	_ =	sdelay $0x3  }
0xc8: {  	s19 =	simm.s32 $0x3400;
	v3 =	vperm.xlane v3, v2  }
0xc9: {  	[hbm4b:s2+s3] =	stream.indirect_vreg.scatter [tilespmem:s19], [sflag:$0x2], $0x80, v4, vm0, $0xb8;
	[tilespmem:$0x18400] =	vst v63  }
0xca: {  	s18 =	simm.s32 $0x3C00;
	v3 =	vadd.s32 v1, v3  }
0xcb: {  	[hbm4b:s4+s3] =	stream.indirect_vreg.scatter [tilespmem:s18], [sflag:$0x2], $0x80, v4, vm0, $0xb8;
	[tilespmem:$0x18400] =	vst v63  }
0xcc: {  	s19 =	simm.s32 $0x4400  }
0xcd: {  	[hbm4b:s5+s3] =	stream.indirect_vreg.scatter [tilespmem:s19], [sflag:$0x2], $0x80, v4, vm0, $0xb8;
	[tilespmem:$0x18400] =	vst v63  }
0xce: {  	s20 =	simm.s32 $0x4C00  }
0xcf: {  	[hbm4b:s2+s3] =	stream.indirect_vreg.scatter [tilespmem:s20], [sflag:$0x2], $0x80, v3, vm0, $0xb8;
	[tilespmem:$0x18400] =	vst v63  }
0xd0: {  	s21 =	simm.s32 $0x5400  }
0xd1: {  	[hbm4b:s4+s3] =	stream.indirect_vreg.scatter [tilespmem:s21], [sflag:$0x2], $0x80, v3, vm0, $0xb8;
	[tilespmem:$0x18400] =	vst v63  }
0xd2: {  	s22 =	simm.s32 $0x5C00  }
0xd3: {  	[hbm4b:s5+s3] =	stream.indirect_vreg.scatter [tilespmem:s22], [sflag:$0x2], $0x80, v3, vm0, $0xb8;
	[tilespmem:$0x18400] =	vst v63  }
0xd4: {  	v3 =	vld [tilespmem:$0xA0];
	_ =	sdelay $0x4  }
0xd5: {  	v10 =	vshrl.u32 v3, $0x3  }
0xd6: {  	v4 =	vmul.u32 $0x30, v10  }
0xd7: {  	v3 =	vand.u32 $0x7, v3  }
0xd8: {  	v3 =	vor.u32 v3, v4  }
0xd9: {  	v4 =	vperm.xlane v3, v0;
	_ =	sdelay $0x1  }
0xda: {  	v4 =	vadd.s32 v1, v4;
	_ =	sdelay $0x3  }
0xdb: {  	s23 =	simm.s32 $0x6400;
	v3 =	vperm.xlane v3, v2  }
0xdc: {  	[hbm4b:s2+s3] =	stream.indirect_vreg.scatter [tilespmem:s23], [sflag:$0x2], $0x80, v4, vm0, $0xb8;
	[tilespmem:$0x18400] =	vst v63  }
0xdd: {  	s22 =	simm.s32 $0x6C00;
	v3 =	vadd.s32 v1, v3  }
0xde: {  	[hbm4b:s4+s3] =	stream.indirect_vreg.scatter [tilespmem:s22], [sflag:$0x2], $0x80, v4, vm0, $0xb8;
	[tilespmem:$0x18400] =	vst v63  }
0xdf: {  	s23 =	simm.s32 $0x7400  }
0xe0: {  	[hbm4b:s5+s3] =	stream.indirect_vreg.scatter [tilespmem:s23], [sflag:$0x2], $0x80, v4, vm0, $0xb8;
	[tilespmem:$0x18400] =	vst v63  }
0xe1: {  	s24 =	simm.s32 $0x7C00  }
0xe2: {  	[hbm4b:s2+s3] =	stream.indirect_vreg.scatter [tilespmem:s24], [sflag:$0x2], $0x80, v3, vm0, $0xb8;
	[tilespmem:$0x18400] =	vst v63  }
0xe3: {  	s25 =	simm.s32 $0x8400  }
0xe4: {  	[hbm4b:s4+s3] =	stream.indirect_vreg.scatter [tilespmem:s25], [sflag:$0x2], $0x80, v3, vm0, $0xb8;
	[tilespmem:$0x18400] =	vst v63  }
0xe5: {  	s26 =	simm.s32 $0x8C00  }
0xe6: {  	[hbm4b:s5+s3] =	stream.indirect_vreg.scatter [tilespmem:s26], [sflag:$0x2], $0x80, v3, vm0, $0xb8;
	[tilespmem:$0x18400] =	vst v63  }
0xe7: {  	v3 =	vld [tilespmem:$0xB0];
	_ =	sdelay $0x4  }
0xe8: {  	v11 =	vshrl.u32 v3, $0x3  }
0xe9: {  	v4 =	vmul.u32 $0x30, v11  }
0xea: {  	v3 =	vand.u32 $0x7, v3  }
0xeb: {  	v3 =	vor.u32 v3, v4  }
0xec: {  	v4 =	vperm.xlane v3, v0;
	_ =	sdelay $0x1  }
0xed: {  	v4 =	vadd.s32 v1, v4;
	_ =	sdelay $0x3  }
0xee: {  	s28 =	simm.s32 $0x9400;
	v3 =	vperm.xlane v3, v2  }
0xef: {  	[hbm4b:s2+s3] =	stream.indirect_vreg.scatter [tilespmem:s28], [sflag:$0x2], $0x80, v4, vm0, $0xb8;
	[tilespmem:$0x18400] =	vst v63  }
0xf0: {  	s26 =	simm.s32 $0x9C00;
	v3 =	vadd.s32 v1, v3  }
0xf1: {  	[hbm4b:s4+s3] =	stream.indirect_vreg.scatter [tilespmem:s26], [sflag:$0x2], $0x80, v4, vm0, $0xb8;
	[tilespmem:$0x18400] =	vst v63  }
0xf2: {  	s28 =	simm.s32 $0xA400  }
0xf3: {  	[hbm4b:s5+s3] =	stream.indirect_vreg.scatter [tilespmem:s28], [sflag:$0x2], $0x80, v4, vm0, $0xb8;
	[tilespmem:$0x18400] =	vst v63  }
0xf4: {  	s29 =	simm.s32 $0xAC00  }
0xf5: {  	[hbm4b:s2+s3] =	stream.indirect_vreg.scatter [tilespmem:s29], [sflag:$0x2], $0x80, v3, vm0, $0xb8;
	[tilespmem:$0x18400] =	vst v63  }
0xf6: {  	s30 =	simm.s32 $0xB400  }
0xf7: {  	[hbm4b:s4+s3] =	stream.indirect_vreg.scatter [tilespmem:s30], [sflag:$0x2], $0x80, v3, vm0, $0xb8;
	[tilespmem:$0x18400] =	vst v63  }
0xf8: {  	s31 =	simm.s32 $0xBC00  }
0xf9: {  	[hbm4b:s5+s3] =	stream.indirect_vreg.scatter [tilespmem:s31], [sflag:$0x2], $0x80, v3, vm0, $0xb8;
	[tilespmem:$0x18400] =	vst v63  }
0xfa: {  	v3 =	vld [tilespmem:$0xC0];
	_ =	sdelay $0x4  }
0xfb: {  	v12 =	vshrl.u32 v3, $0x3  }
0xfc: {  	v4 =	vmul.u32 $0x30, v12  }
0xfd: {  	v3 =	vand.u32 $0x7, v3  }
0xfe: {  	v3 =	vor.u32 v3, v4  }
0xff: {  	v4 =	vperm.xlane v3, v0;
	_ =	sdelay $0x1  }
0x100: {  	v4 =	vadd.s32 v1, v4;
	_ =	sdelay $0x3  }
0x101: {  	s31 =	simm.s32 $0xC400;
	v3 =	vperm.xlane v3, v2  }
0x102: {  	[hbm4b:s2+s3] =	stream.indirect_vreg.scatter [tilespmem:s31], [sflag:$0x2], $0x80, v4, vm0, $0xb8;
	[tilespmem:$0x18400] =	vst v63  }
0x103: {  	s8 =	simm.s32 $0xCC00;
	v3 =	vadd.s32 v1, v3  }
0x104: {  	[hbm4b:s4+s3] =	stream.indirect_vreg.scatter [tilespmem:s8], [sflag:$0x2], $0x80, v4, vm0, $0xb8;
	[tilespmem:$0x18400] =	vst v63  }
0x105: {  	s9 =	simm.s32 $0xD400  }
0x106: {  	[hbm4b:s5+s3] =	stream.indirect_vreg.scatter [tilespmem:s9], [sflag:$0x2], $0x80, v4, vm0, $0xb8;
	[tilespmem:$0x18400] =	vst v63  }
0x107: {  	s8 =	simm.s32 $0xDC00  }
0x108: {  	[hbm4b:s2+s3] =	stream.indirect_vreg.scatter [tilespmem:s8], [sflag:$0x2], $0x80, v3, vm0, $0xb8;
	[tilespmem:$0x18400] =	vst v63  }
0x109: {  	s7 =	simm.s32 $0xE400  }
0x10a: {  	[hbm4b:s4+s3] =	stream.indirect_vreg.scatter [tilespmem:s7], [sflag:$0x2], $0x80, v3, vm0, $0xb8;
	[tilespmem:$0x18400] =	vst v63  }
0x10b: {  	s1 =	simm.s32 $0xEC00  }
0x10c: {  	[hbm4b:s5+s3] =	stream.indirect_vreg.scatter [tilespmem:s1], [sflag:$0x2], $0x80, v3, vm0, $0xb8;
	[tilespmem:$0x18400] =	vst v63  }
0x10d: {  	v3 =	vld [tilespmem:$0xD0];
	_ =	sdelay $0x4  }
0x10e: {  	v13 =	vshrl.u32 v3, $0x3  }
0x10f: {  	v4 =	vmul.u32 $0x30, v13  }
0x110: {  	v3 =	vand.u32 $0x7, v3  }
0x111: {  	v3 =	vor.u32 v3, v4  }
0x112: {  	v4 =	vperm.xlane v3, v0;
	_ =	sdelay $0x1  }
0x113: {  	v4 =	vadd.s32 v1, v4;
	_ =	sdelay $0x3  }
0x114: {  	s1 =	simm.s32 $0xF400;
	v3 =	vperm.xlane v3, v2  }
0x115: {  	[hbm4b:s2+s3] =	stream.indirect_vreg.scatter [tilespmem:s1], [sflag:$0x2], $0x80, v4, vm0, $0xb8;
	[tilespmem:$0x18400] =	vst v63  }
0x116: {  	s11 =	simm.s32 $0xFC00;
	v3 =	vadd.s32 v1, v3  }
0x117: {  	[hbm4b:s4+s3] =	stream.indirect_vreg.scatter [tilespmem:s11], [sflag:$0x2], $0x80, v4, vm0, $0xb8;
	[tilespmem:$0x18400] =	vst v63  }
0x118: {  	s9 =	simm.s32 $0x10400  }
0x119: {  	[hbm4b:s5+s3] =	stream.indirect_vreg.scatter [tilespmem:s9], [sflag:$0x2], $0x80, v4, vm0, $0xb8;
	[tilespmem:$0x18400] =	vst v63  }
0x11a: {  	s10 =	simm.s32 $0x10C00  }
0x11b: {  	[hbm4b:s2+s3] =	stream.indirect_vreg.scatter [tilespmem:s10], [sflag:$0x2], $0x80, v3, vm0, $0xb8;
	[tilespmem:$0x18400] =	vst v63  }
0x11c: {  	s10 =	simm.s32 $0x11400  }
0x11d: {  	[hbm4b:s4+s3] =	stream.indirect_vreg.scatter [tilespmem:s10], [sflag:$0x2], $0x80, v3, vm0, $0xb8;
	[tilespmem:$0x18400] =	vst v63  }
0x11e: {  	s1 =	simm.s32 $0x11C00  }
0x11f: {  	[hbm4b:s5+s3] =	stream.indirect_vreg.scatter [tilespmem:s1], [sflag:$0x2], $0x80, v3, vm0, $0xb8;
	[tilespmem:$0x18400] =	vst v63  }
0x120: {  	v3 =	vld [tilespmem:$0xE0];
	_ =	sdelay $0x4  }
0x121: {  	v14 =	vshrl.u32 v3, $0x3  }
0x122: {  	v4 =	vmul.u32 $0x30, v14  }
0x123: {  	v3 =	vand.u32 $0x7, v3  }
0x124: {  	v3 =	vor.u32 v3, v4  }
0x125: {  	v4 =	vperm.xlane v3, v0;
	_ =	sdelay $0x1  }
0x126: {  	v4 =	vadd.s32 v1, v4;
	_ =	sdelay $0x3  }
0x127: {  	s1 =	simm.s32 $0x12400;
	v3 =	vperm.xlane v3, v2  }
0x128: {  	[hbm4b:s2+s3] =	stream.indirect_vreg.scatter [tilespmem:s1], [sflag:$0x2], $0x80, v4, vm0, $0xb8;
	[tilespmem:$0x18400] =	vst v63  }
0x129: {  	s13 =	simm.s32 $0x12C00;
	v3 =	vadd.s32 v1, v3  }
0x12a: {  	[hbm4b:s4+s3] =	stream.indirect_vreg.scatter [tilespmem:s13], [sflag:$0x2], $0x80, v4, vm0, $0xb8;
	[tilespmem:$0x18400] =	vst v63  }
0x12b: {  	s11 =	simm.s32 $0x13400  }
0x12c: {  	[hbm4b:s5+s3] =	stream.indirect_vreg.scatter [tilespmem:s11], [sflag:$0x2], $0x80, v4, vm0, $0xb8;
	[tilespmem:$0x18400] =	vst v63  }
0x12d: {  	s12 =	simm.s32 $0x13C00  }
0x12e: {  	[hbm4b:s2+s3] =	stream.indirect_vreg.scatter [tilespmem:s12], [sflag:$0x2], $0x80, v3, vm0, $0xb8;
	[tilespmem:$0x18400] =	vst v63  }
0x12f: {  	s12 =	simm.s32 $0x14400  }
0x130: {  	[hbm4b:s4+s3] =	stream.indirect_vreg.scatter [tilespmem:s12], [sflag:$0x2], $0x80, v3, vm0, $0xb8;
	[tilespmem:$0x18400] =	vst v63  }
0x131: {  	s1 =	simm.s32 $0x14C00  }
0x132: {  	[hbm4b:s5+s3] =	stream.indirect_vreg.scatter [tilespmem:s1], [sflag:$0x2], $0x80, v3, vm0, $0xb8;
	[tilespmem:$0x18400] =	vst v63  }
0x133: {  	v3 =	vld [tilespmem:$0xF0];
	_ =	sdelay $0x4  }
0x134: {  	v15 =	vshrl.u32 v3, $0x3  }
0x135: {  	v4 =	vmul.u32 $0x30, v15  }
0x136: {  	v3 =	vand.u32 $0x7, v3  }
0x137: {  	v3 =	vor.u32 v3, v4  }
0x138: {  	v4 =	vperm.xlane v3, v0;
	_ =	sdelay $0x1  }
0x139: {  	v4 =	vadd.s32 v1, v4;
	_ =	sdelay $0x3  }
0x13a: {  	s1 =	simm.s32 $0x15400;
	v3 =	vperm.xlane v3, v2  }
0x13b: {  	[hbm4b:s2+s3] =	stream.indirect_vreg.scatter [tilespmem:s1], [sflag:$0x2], $0x80, v4, vm0, $0xb8;
	[tilespmem:$0x18400] =	vst v63  }
0x13c: {  	v3 =	vadd.s32 v1, v3;
	s1 =	simm.s32 $0x15C00  }
0x13d: {  	[hbm4b:s4+s3] =	stream.indirect_vreg.scatter [tilespmem:s1], [sflag:$0x2], $0x80, v4, vm0, $0xb8;
	[tilespmem:$0x18400] =	vst v63  }
0x13e: {  	s13 =	simm.s32 $0x16400  }
0x13f: {  	[hbm4b:s5+s3] =	stream.indirect_vreg.scatter [tilespmem:s13], [sflag:$0x2], $0x80, v4, vm0, $0xb8;
	[tilespmem:$0x18400] =	vst v63  }
0x140: {  	s14 =	simm.s32 $0x16C00  }
0x141: {  	[hbm4b:s2+s3] =	stream.indirect_vreg.scatter [tilespmem:s14], [sflag:$0x2], $0x80, v3, vm0, $0xb8;
	[tilespmem:$0x18400] =	vst v63  }
0x142: {  	s14 =	simm.s32 $0x17400  }
0x143: {  	[hbm4b:s4+s3] =	stream.indirect_vreg.scatter [tilespmem:s14], [sflag:$0x2], $0x80, v3, vm0, $0xb8;
	[tilespmem:$0x18400] =	vst v63  }
0x144: {  	s1 =	simm.s32 $0x17C00  }
0x145: {  	[hbm4b:s5+s3] =	stream.indirect_vreg.scatter [tilespmem:s1], [sflag:$0x2], $0x80, v3, vm0, $0xb8;
	[tilespmem:$0x18400] =	vst v63  }
0x146: {  	v3 =	vld [tilespmem:$0x100];
	_ =	sdelay $0x4  }
0x147: {  	v16 =	vshrl.u32 v3, $0x3  }
0x148: {  	v4 =	vmul.u32 $0x30, v16  }
0x149: {  	v3 =	vand.u32 $0x7, v3  }
0x14a: {  	v3 =	vor.u32 v3, v4  }
0x14b: {  	v4 =	vperm.xlane v3, v0;
	_ =	sdelay $0x1  }
0x14c: {  	v4 =	vadd.s32 v1, v4;
	_ =	sdelay $0x3  }
0x14d: {  	s1 =	simm.s32 $0x400;
	v3 =	vperm.xlane v3, v2  }
0x14e: {  	[hbm4b:s2+s3] =	stream.indirect_vreg.scatter [tilespmem:s1], [sflag:$0x2], $0x80, v4, vm0, $0xb8;
	[tilespmem:$0x18400] =	vst v63  }
0x14f: {  	v3 =	vadd.s32 v1, v3  }
0x150: {  	[hbm4b:s4+s3] =	stream.indirect_vreg.scatter [tilespmem:s6], [sflag:$0x2], $0x80, v4, vm0, $0xb8;
	[tilespmem:$0x18400] =	vst v63  }
0x151: {  	_ = 	snop  }
0x152: {  	[hbm4b:s5+s3] =	stream.indirect_vreg.scatter [tilespmem:s15], [sflag:$0x2], $0x80, v4, vm0, $0xb8;
	[tilespmem:$0x18400] =	vst v63  }
0x153: {  	_ = 	snop  }
0x154: {  	[hbm4b:s2+s3] =	stream.indirect_vreg.scatter [tilespmem:s16], [sflag:$0x2], $0x80, v3, vm0, $0xb8;
	[tilespmem:$0x18400] =	vst v63  }
0x155: {  	_ = 	snop  }
0x156: {  	[hbm4b:s4+s3] =	stream.indirect_vreg.scatter [tilespmem:s17], [sflag:$0x2], $0x80, v3, vm0, $0xb8;
	[tilespmem:$0x18400] =	vst v63  }
0x157: {  	s6 =	simm.s32 $0x2C00  }
0x158: {  	[hbm4b:s5+s3] =	stream.indirect_vreg.scatter [tilespmem:s6], [sflag:$0x2], $0x80, v3, vm0, $0xb8;
	[tilespmem:$0x18400] =	vst v63  }
0x159: {  	v3 =	vld [tilespmem:$0x110];
	_ =	sdelay $0x4  }
0x15a: {  	v17 =	vshrl.u32 v3, $0x3  }
0x15b: {  	v4 =	vmul.u32 $0x30, v17  }
0x15c: {  	v3 =	vand.u32 $0x7, v3  }
0x15d: {  	v3 =	vor.u32 v3, v4  }
0x15e: {  	v4 =	vperm.xlane v3, v0;
	_ =	sdelay $0x1  }
0x15f: {  	v4 =	vadd.s32 v1, v4;
	_ =	sdelay $0x3  }
0x160: {  	s6 =	simm.s32 $0x3400;
	v3 =	vperm.xlane v3, v2  }
0x161: {  	[hbm4b:s2+s3] =	stream.indirect_vreg.scatter [tilespmem:s6], [sflag:$0x2], $0x80, v4, vm0, $0xb8;
	[tilespmem:$0x18400] =	vst v63  }
0x162: {  	v3 =	vadd.s32 v1, v3  }
0x163: {  	[hbm4b:s4+s3] =	stream.indirect_vreg.scatter [tilespmem:s18], [sflag:$0x2], $0x80, v4, vm0, $0xb8;
	[tilespmem:$0x18400] =	vst v63  }
0x164: {  	_ = 	snop  }
0x165: {  	[hbm4b:s5+s3] =	stream.indirect_vreg.scatter [tilespmem:s19], [sflag:$0x2], $0x80, v4, vm0, $0xb8;
	[tilespmem:$0x18400] =	vst v63  }
0x166: {  	_ = 	snop  }
0x167: {  	[hbm4b:s2+s3] =	stream.indirect_vreg.scatter [tilespmem:s20], [sflag:$0x2], $0x80, v3, vm0, $0xb8;
	[tilespmem:$0x18400] =	vst v63  }
0x168: {  	_ = 	snop  }
0x169: {  	[hbm4b:s4+s3] =	stream.indirect_vreg.scatter [tilespmem:s21], [sflag:$0x2], $0x80, v3, vm0, $0xb8;
	[tilespmem:$0x18400] =	vst v63  }
0x16a: {  	s6 =	simm.s32 $0x5C00  }
0x16b: {  	[hbm4b:s5+s3] =	stream.indirect_vreg.scatter [tilespmem:s6], [sflag:$0x2], $0x80, v3, vm0, $0xb8;
	[tilespmem:$0x18400] =	vst v63  }
0x16c: {  	v3 =	vld [tilespmem:$0x120];
	_ =	sdelay $0x4  }
0x16d: {  	v18 =	vshrl.u32 v3, $0x3  }
0x16e: {  	v4 =	vmul.u32 $0x30, v18  }
0x16f: {  	v3 =	vand.u32 $0x7, v3  }
0x170: {  	v3 =	vor.u32 v3, v4  }
0x171: {  	v4 =	vperm.xlane v3, v0;
	_ =	sdelay $0x1  }
0x172: {  	v4 =	vadd.s32 v1, v4;
	_ =	sdelay $0x3  }
0x173: {  	s6 =	simm.s32 $0x6400;
	v3 =	vperm.xlane v3, v2  }
0x174: {  	[hbm4b:s2+s3] =	stream.indirect_vreg.scatter [tilespmem:s6], [sflag:$0x2], $0x80, v4, vm0, $0xb8;
	[tilespmem:$0x18400] =	vst v63  }
0x175: {  	v3 =	vadd.s32 v1, v3  }
0x176: {  	[hbm4b:s4+s3] =	stream.indirect_vreg.scatter [tilespmem:s22], [sflag:$0x2], $0x80, v4, vm0, $0xb8;
	[tilespmem:$0x18400] =	vst v63  }
0x177: {  	_ = 	snop  }
0x178: {  	[hbm4b:s5+s3] =	stream.indirect_vreg.scatter [tilespmem:s23], [sflag:$0x2], $0x80, v4, vm0, $0xb8;
	[tilespmem:$0x18400] =	vst v63  }
0x179: {  	_ = 	snop  }
0x17a: {  	[hbm4b:s2+s3] =	stream.indirect_vreg.scatter [tilespmem:s24], [sflag:$0x2], $0x80, v3, vm0, $0xb8;
	[tilespmem:$0x18400] =	vst v63  }
0x17b: {  	_ = 	snop  }
0x17c: {  	[hbm4b:s4+s3] =	stream.indirect_vreg.scatter [tilespmem:s25], [sflag:$0x2], $0x80, v3, vm0, $0xb8;
	[tilespmem:$0x18400] =	vst v63  }
0x17d: {  	s6 =	simm.s32 $0x8C00  }
0x17e: {  	[hbm4b:s5+s3] =	stream.indirect_vreg.scatter [tilespmem:s6], [sflag:$0x2], $0x80, v3, vm0, $0xb8;
	[tilespmem:$0x18400] =	vst v63  }
0x17f: {  	v3 =	vld [tilespmem:$0x130];
	_ =	sdelay $0x4  }
0x180: {  	v19 =	vshrl.u32 v3, $0x3  }
0x181: {  	v4 =	vmul.u32 $0x30, v19  }
0x182: {  	v3 =	vand.u32 $0x7, v3  }
0x183: {  	v3 =	vor.u32 v3, v4  }
0x184: {  	v4 =	vperm.xlane v3, v0;
	_ =	sdelay $0x1  }
0x185: {  	v4 =	vadd.s32 v1, v4;
	_ =	sdelay $0x3  }
0x186: {  	s6 =	simm.s32 $0x9400;
	v3 =	vperm.xlane v3, v2  }
0x187: {  	[hbm4b:s2+s3] =	stream.indirect_vreg.scatter [tilespmem:s6], [sflag:$0x2], $0x80, v4, vm0, $0xb8;
	[tilespmem:$0x18400] =	vst v63  }
0x188: {  	v3 =	vadd.s32 v1, v3  }
0x189: {  	[hbm4b:s4+s3] =	stream.indirect_vreg.scatter [tilespmem:s26], [sflag:$0x2], $0x80, v4, vm0, $0xb8;
	[tilespmem:$0x18400] =	vst v63  }
0x18a: {  	_ = 	snop  }
0x18b: {  	[hbm4b:s5+s3] =	stream.indirect_vreg.scatter [tilespmem:s28], [sflag:$0x2], $0x80, v4, vm0, $0xb8;
	[tilespmem:$0x18400] =	vst v63  }
0x18c: {  	_ = 	snop  }
0x18d: {  	[hbm4b:s2+s3] =	stream.indirect_vreg.scatter [tilespmem:s29], [sflag:$0x2], $0x80, v3, vm0, $0xb8;
	[tilespmem:$0x18400] =	vst v63  }
0x18e: {  	_ = 	snop  }
0x18f: {  	[hbm4b:s4+s3] =	stream.indirect_vreg.scatter [tilespmem:s30], [sflag:$0x2], $0x80, v3, vm0, $0xb8;
	[tilespmem:$0x18400] =	vst v63  }
0x190: {  	s6 =	simm.s32 $0xBC00  }
0x191: {  	[hbm4b:s5+s3] =	stream.indirect_vreg.scatter [tilespmem:s6], [sflag:$0x2], $0x80, v3, vm0, $0xb8;
	[tilespmem:$0x18400] =	vst v63  }
0x192: {  	v3 =	vld [tilespmem:$0x140];
	_ =	sdelay $0x4  }
0x193: {  	v20 =	vshrl.u32 v3, $0x3  }
0x194: {  	v4 =	vmul.u32 $0x30, v20  }
0x195: {  	v3 =	vand.u32 $0x7, v3  }
0x196: {  	v3 =	vor.u32 v3, v4  }
0x197: {  	v4 =	vperm.xlane v3, v0;
	_ =	sdelay $0x1  }
0x198: {  	v4 =	vadd.s32 v1, v4;
	_ =	sdelay $0x3  }
0x199: {  	v3 =	vperm.xlane v3, v2  }
0x19a: {  	[hbm4b:s2+s3] =	stream.indirect_vreg.scatter [tilespmem:s31], [sflag:$0x2], $0x80, v4, vm0, $0xb8;
	[tilespmem:$0x18400] =	vst v63  }
0x19b: {  	s1 =	simm.s32 $0xCC00;
	v3 =	vadd.s32 v1, v3  }
0x19c: {  	[hbm4b:s4+s3] =	stream.indirect_vreg.scatter [tilespmem:s1], [sflag:$0x2], $0x80, v4, vm0, $0xb8;
	[tilespmem:$0x18400] =	vst v63  }
0x19d: {  	s6 =	simm.s32 $0xD400  }
0x19e: {  	[hbm4b:s5+s3] =	stream.indirect_vreg.scatter [tilespmem:s6], [sflag:$0x2], $0x80, v4, vm0, $0xb8;
	[tilespmem:$0x18400] =	vst v63  }
0x19f: {  	_ = 	snop  }
0x1a0: {  	[hbm4b:s2+s3] =	stream.indirect_vreg.scatter [tilespmem:s8], [sflag:$0x2], $0x80, v3, vm0, $0xb8;
	[tilespmem:$0x18400] =	vst v63  }
0x1a1: {  	_ = 	snop  }
0x1a2: {  	[hbm4b:s4+s3] =	stream.indirect_vreg.scatter [tilespmem:s7], [sflag:$0x2], $0x80, v3, vm0, $0xb8;
	[tilespmem:$0x18400] =	vst v63  }
0x1a3: {  	s1 =	simm.s32 $0xEC00  }
0x1a4: {  	[hbm4b:s5+s3] =	stream.indirect_vreg.scatter [tilespmem:s1], [sflag:$0x2], $0x80, v3, vm0, $0xb8;
	[tilespmem:$0x18400] =	vst v63  }
0x1a5: {  	v3 =	vld [tilespmem:$0x150];
	_ =	sdelay $0x4  }
0x1a6: {  	v21 =	vshrl.u32 v3, $0x3  }
0x1a7: {  	v4 =	vmul.u32 $0x30, v21  }
0x1a8: {  	v3 =	vand.u32 $0x7, v3  }
0x1a9: {  	v3 =	vor.u32 v3, v4  }
0x1aa: {  	v4 =	vperm.xlane v3, v0;
	_ =	sdelay $0x1  }
0x1ab: {  	v4 =	vadd.s32 v1, v4;
	_ =	sdelay $0x3  }
0x1ac: {  	s1 =	simm.s32 $0xF400;
	v3 =	vperm.xlane v3, v2  }
0x1ad: {  	[hbm4b:s2+s3] =	stream.indirect_vreg.scatter [tilespmem:s1], [sflag:$0x2], $0x80, v4, vm0, $0xb8;
	[tilespmem:$0x18400] =	vst v63  }
0x1ae: {  	v3 =	vadd.s32 v1, v3;
	s1 =	simm.s32 $0xFC00  }
0x1af: {  	[hbm4b:s4+s3] =	stream.indirect_vreg.scatter [tilespmem:s1], [sflag:$0x2], $0x80, v4, vm0, $0xb8;
	[tilespmem:$0x18400] =	vst v63  }
0x1b0: {  	_ = 	snop  }
0x1b1: {  	[hbm4b:s5+s3] =	stream.indirect_vreg.scatter [tilespmem:s9], [sflag:$0x2], $0x80, v4, vm0, $0xb8;
	[tilespmem:$0x18400] =	vst v63  }
0x1b2: {  	s1 =	simm.s32 $0x10C00  }
0x1b3: {  	[hbm4b:s2+s3] =	stream.indirect_vreg.scatter [tilespmem:s1], [sflag:$0x2], $0x80, v3, vm0, $0xb8;
	[tilespmem:$0x18400] =	vst v63  }
0x1b4: {  	_ = 	snop  }
0x1b5: {  	[hbm4b:s4+s3] =	stream.indirect_vreg.scatter [tilespmem:s10], [sflag:$0x2], $0x80, v3, vm0, $0xb8;
	[tilespmem:$0x18400] =	vst v63  }
0x1b6: {  	s1 =	simm.s32 $0x11C00  }
0x1b7: {  	[hbm4b:s5+s3] =	stream.indirect_vreg.scatter [tilespmem:s1], [sflag:$0x2], $0x80, v3, vm0, $0xb8;
	[tilespmem:$0x18400] =	vst v63  }
0x1b8: {  	v3 =	vld [tilespmem:$0x160];
	_ =	sdelay $0x4  }
0x1b9: {  	v22 =	vshrl.u32 v3, $0x3  }
0x1ba: {  	v4 =	vmul.u32 $0x30, v22  }
0x1bb: {  	v3 =	vand.u32 $0x7, v3  }
0x1bc: {  	v3 =	vor.u32 v3, v4  }
0x1bd: {  	v4 =	vperm.xlane v3, v0;
	_ =	sdelay $0x1  }
0x1be: {  	v4 =	vadd.s32 v1, v4;
	_ =	sdelay $0x3  }
0x1bf: {  	s1 =	simm.s32 $0x12400;
	v3 =	vperm.xlane v3, v2  }
0x1c0: {  	[hbm4b:s2+s3] =	stream.indirect_vreg.scatter [tilespmem:s1], [sflag:$0x2], $0x80, v4, vm0, $0xb8;
	[tilespmem:$0x18400] =	vst v63  }
0x1c1: {  	v3 =	vadd.s32 v1, v3;
	s1 =	simm.s32 $0x12C00  }
0x1c2: {  	[hbm4b:s4+s3] =	stream.indirect_vreg.scatter [tilespmem:s1], [sflag:$0x2], $0x80, v4, vm0, $0xb8;
	[tilespmem:$0x18400] =	vst v63  }
0x1c3: {  	_ = 	snop  }
0x1c4: {  	[hbm4b:s5+s3] =	stream.indirect_vreg.scatter [tilespmem:s11], [sflag:$0x2], $0x80, v4, vm0, $0xb8;
	[tilespmem:$0x18400] =	vst v63  }
0x1c5: {  	s1 =	simm.s32 $0x13C00  }
0x1c6: {  	[hbm4b:s2+s3] =	stream.indirect_vreg.scatter [tilespmem:s1], [sflag:$0x2], $0x80, v3, vm0, $0xb8;
	[tilespmem:$0x18400] =	vst v63  }
0x1c7: {  	_ = 	snop  }
0x1c8: {  	[hbm4b:s4+s3] =	stream.indirect_vreg.scatter [tilespmem:s12], [sflag:$0x2], $0x80, v3, vm0, $0xb8;
	[tilespmem:$0x18400] =	vst v63  }
0x1c9: {  	s1 =	simm.s32 $0x14C00  }
0x1ca: {  	[hbm4b:s5+s3] =	stream.indirect_vreg.scatter [tilespmem:s1], [sflag:$0x2], $0x80, v3, vm0, $0xb8;
	[tilespmem:$0x18400] =	vst v63  }
0x1cb: {  	v3 =	vld [tilespmem:$0x170];
	_ =	sdelay $0x4  }
0x1cc: {  	v23 =	vshrl.u32 v3, $0x3  }
0x1cd: {  	v4 =	vmul.u32 $0x30, v23  }
0x1ce: {  	v3 =	vand.u32 $0x7, v3  }
0x1cf: {  	v3 =	vor.u32 v3, v4  }
0x1d0: {  	v4 =	vperm.xlane v3, v0;
	_ =	sdelay $0x1  }
0x1d1: {  	v4 =	vadd.s32 v1, v4;
	_ =	sdelay $0x3  }
0x1d2: {  	s1 =	simm.s32 $0x15400;
	v3 =	vperm.xlane v3, v2  }
0x1d3: {  	[hbm4b:s2+s3] =	stream.indirect_vreg.scatter [tilespmem:s1], [sflag:$0x2], $0x80, v4, vm0, $0xb8;
	[tilespmem:$0x18400] =	vst v63  }
0x1d4: {  	v3 =	vadd.s32 v1, v3;
	s1 =	simm.s32 $0x15C00  }
0x1d5: {  	[hbm4b:s4+s3] =	stream.indirect_vreg.scatter [tilespmem:s1], [sflag:$0x2], $0x80, v4, vm0, $0xb8;
	[tilespmem:$0x18400] =	vst v63  }
0x1d6: {  	_ = 	snop  }
0x1d7: {  	[hbm4b:s5+s3] =	stream.indirect_vreg.scatter [tilespmem:s13], [sflag:$0x2], $0x80, v4, vm0, $0xb8;
	[tilespmem:$0x18400] =	vst v63  }
0x1d8: {  	s1 =	simm.s32 $0x16C00  }
0x1d9: {  	[hbm4b:s2+s3] =	stream.indirect_vreg.scatter [tilespmem:s1], [sflag:$0x2], $0x80, v3, vm0, $0xb8;
	[tilespmem:$0x18400] =	vst v63  }
0x1da: {  	_ = 	snop  }
0x1db: {  	[hbm4b:s4+s3] =	stream.indirect_vreg.scatter [tilespmem:s14], [sflag:$0x2], $0x80, v3, vm0, $0xb8;
	[tilespmem:$0x18400] =	vst v63  }
0x1dc: {  	s1 =	simm.s32 $0x17C00  }
0x1dd: {  	[hbm4b:s5+s3] =	stream.indirect_vreg.scatter [tilespmem:s1], [sflag:$0x2], $0x80, v3, vm0, $0xb8;
	[tilespmem:$0x18400] =	vst v63  }
0x1de: {  	v3 =	vld [tilespmem:$0x180];
	_ =	sdelay $0x4  }
0x1df: {  	v24 =	vshrl.u32 v3, $0x3  }
0x1e0: {  	v4 =	vmul.u32 $0x30, v24  }
0x1e1: {  	v3 =	vand.u32 $0x7, v3  }
0x1e2: {  	v3 =	vor.u32 v3, v4  }
0x1e3: {  	v4 =	vperm.xlane v3, v0;
	_ =	sdelay $0x1  }
0x1e4: {  	v4 =	vadd.s32 v1, v4;
	_ =	sdelay $0x3  }
0x1e5: {  	s1 =	simm.s32 $0x400;
	v3 =	vperm.xlane v3, v2  }
0x1e6: {  	[hbm4b:s2+s3] =	stream.indirect_vreg.scatter [tilespmem:s1], [sflag:$0x2], $0x80, v4, vm0, $0xb8;
	[tilespmem:$0x18400] =	vst v63  }
0x1e7: {  	v3 =	vadd.s32 v1, v3;
	s1 =	simm.s32 $0xC00  }
0x1e8: {  	[hbm4b:s4+s3] =	stream.indirect_vreg.scatter [tilespmem:s1], [sflag:$0x2], $0x80, v4, vm0, $0xb8;
	[tilespmem:$0x18400] =	vst v63  }
0x1e9: {  	s15 =	simm.s32 $0x1400  }
0x1ea: {  	[hbm4b:s5+s3] =	stream.indirect_vreg.scatter [tilespmem:s15], [sflag:$0x2], $0x80, v4, vm0, $0xb8;
	[tilespmem:$0x18400] =	vst v63  }
0x1eb: {  	s16 =	simm.s32 $0x1C00  }
0x1ec: {  	[hbm4b:s2+s3] =	stream.indirect_vreg.scatter [tilespmem:s16], [sflag:$0x2], $0x80, v3, vm0, $0xb8;
	[tilespmem:$0x18400] =	vst v63  }
0x1ed: {  	s17 =	simm.s32 $0x2400  }
0x1ee: {  	[hbm4b:s4+s3] =	stream.indirect_vreg.scatter [tilespmem:s17], [sflag:$0x2], $0x80, v3, vm0, $0xb8;
	[tilespmem:$0x18400] =	vst v63  }
0x1ef: {  	s1 =	simm.s32 $0x2C00  }
0x1f0: {  	[hbm4b:s5+s3] =	stream.indirect_vreg.scatter [tilespmem:s1], [sflag:$0x2], $0x80, v3, vm0, $0xb8;
	[tilespmem:$0x18400] =	vst v63  }
0x1f1: {  	v3 =	vld [tilespmem:$0x190];
	_ =	sdelay $0x4  }
0x1f2: {  	v25 =	vshrl.u32 v3, $0x3  }
0x1f3: {  	v4 =	vmul.u32 $0x30, v25  }
0x1f4: {  	v3 =	vand.u32 $0x7, v3  }
0x1f5: {  	v3 =	vor.u32 v3, v4  }
0x1f6: {  	v4 =	vperm.xlane v3, v0;
	_ =	sdelay $0x1  }
0x1f7: {  	v4 =	vadd.s32 v1, v4;
	_ =	sdelay $0x3  }
0x1f8: {  	s1 =	simm.s32 $0x3400;
	v3 =	vperm.xlane v3, v2  }
0x1f9: {  	[hbm4b:s2+s3] =	stream.indirect_vreg.scatter [tilespmem:s1], [sflag:$0x2], $0x80, v4, vm0, $0xb8;
	[tilespmem:$0x18400] =	vst v63  }
0x1fa: {  	s18 =	simm.s32 $0x3C00;
	v3 =	vadd.s32 v1, v3  }
0x1fb: {  	[hbm4b:s4+s3] =	stream.indirect_vreg.scatter [tilespmem:s18], [sflag:$0x2], $0x80, v4, vm0, $0xb8;
	[tilespmem:$0x18400] =	vst v63  }
0x1fc: {  	s19 =	simm.s32 $0x4400  }
0x1fd: {  	[hbm4b:s5+s3] =	stream.indirect_vreg.scatter [tilespmem:s19], [sflag:$0x2], $0x80, v4, vm0, $0xb8;
	[tilespmem:$0x18400] =	vst v63  }
0x1fe: {  	s20 =	simm.s32 $0x4C00  }
0x1ff: {  	[hbm4b:s2+s3] =	stream.indirect_vreg.scatter [tilespmem:s20], [sflag:$0x2], $0x80, v3, vm0, $0xb8;
	[tilespmem:$0x18400] =	vst v63  }
0x200: {  	s21 =	simm.s32 $0x5400  }
0x201: {  	[hbm4b:s4+s3] =	stream.indirect_vreg.scatter [tilespmem:s21], [sflag:$0x2], $0x80, v3, vm0, $0xb8;
	[tilespmem:$0x18400] =	vst v63  }
0x202: {  	s1 =	simm.s32 $0x5C00  }
0x203: {  	[hbm4b:s5+s3] =	stream.indirect_vreg.scatter [tilespmem:s1], [sflag:$0x2], $0x80, v3, vm0, $0xb8;
	[tilespmem:$0x18400] =	vst v63  }
0x204: {  	v3 =	vld [tilespmem:$0x1A0];
	_ =	sdelay $0x4  }
0x205: {  	v26 =	vshrl.u32 v3, $0x3  }
0x206: {  	v4 =	vmul.u32 $0x30, v26  }
0x207: {  	v3 =	vand.u32 $0x7, v3  }
0x208: {  	v3 =	vor.u32 v3, v4  }
0x209: {  	v4 =	vperm.xlane v3, v0;
	_ =	sdelay $0x1  }
0x20a: {  	v4 =	vadd.s32 v1, v4;
	_ =	sdelay $0x3  }
0x20b: {  	s1 =	simm.s32 $0x6400;
	v3 =	vperm.xlane v3, v2  }
0x20c: {  	[hbm4b:s2+s3] =	stream.indirect_vreg.scatter [tilespmem:s1], [sflag:$0x2], $0x80, v4, vm0, $0xb8;
	[tilespmem:$0x18400] =	vst v63  }
0x20d: {  	s22 =	simm.s32 $0x6C00;
	v3 =	vadd.s32 v1, v3  }
0x20e: {  	[hbm4b:s4+s3] =	stream.indirect_vreg.scatter [tilespmem:s22], [sflag:$0x2], $0x80, v4, vm0, $0xb8;
	[tilespmem:$0x18400] =	vst v63  }
0x20f: {  	s23 =	simm.s32 $0x7400  }
0x210: {  	[hbm4b:s5+s3] =	stream.indirect_vreg.scatter [tilespmem:s23], [sflag:$0x2], $0x80, v4, vm0, $0xb8;
	[tilespmem:$0x18400] =	vst v63  }
0x211: {  	s24 =	simm.s32 $0x7C00  }
0x212: {  	[hbm4b:s2+s3] =	stream.indirect_vreg.scatter [tilespmem:s24], [sflag:$0x2], $0x80, v3, vm0, $0xb8;
	[tilespmem:$0x18400] =	vst v63  }
0x213: {  	s25 =	simm.s32 $0x8400  }
0x214: {  	[hbm4b:s4+s3] =	stream.indirect_vreg.scatter [tilespmem:s25], [sflag:$0x2], $0x80, v3, vm0, $0xb8;
	[tilespmem:$0x18400] =	vst v63  }
0x215: {  	s1 =	simm.s32 $0x8C00  }
0x216: {  	[hbm4b:s5+s3] =	stream.indirect_vreg.scatter [tilespmem:s1], [sflag:$0x2], $0x80, v3, vm0, $0xb8;
	[tilespmem:$0x18400] =	vst v63  }
0x217: {  	v3 =	vld [tilespmem:$0x1B0];
	_ =	sdelay $0x4  }
0x218: {  	v27 =	vshrl.u32 v3, $0x3  }
0x219: {  	v4 =	vmul.u32 $0x30, v27  }
0x21a: {  	v3 =	vand.u32 $0x7, v3  }
0x21b: {  	v3 =	vor.u32 v3, v4  }
0x21c: {  	v4 =	vperm.xlane v3, v0;
	_ =	sdelay $0x1  }
0x21d: {  	v4 =	vadd.s32 v1, v4;
	_ =	sdelay $0x3  }
0x21e: {  	s1 =	simm.s32 $0x9400;
	v3 =	vperm.xlane v3, v2  }
0x21f: {  	[hbm4b:s2+s3] =	stream.indirect_vreg.scatter [tilespmem:s1], [sflag:$0x2], $0x80, v4, vm0, $0xb8;
	[tilespmem:$0x18400] =	vst v63  }
0x220: {  	s26 =	simm.s32 $0x9C00;
	v3 =	vadd.s32 v1, v3  }
0x221: {  	[hbm4b:s4+s3] =	stream.indirect_vreg.scatter [tilespmem:s26], [sflag:$0x2], $0x80, v4, vm0, $0xb8;
	[tilespmem:$0x18400] =	vst v63  }
0x222: {  	s28 =	simm.s32 $0xA400  }
0x223: {  	[hbm4b:s5+s3] =	stream.indirect_vreg.scatter [tilespmem:s28], [sflag:$0x2], $0x80, v4, vm0, $0xb8;
	[tilespmem:$0x18400] =	vst v63  }
0x224: {  	s29 =	simm.s32 $0xAC00  }
0x225: {  	[hbm4b:s2+s3] =	stream.indirect_vreg.scatter [tilespmem:s29], [sflag:$0x2], $0x80, v3, vm0, $0xb8;
	[tilespmem:$0x18400] =	vst v63  }
0x226: {  	s30 =	simm.s32 $0xB400  }
0x227: {  	[hbm4b:s4+s3] =	stream.indirect_vreg.scatter [tilespmem:s30], [sflag:$0x2], $0x80, v3, vm0, $0xb8;
	[tilespmem:$0x18400] =	vst v63  }
0x228: {  	s1 =	simm.s32 $0xBC00  }
0x229: {  	[hbm4b:s5+s3] =	stream.indirect_vreg.scatter [tilespmem:s1], [sflag:$0x2], $0x80, v3, vm0, $0xb8;
	[tilespmem:$0x18400] =	vst v63  }
0x22a: {  	v3 =	vld [tilespmem:$0x1C0];
	_ =	sdelay $0x4  }
0x22b: {  	v28 =	vshrl.u32 v3, $0x3  }
0x22c: {  	v4 =	vmul.u32 $0x30, v28  }
0x22d: {  	v3 =	vand.u32 $0x7, v3  }
0x22e: {  	v3 =	vor.u32 v3, v4  }
0x22f: {  	v4 =	vperm.xlane v3, v0;
	_ =	sdelay $0x1  }
0x230: {  	v4 =	vadd.s32 v1, v4;
	_ =	sdelay $0x3  }
0x231: {  	s31 =	simm.s32 $0xC400;
	v3 =	vperm.xlane v3, v2  }
0x232: {  	[hbm4b:s2+s3] =	stream.indirect_vreg.scatter [tilespmem:s31], [sflag:$0x2], $0x80, v4, vm0, $0xb8;
	[tilespmem:$0x18400] =	vst v63  }
0x233: {  	s1 =	simm.s32 $0xCC00;
	v3 =	vadd.s32 v1, v3  }
0x234: {  	[hbm4b:s4+s3] =	stream.indirect_vreg.scatter [tilespmem:s1], [sflag:$0x2], $0x80, v4, vm0, $0xb8;
	[tilespmem:$0x18400] =	vst v63  }
0x235: {  	s6 =	simm.s32 $0xD400  }
0x236: {  	[hbm4b:s5+s3] =	stream.indirect_vreg.scatter [tilespmem:s6], [sflag:$0x2], $0x80, v4, vm0, $0xb8;
	[tilespmem:$0x18400] =	vst v63  }
0x237: {  	s8 =	simm.s32 $0xDC00  }
0x238: {  	[hbm4b:s2+s3] =	stream.indirect_vreg.scatter [tilespmem:s8], [sflag:$0x2], $0x80, v3, vm0, $0xb8;
	[tilespmem:$0x18400] =	vst v63  }
0x239: {  	s7 =	simm.s32 $0xE400  }
0x23a: {  	[hbm4b:s4+s3] =	stream.indirect_vreg.scatter [tilespmem:s7], [sflag:$0x2], $0x80, v3, vm0, $0xb8;
	[tilespmem:$0x18400] =	vst v63  }
0x23b: {  	s1 =	simm.s32 $0xEC00  }
0x23c: {  	[hbm4b:s5+s3] =	stream.indirect_vreg.scatter [tilespmem:s1], [sflag:$0x2], $0x80, v3, vm0, $0xb8;
	[tilespmem:$0x18400] =	vst v63  }
0x23d: {  	v3 =	vld [tilespmem:$0x1D0];
	_ =	sdelay $0x4  }
0x23e: {  	v29 =	vshrl.u32 v3, $0x3  }
0x23f: {  	v4 =	vmul.u32 $0x30, v29  }
0x240: {  	v3 =	vand.u32 $0x7, v3  }
0x241: {  	v3 =	vor.u32 v3, v4  }
0x242: {  	v4 =	vperm.xlane v3, v0;
	_ =	sdelay $0x1  }
0x243: {  	v4 =	vadd.s32 v1, v4;
	_ =	sdelay $0x3  }
0x244: {  	s1 =	simm.s32 $0xF400;
	v3 =	vperm.xlane v3, v2  }
0x245: {  	[hbm4b:s2+s3] =	stream.indirect_vreg.scatter [tilespmem:s1], [sflag:$0x2], $0x80, v4, vm0, $0xb8;
	[tilespmem:$0x18400] =	vst v63  }
0x246: {  	v3 =	vadd.s32 v1, v3;
	s1 =	simm.s32 $0xFC00  }
0x247: {  	[hbm4b:s4+s3] =	stream.indirect_vreg.scatter [tilespmem:s1], [sflag:$0x2], $0x80, v4, vm0, $0xb8;
	[tilespmem:$0x18400] =	vst v63  }
0x248: {  	s9 =	simm.s32 $0x10400  }
0x249: {  	[hbm4b:s5+s3] =	stream.indirect_vreg.scatter [tilespmem:s9], [sflag:$0x2], $0x80, v4, vm0, $0xb8;
	[tilespmem:$0x18400] =	vst v63  }
0x24a: {  	s1 =	simm.s32 $0x10C00  }
0x24b: {  	[hbm4b:s2+s3] =	stream.indirect_vreg.scatter [tilespmem:s1], [sflag:$0x2], $0x80, v3, vm0, $0xb8;
	[tilespmem:$0x18400] =	vst v63  }
0x24c: {  	s10 =	simm.s32 $0x11400  }
0x24d: {  	[hbm4b:s4+s3] =	stream.indirect_vreg.scatter [tilespmem:s10], [sflag:$0x2], $0x80, v3, vm0, $0xb8;
	[tilespmem:$0x18400] =	vst v63  }
0x24e: {  	s1 =	simm.s32 $0x11C00  }
0x24f: {  	[hbm4b:s5+s3] =	stream.indirect_vreg.scatter [tilespmem:s1], [sflag:$0x2], $0x80, v3, vm0, $0xb8;
	[tilespmem:$0x18400] =	vst v63  }
0x250: {  	v3 =	vld [tilespmem:$0x1E0];
	_ =	sdelay $0x4  }
0x251: {  	v30 =	vshrl.u32 v3, $0x3  }
0x252: {  	v4 =	vmul.u32 $0x30, v30  }
0x253: {  	v3 =	vand.u32 $0x7, v3  }
0x254: {  	v3 =	vor.u32 v3, v4  }
0x255: {  	v4 =	vperm.xlane v3, v0;
	_ =	sdelay $0x1  }
0x256: {  	v4 =	vadd.s32 v1, v4;
	_ =	sdelay $0x3  }
0x257: {  	s1 =	simm.s32 $0x12400;
	v3 =	vperm.xlane v3, v2  }
0x258: {  	[hbm4b:s2+s3] =	stream.indirect_vreg.scatter [tilespmem:s1], [sflag:$0x2], $0x80, v4, vm0, $0xb8;
	[tilespmem:$0x18400] =	vst v63  }
0x259: {  	v3 =	vadd.s32 v1, v3;
	s1 =	simm.s32 $0x12C00  }
0x25a: {  	[hbm4b:s4+s3] =	stream.indirect_vreg.scatter [tilespmem:s1], [sflag:$0x2], $0x80, v4, vm0, $0xb8;
	[tilespmem:$0x18400] =	vst v63  }
0x25b: {  	s11 =	simm.s32 $0x13400  }
0x25c: {  	[hbm4b:s5+s3] =	stream.indirect_vreg.scatter [tilespmem:s11], [sflag:$0x2], $0x80, v4, vm0, $0xb8;
	[tilespmem:$0x18400] =	vst v63  }
0x25d: {  	s1 =	simm.s32 $0x13C00  }
0x25e: {  	[hbm4b:s2+s3] =	stream.indirect_vreg.scatter [tilespmem:s1], [sflag:$0x2], $0x80, v3, vm0, $0xb8;
	[tilespmem:$0x18400] =	vst v63  }
0x25f: {  	s12 =	simm.s32 $0x14400  }
0x260: {  	[hbm4b:s4+s3] =	stream.indirect_vreg.scatter [tilespmem:s12], [sflag:$0x2], $0x80, v3, vm0, $0xb8;
	[tilespmem:$0x18400] =	vst v63  }
0x261: {  	s1 =	simm.s32 $0x14C00  }
0x262: {  	[hbm4b:s5+s3] =	stream.indirect_vreg.scatter [tilespmem:s1], [sflag:$0x2], $0x80, v3, vm0, $0xb8;
	[tilespmem:$0x18400] =	vst v63  }
0x263: {  	v3 =	vld [tilespmem:$0x1F0];
	_ =	sdelay $0x4  }
0x264: {  	v31 =	vshrl.u32 v3, $0x3  }
0x265: {  	v4 =	vmul.u32 $0x30, v31  }
0x266: {  	v3 =	vand.u32 $0x7, v3  }
0x267: {  	v3 =	vor.u32 v3, v4  }
0x268: {  	v4 =	vperm.xlane v3, v0;
	_ =	sdelay $0x1  }
0x269: {  	v4 =	vadd.s32 v1, v4;
	_ =	sdelay $0x3  }
0x26a: {  	s1 =	simm.s32 $0x15400;
	v3 =	vperm.xlane v3, v2  }
0x26b: {  	[hbm4b:s2+s3] =	stream.indirect_vreg.scatter [tilespmem:s1], [sflag:$0x2], $0x80, v4, vm0, $0xb8;
	[tilespmem:$0x18400] =	vst v63  }
0x26c: {  	v3 =	vadd.s32 v1, v3;
	s1 =	simm.s32 $0x15C00  }
0x26d: {  	[hbm4b:s4+s3] =	stream.indirect_vreg.scatter [tilespmem:s1], [sflag:$0x2], $0x80, v4, vm0, $0xb8;
	[tilespmem:$0x18400] =	vst v63  }
0x26e: {  	s13 =	simm.s32 $0x16400  }
0x26f: {  	[hbm4b:s5+s3] =	stream.indirect_vreg.scatter [tilespmem:s13], [sflag:$0x2], $0x80, v4, vm0, $0xb8;
	[tilespmem:$0x18400] =	vst v63  }
0x270: {  	s1 =	simm.s32 $0x16C00  }
0x271: {  	[hbm4b:s2+s3] =	stream.indirect_vreg.scatter [tilespmem:s1], [sflag:$0x2], $0x80, v3, vm0, $0xb8;
	[tilespmem:$0x18400] =	vst v63  }
0x272: {  	s14 =	simm.s32 $0x17400  }
0x273: {  	[hbm4b:s4+s3] =	stream.indirect_vreg.scatter [tilespmem:s14], [sflag:$0x2], $0x80, v3, vm0, $0xb8;
	[tilespmem:$0x18400] =	vst v63  }
0x274: {  	s1 =	simm.s32 $0x17C00  }
0x275: {  	[hbm4b:s5+s3] =	stream.indirect_vreg.scatter [tilespmem:s1], [sflag:$0x2], $0x80, v3, vm0, $0xb8;
	[tilespmem:$0x18400] =	vst v63  }
0x276: {  	v3 =	vld [tilespmem:$0x200];
	_ =	sdelay $0x4  }
0x277: {  	v32 =	vshrl.u32 v3, $0x3  }
0x278: {  	v4 =	vmul.u32 $0x30, v32  }
0x279: {  	v3 =	vand.u32 $0x7, v3  }
0x27a: {  	v3 =	vor.u32 v3, v4  }
0x27b: {  	v4 =	vperm.xlane v3, v0;
	_ =	sdelay $0x1  }
0x27c: {  	v4 =	vadd.s32 v1, v4;
	_ =	sdelay $0x3  }
0x27d: {  	s1 =	simm.s32 $0x400;
	v3 =	vperm.xlane v3, v2  }
0x27e: {  	[hbm4b:s2+s3] =	stream.indirect_vreg.scatter [tilespmem:s1], [sflag:$0x2], $0x80, v4, vm0, $0xb8;
	[tilespmem:$0x18400] =	vst v63  }
0x27f: {  	v3 =	vadd.s32 v1, v3;
	s1 =	simm.s32 $0xC00  }
0x280: {  	[hbm4b:s4+s3] =	stream.indirect_vreg.scatter [tilespmem:s1], [sflag:$0x2], $0x80, v4, vm0, $0xb8;
	[tilespmem:$0x18400] =	vst v63  }
0x281: {  	s15 =	simm.s32 $0x1400  }
0x282: {  	[hbm4b:s5+s3] =	stream.indirect_vreg.scatter [tilespmem:s15], [sflag:$0x2], $0x80, v4, vm0, $0xb8;
	[tilespmem:$0x18400] =	vst v63  }
0x283: {  	s16 =	simm.s32 $0x1C00  }
0x284: {  	[hbm4b:s2+s3] =	stream.indirect_vreg.scatter [tilespmem:s16], [sflag:$0x2], $0x80, v3, vm0, $0xb8;
	[tilespmem:$0x18400] =	vst v63  }
0x285: {  	s17 =	simm.s32 $0x2400  }
0x286: {  	[hbm4b:s4+s3] =	stream.indirect_vreg.scatter [tilespmem:s17], [sflag:$0x2], $0x80, v3, vm0, $0xb8;
	[tilespmem:$0x18400] =	vst v63  }
0x287: {  	s17 =	simm.s32 $0x2C00  }
0x288: {  	[hbm4b:s5+s3] =	stream.indirect_vreg.scatter [tilespmem:s17], [sflag:$0x2], $0x80, v3, vm0, $0xb8;
	[tilespmem:$0x18400] =	vst v63  }
0x289: {  	v3 =	vld [tilespmem:$0x210];
	_ =	sdelay $0x4  }
0x28a: {  	v33 =	vshrl.u32 v3, $0x3  }
0x28b: {  	v4 =	vmul.u32 $0x30, v33  }
0x28c: {  	v3 =	vand.u32 $0x7, v3  }
0x28d: {  	v3 =	vor.u32 v3, v4  }
0x28e: {  	v4 =	vperm.xlane v3, v0;
	_ =	sdelay $0x1  }
0x28f: {  	v4 =	vadd.s32 v1, v4;
	_ =	sdelay $0x3  }
0x290: {  	s16 =	simm.s32 $0x3400;
	v3 =	vperm.xlane v3, v2  }
0x291: {  	[hbm4b:s2+s3] =	stream.indirect_vreg.scatter [tilespmem:s16], [sflag:$0x2], $0x80, v4, vm0, $0xb8;
	[tilespmem:$0x18400] =	vst v63  }
0x292: {  	s18 =	simm.s32 $0x3C00;
	v3 =	vadd.s32 v1, v3  }
0x293: {  	[hbm4b:s4+s3] =	stream.indirect_vreg.scatter [tilespmem:s18], [sflag:$0x2], $0x80, v4, vm0, $0xb8;
	[tilespmem:$0x18400] =	vst v63  }
0x294: {  	s19 =	simm.s32 $0x4400  }
0x295: {  	[hbm4b:s5+s3] =	stream.indirect_vreg.scatter [tilespmem:s19], [sflag:$0x2], $0x80, v4, vm0, $0xb8;
	[tilespmem:$0x18400] =	vst v63  }
0x296: {  	s20 =	simm.s32 $0x4C00  }
0x297: {  	[hbm4b:s2+s3] =	stream.indirect_vreg.scatter [tilespmem:s20], [sflag:$0x2], $0x80, v3, vm0, $0xb8;
	[tilespmem:$0x18400] =	vst v63  }
0x298: {  	s21 =	simm.s32 $0x5400  }
0x299: {  	[hbm4b:s4+s3] =	stream.indirect_vreg.scatter [tilespmem:s21], [sflag:$0x2], $0x80, v3, vm0, $0xb8;
	[tilespmem:$0x18400] =	vst v63  }
0x29a: {  	s17 =	simm.s32 $0x5C00  }
0x29b: {  	[hbm4b:s5+s3] =	stream.indirect_vreg.scatter [tilespmem:s17], [sflag:$0x2], $0x80, v3, vm0, $0xb8;
	[tilespmem:$0x18400] =	vst v63  }
0x29c: {  	v3 =	vld [tilespmem:$0x220];
	_ =	sdelay $0x4  }
0x29d: {  	v34 =	vshrl.u32 v3, $0x3  }
0x29e: {  	v4 =	vmul.u32 $0x30, v34  }
0x29f: {  	v3 =	vand.u32 $0x7, v3  }
0x2a0: {  	v3 =	vor.u32 v3, v4  }
0x2a1: {  	v4 =	vperm.xlane v3, v0;
	_ =	sdelay $0x1  }
0x2a2: {  	v4 =	vadd.s32 v1, v4;
	_ =	sdelay $0x3  }
0x2a3: {  	s16 =	simm.s32 $0x6400;
	v3 =	vperm.xlane v3, v2  }
0x2a4: {  	[hbm4b:s2+s3] =	stream.indirect_vreg.scatter [tilespmem:s16], [sflag:$0x2], $0x80, v4, vm0, $0xb8;
	[tilespmem:$0x18400] =	vst v63  }
0x2a5: {  	s22 =	simm.s32 $0x6C00;
	v3 =	vadd.s32 v1, v3  }
0x2a6: {  	[hbm4b:s4+s3] =	stream.indirect_vreg.scatter [tilespmem:s22], [sflag:$0x2], $0x80, v4, vm0, $0xb8;
	[tilespmem:$0x18400] =	vst v63  }
0x2a7: {  	s23 =	simm.s32 $0x7400  }
0x2a8: {  	[hbm4b:s5+s3] =	stream.indirect_vreg.scatter [tilespmem:s23], [sflag:$0x2], $0x80, v4, vm0, $0xb8;
	[tilespmem:$0x18400] =	vst v63  }
0x2a9: {  	s24 =	simm.s32 $0x7C00  }
0x2aa: {  	[hbm4b:s2+s3] =	stream.indirect_vreg.scatter [tilespmem:s24], [sflag:$0x2], $0x80, v3, vm0, $0xb8;
	[tilespmem:$0x18400] =	vst v63  }
0x2ab: {  	s25 =	simm.s32 $0x8400  }
0x2ac: {  	[hbm4b:s4+s3] =	stream.indirect_vreg.scatter [tilespmem:s25], [sflag:$0x2], $0x80, v3, vm0, $0xb8;
	[tilespmem:$0x18400] =	vst v63  }
0x2ad: {  	s17 =	simm.s32 $0x8C00  }
0x2ae: {  	[hbm4b:s5+s3] =	stream.indirect_vreg.scatter [tilespmem:s17], [sflag:$0x2], $0x80, v3, vm0, $0xb8;
	[tilespmem:$0x18400] =	vst v63  }
0x2af: {  	v3 =	vld [tilespmem:$0x230];
	_ =	sdelay $0x4  }
0x2b0: {  	v35 =	vshrl.u32 v3, $0x3  }
0x2b1: {  	v4 =	vmul.u32 $0x30, v35  }
0x2b2: {  	v3 =	vand.u32 $0x7, v3  }
0x2b3: {  	v3 =	vor.u32 v3, v4  }
0x2b4: {  	v4 =	vperm.xlane v3, v0;
	_ =	sdelay $0x1  }
0x2b5: {  	v4 =	vadd.s32 v1, v4;
	_ =	sdelay $0x3  }
0x2b6: {  	s16 =	simm.s32 $0x9400;
	v3 =	vperm.xlane v3, v2  }
0x2b7: {  	[hbm4b:s2+s3] =	stream.indirect_vreg.scatter [tilespmem:s16], [sflag:$0x2], $0x80, v4, vm0, $0xb8;
	[tilespmem:$0x18400] =	vst v63  }
0x2b8: {  	s26 =	simm.s32 $0x9C00;
	v3 =	vadd.s32 v1, v3  }
0x2b9: {  	[hbm4b:s4+s3] =	stream.indirect_vreg.scatter [tilespmem:s26], [sflag:$0x2], $0x80, v4, vm0, $0xb8;
	[tilespmem:$0x18400] =	vst v63  }
0x2ba: {  	s28 =	simm.s32 $0xA400  }
0x2bb: {  	[hbm4b:s5+s3] =	stream.indirect_vreg.scatter [tilespmem:s28], [sflag:$0x2], $0x80, v4, vm0, $0xb8;
	[tilespmem:$0x18400] =	vst v63  }
0x2bc: {  	s29 =	simm.s32 $0xAC00  }
0x2bd: {  	[hbm4b:s2+s3] =	stream.indirect_vreg.scatter [tilespmem:s29], [sflag:$0x2], $0x80, v3, vm0, $0xb8;
	[tilespmem:$0x18400] =	vst v63  }
0x2be: {  	s30 =	simm.s32 $0xB400  }
0x2bf: {  	[hbm4b:s4+s3] =	stream.indirect_vreg.scatter [tilespmem:s30], [sflag:$0x2], $0x80, v3, vm0, $0xb8;
	[tilespmem:$0x18400] =	vst v63  }
0x2c0: {  	s17 =	simm.s32 $0xBC00  }
0x2c1: {  	[hbm4b:s5+s3] =	stream.indirect_vreg.scatter [tilespmem:s17], [sflag:$0x2], $0x80, v3, vm0, $0xb8;
	[tilespmem:$0x18400] =	vst v63  }
0x2c2: {  	v3 =	vld [tilespmem:$0x240];
	_ =	sdelay $0x4  }
0x2c3: {  	v36 =	vshrl.u32 v3, $0x3  }
0x2c4: {  	v4 =	vmul.u32 $0x30, v36  }
0x2c5: {  	v3 =	vand.u32 $0x7, v3  }
0x2c6: {  	v3 =	vor.u32 v3, v4  }
0x2c7: {  	v4 =	vperm.xlane v3, v0;
	_ =	sdelay $0x1  }
0x2c8: {  	v4 =	vadd.s32 v1, v4;
	_ =	sdelay $0x3  }
0x2c9: {  	s31 =	simm.s32 $0xC400;
	v3 =	vperm.xlane v3, v2  }
0x2ca: {  	[hbm4b:s2+s3] =	stream.indirect_vreg.scatter [tilespmem:s31], [sflag:$0x2], $0x80, v4, vm0, $0xb8;
	[tilespmem:$0x18400] =	vst v63  }
0x2cb: {  	s16 =	simm.s32 $0xCC00;
	v3 =	vadd.s32 v1, v3  }
0x2cc: {  	[hbm4b:s4+s3] =	stream.indirect_vreg.scatter [tilespmem:s16], [sflag:$0x2], $0x80, v4, vm0, $0xb8;
	[tilespmem:$0x18400] =	vst v63  }
0x2cd: {  	s17 =	simm.s32 $0xD400  }
0x2ce: {  	[hbm4b:s5+s3] =	stream.indirect_vreg.scatter [tilespmem:s17], [sflag:$0x2], $0x80, v4, vm0, $0xb8;
	[tilespmem:$0x18400] =	vst v63  }
0x2cf: {  	s8 =	simm.s32 $0xDC00  }
0x2d0: {  	[hbm4b:s2+s3] =	stream.indirect_vreg.scatter [tilespmem:s8], [sflag:$0x2], $0x80, v3, vm0, $0xb8;
	[tilespmem:$0x18400] =	vst v63  }
0x2d1: {  	s7 =	simm.s32 $0xE400  }
0x2d2: {  	[hbm4b:s4+s3] =	stream.indirect_vreg.scatter [tilespmem:s7], [sflag:$0x2], $0x80, v3, vm0, $0xb8;
	[tilespmem:$0x18400] =	vst v63  }
0x2d3: {  	s1 =	simm.s32 $0xEC00  }
0x2d4: {  	[hbm4b:s5+s3] =	stream.indirect_vreg.scatter [tilespmem:s1], [sflag:$0x2], $0x80, v3, vm0, $0xb8;
	[tilespmem:$0x18400] =	vst v63  }
0x2d5: {  	v3 =	vld [tilespmem:$0x250];
	_ =	sdelay $0x4  }
0x2d6: {  	v37 =	vshrl.u32 v3, $0x3  }
0x2d7: {  	v4 =	vmul.u32 $0x30, v37  }
0x2d8: {  	v3 =	vand.u32 $0x7, v3  }
0x2d9: {  	v3 =	vor.u32 v3, v4  }
0x2da: {  	v4 =	vperm.xlane v3, v0;
	_ =	sdelay $0x1  }
0x2db: {  	v4 =	vadd.s32 v1, v4;
	_ =	sdelay $0x3  }
0x2dc: {  	s6 =	simm.s32 $0xF400;
	v3 =	vperm.xlane v3, v2  }
0x2dd: {  	[hbm4b:s2+s3] =	stream.indirect_vreg.scatter [tilespmem:s6], [sflag:$0x2], $0x80, v4, vm0, $0xb8;
	[tilespmem:$0x18400] =	vst v63  }
0x2de: {  	v3 =	vadd.s32 v1, v3;
	s6 =	simm.s32 $0xFC00  }
0x2df: {  	[hbm4b:s4+s3] =	stream.indirect_vreg.scatter [tilespmem:s6], [sflag:$0x2], $0x80, v4, vm0, $0xb8;
	[tilespmem:$0x18400] =	vst v63  }
0x2e0: {  	s9 =	simm.s32 $0x10400  }
0x2e1: {  	[hbm4b:s5+s3] =	stream.indirect_vreg.scatter [tilespmem:s9], [sflag:$0x2], $0x80, v4, vm0, $0xb8;
	[tilespmem:$0x18400] =	vst v63  }
0x2e2: {  	s6 =	simm.s32 $0x10C00  }
0x2e3: {  	[hbm4b:s2+s3] =	stream.indirect_vreg.scatter [tilespmem:s6], [sflag:$0x2], $0x80, v3, vm0, $0xb8;
	[tilespmem:$0x18400] =	vst v63  }
0x2e4: {  	s10 =	simm.s32 $0x11400  }
0x2e5: {  	[hbm4b:s4+s3] =	stream.indirect_vreg.scatter [tilespmem:s10], [sflag:$0x2], $0x80, v3, vm0, $0xb8;
	[tilespmem:$0x18400] =	vst v63  }
0x2e6: {  	s1 =	simm.s32 $0x11C00  }
0x2e7: {  	[hbm4b:s5+s3] =	stream.indirect_vreg.scatter [tilespmem:s1], [sflag:$0x2], $0x80, v3, vm0, $0xb8;
	[tilespmem:$0x18400] =	vst v63  }
0x2e8: {  	v3 =	vld [tilespmem:$0x260];
	_ =	sdelay $0x4  }
0x2e9: {  	v38 =	vshrl.u32 v3, $0x3  }
0x2ea: {  	v4 =	vmul.u32 $0x30, v38  }
0x2eb: {  	v3 =	vand.u32 $0x7, v3  }
0x2ec: {  	v3 =	vor.u32 v3, v4  }
0x2ed: {  	v4 =	vperm.xlane v3, v0;
	_ =	sdelay $0x1  }
0x2ee: {  	v4 =	vadd.s32 v1, v4;
	_ =	sdelay $0x3  }
0x2ef: {  	s1 =	simm.s32 $0x12400;
	v3 =	vperm.xlane v3, v2  }
0x2f0: {  	[hbm4b:s2+s3] =	stream.indirect_vreg.scatter [tilespmem:s1], [sflag:$0x2], $0x80, v4, vm0, $0xb8;
	[tilespmem:$0x18400] =	vst v63  }
0x2f1: {  	v3 =	vadd.s32 v1, v3;
	s1 =	simm.s32 $0x12C00  }
0x2f2: {  	[hbm4b:s4+s3] =	stream.indirect_vreg.scatter [tilespmem:s1], [sflag:$0x2], $0x80, v4, vm0, $0xb8;
	[tilespmem:$0x18400] =	vst v63  }
0x2f3: {  	s11 =	simm.s32 $0x13400  }
0x2f4: {  	[hbm4b:s5+s3] =	stream.indirect_vreg.scatter [tilespmem:s11], [sflag:$0x2], $0x80, v4, vm0, $0xb8;
	[tilespmem:$0x18400] =	vst v63  }
0x2f5: {  	s1 =	simm.s32 $0x13C00  }
0x2f6: {  	[hbm4b:s2+s3] =	stream.indirect_vreg.scatter [tilespmem:s1], [sflag:$0x2], $0x80, v3, vm0, $0xb8;
	[tilespmem:$0x18400] =	vst v63  }
0x2f7: {  	s12 =	simm.s32 $0x14400  }
0x2f8: {  	[hbm4b:s4+s3] =	stream.indirect_vreg.scatter [tilespmem:s12], [sflag:$0x2], $0x80, v3, vm0, $0xb8;
	[tilespmem:$0x18400] =	vst v63  }
0x2f9: {  	s1 =	simm.s32 $0x14C00  }
0x2fa: {  	[hbm4b:s5+s3] =	stream.indirect_vreg.scatter [tilespmem:s1], [sflag:$0x2], $0x80, v3, vm0, $0xb8;
	[tilespmem:$0x18400] =	vst v63  }
0x2fb: {  	v3 =	vld [tilespmem:$0x270];
	_ =	sdelay $0x4  }
0x2fc: {  	v39 =	vshrl.u32 v3, $0x3  }
0x2fd: {  	v4 =	vmul.u32 $0x30, v39  }
0x2fe: {  	v3 =	vand.u32 $0x7, v3  }
0x2ff: {  	v3 =	vor.u32 v3, v4  }
0x300: {  	v4 =	vperm.xlane v3, v0;
	_ =	sdelay $0x1  }
0x301: {  	v4 =	vadd.s32 v1, v4;
	_ =	sdelay $0x3  }
0x302: {  	s1 =	simm.s32 $0x15400;
	v3 =	vperm.xlane v3, v2  }
0x303: {  	[hbm4b:s2+s3] =	stream.indirect_vreg.scatter [tilespmem:s1], [sflag:$0x2], $0x80, v4, vm0, $0xb8;
	[tilespmem:$0x18400] =	vst v63  }
0x304: {  	v3 =	vadd.s32 v1, v3;
	s1 =	simm.s32 $0x15C00  }
0x305: {  	[hbm4b:s4+s3] =	stream.indirect_vreg.scatter [tilespmem:s1], [sflag:$0x2], $0x80, v4, vm0, $0xb8;
	[tilespmem:$0x18400] =	vst v63  }
0x306: {  	s13 =	simm.s32 $0x16400  }
0x307: {  	[hbm4b:s5+s3] =	stream.indirect_vreg.scatter [tilespmem:s13], [sflag:$0x2], $0x80, v4, vm0, $0xb8;
	[tilespmem:$0x18400] =	vst v63  }
0x308: {  	s1 =	simm.s32 $0x16C00  }
0x309: {  	[hbm4b:s2+s3] =	stream.indirect_vreg.scatter [tilespmem:s1], [sflag:$0x2], $0x80, v3, vm0, $0xb8;
	[tilespmem:$0x18400] =	vst v63  }
0x30a: {  	s14 =	simm.s32 $0x17400  }
0x30b: {  	[hbm4b:s4+s3] =	stream.indirect_vreg.scatter [tilespmem:s14], [sflag:$0x2], $0x80, v3, vm0, $0xb8;
	[tilespmem:$0x18400] =	vst v63  }
0x30c: {  	s1 =	simm.s32 $0x17C00  }
0x30d: {  	[hbm4b:s5+s3] =	stream.indirect_vreg.scatter [tilespmem:s1], [sflag:$0x2], $0x80, v3, vm0, $0xb8;
	[tilespmem:$0x18400] =	vst v63  }
0x30e: {  	v3 =	vld [tilespmem:$0x280];
	_ =	sdelay $0x4  }
0x30f: {  	v40 =	vshrl.u32 v3, $0x3  }
0x310: {  	v4 =	vmul.u32 $0x30, v40  }
0x311: {  	v3 =	vand.u32 $0x7, v3  }
0x312: {  	v3 =	vor.u32 v3, v4  }
0x313: {  	v4 =	vperm.xlane v3, v0;
	_ =	sdelay $0x1  }
0x314: {  	v4 =	vadd.s32 v1, v4;
	_ =	sdelay $0x3  }
0x315: {  	s1 =	simm.s32 $0x400;
	v3 =	vperm.xlane v3, v2  }
0x316: {  	[hbm4b:s2+s3] =	stream.indirect_vreg.scatter [tilespmem:s1], [sflag:$0x2], $0x80, v4, vm0, $0xb8;
	[tilespmem:$0x18400] =	vst v63  }
0x317: {  	v3 =	vadd.s32 v1, v3;
	s1 =	simm.s32 $0xC00  }
0x318: {  	[hbm4b:s4+s3] =	stream.indirect_vreg.scatter [tilespmem:s1], [sflag:$0x2], $0x80, v4, vm0, $0xb8;
	[tilespmem:$0x18400] =	vst v63  }
0x319: {  	s15 =	simm.s32 $0x1400  }
0x31a: {  	[hbm4b:s5+s3] =	stream.indirect_vreg.scatter [tilespmem:s15], [sflag:$0x2], $0x80, v4, vm0, $0xb8;
	[tilespmem:$0x18400] =	vst v63  }
0x31b: {  	s15 =	simm.s32 $0x1C00  }
0x31c: {  	[hbm4b:s2+s3] =	stream.indirect_vreg.scatter [tilespmem:s15], [sflag:$0x2], $0x80, v3, vm0, $0xb8;
	[tilespmem:$0x18400] =	vst v63  }
0x31d: {  	s15 =	simm.s32 $0x2400  }
0x31e: {  	[hbm4b:s4+s3] =	stream.indirect_vreg.scatter [tilespmem:s15], [sflag:$0x2], $0x80, v3, vm0, $0xb8;
	[tilespmem:$0x18400] =	vst v63  }
0x31f: {  	s15 =	simm.s32 $0x2C00  }
0x320: {  	[hbm4b:s5+s3] =	stream.indirect_vreg.scatter [tilespmem:s15], [sflag:$0x2], $0x80, v3, vm0, $0xb8;
	[tilespmem:$0x18400] =	vst v63  }
0x321: {  	v3 =	vld [tilespmem:$0x290];
	_ =	sdelay $0x4  }
0x322: {  	v41 =	vshrl.u32 v3, $0x3  }
0x323: {  	v4 =	vmul.u32 $0x30, v41  }
0x324: {  	v3 =	vand.u32 $0x7, v3  }
0x325: {  	v3 =	vor.u32 v3, v4  }
0x326: {  	v4 =	vperm.xlane v3, v0;
	_ =	sdelay $0x1  }
0x327: {  	v4 =	vadd.s32 v1, v4;
	_ =	sdelay $0x3  }
0x328: {  	s15 =	simm.s32 $0x3400;
	v3 =	vperm.xlane v3, v2  }
0x329: {  	[hbm4b:s2+s3] =	stream.indirect_vreg.scatter [tilespmem:s15], [sflag:$0x2], $0x80, v4, vm0, $0xb8;
	[tilespmem:$0x18400] =	vst v63  }
0x32a: {  	s18 =	simm.s32 $0x3C00;
	v3 =	vadd.s32 v1, v3  }
0x32b: {  	[hbm4b:s4+s3] =	stream.indirect_vreg.scatter [tilespmem:s18], [sflag:$0x2], $0x80, v4, vm0, $0xb8;
	[tilespmem:$0x18400] =	vst v63  }
0x32c: {  	s19 =	simm.s32 $0x4400  }
0x32d: {  	[hbm4b:s5+s3] =	stream.indirect_vreg.scatter [tilespmem:s19], [sflag:$0x2], $0x80, v4, vm0, $0xb8;
	[tilespmem:$0x18400] =	vst v63  }
0x32e: {  	s20 =	simm.s32 $0x4C00  }
0x32f: {  	[hbm4b:s2+s3] =	stream.indirect_vreg.scatter [tilespmem:s20], [sflag:$0x2], $0x80, v3, vm0, $0xb8;
	[tilespmem:$0x18400] =	vst v63  }
0x330: {  	s21 =	simm.s32 $0x5400  }
0x331: {  	[hbm4b:s4+s3] =	stream.indirect_vreg.scatter [tilespmem:s21], [sflag:$0x2], $0x80, v3, vm0, $0xb8;
	[tilespmem:$0x18400] =	vst v63  }
0x332: {  	s20 =	simm.s32 $0x5C00  }
0x333: {  	[hbm4b:s5+s3] =	stream.indirect_vreg.scatter [tilespmem:s20], [sflag:$0x2], $0x80, v3, vm0, $0xb8;
	[tilespmem:$0x18400] =	vst v63  }
0x334: {  	v3 =	vld [tilespmem:$0x2A0];
	_ =	sdelay $0x4  }
0x335: {  	v42 =	vshrl.u32 v3, $0x3  }
0x336: {  	v4 =	vmul.u32 $0x30, v42  }
0x337: {  	v3 =	vand.u32 $0x7, v3  }
0x338: {  	v3 =	vor.u32 v3, v4  }
0x339: {  	v4 =	vperm.xlane v3, v0;
	_ =	sdelay $0x1  }
0x33a: {  	v4 =	vadd.s32 v1, v4;
	_ =	sdelay $0x3  }
0x33b: {  	s21 =	simm.s32 $0x6400;
	v3 =	vperm.xlane v3, v2  }
0x33c: {  	[hbm4b:s2+s3] =	stream.indirect_vreg.scatter [tilespmem:s21], [sflag:$0x2], $0x80, v4, vm0, $0xb8;
	[tilespmem:$0x18400] =	vst v63  }
0x33d: {  	s22 =	simm.s32 $0x6C00;
	v3 =	vadd.s32 v1, v3  }
0x33e: {  	[hbm4b:s4+s3] =	stream.indirect_vreg.scatter [tilespmem:s22], [sflag:$0x2], $0x80, v4, vm0, $0xb8;
	[tilespmem:$0x18400] =	vst v63  }
0x33f: {  	s23 =	simm.s32 $0x7400  }
0x340: {  	[hbm4b:s5+s3] =	stream.indirect_vreg.scatter [tilespmem:s23], [sflag:$0x2], $0x80, v4, vm0, $0xb8;
	[tilespmem:$0x18400] =	vst v63  }
0x341: {  	s24 =	simm.s32 $0x7C00  }
0x342: {  	[hbm4b:s2+s3] =	stream.indirect_vreg.scatter [tilespmem:s24], [sflag:$0x2], $0x80, v3, vm0, $0xb8;
	[tilespmem:$0x18400] =	vst v63  }
0x343: {  	s25 =	simm.s32 $0x8400  }
0x344: {  	[hbm4b:s4+s3] =	stream.indirect_vreg.scatter [tilespmem:s25], [sflag:$0x2], $0x80, v3, vm0, $0xb8;
	[tilespmem:$0x18400] =	vst v63  }
0x345: {  	s24 =	simm.s32 $0x8C00  }
0x346: {  	[hbm4b:s5+s3] =	stream.indirect_vreg.scatter [tilespmem:s24], [sflag:$0x2], $0x80, v3, vm0, $0xb8;
	[tilespmem:$0x18400] =	vst v63  }
0x347: {  	v3 =	vld [tilespmem:$0x2B0];
	_ =	sdelay $0x4  }
0x348: {  	v43 =	vshrl.u32 v3, $0x3  }
0x349: {  	v4 =	vmul.u32 $0x30, v43  }
0x34a: {  	v3 =	vand.u32 $0x7, v3  }
0x34b: {  	v3 =	vor.u32 v3, v4  }
0x34c: {  	v4 =	vperm.xlane v3, v0;
	_ =	sdelay $0x1  }
0x34d: {  	v4 =	vadd.s32 v1, v4;
	_ =	sdelay $0x3  }
0x34e: {  	s25 =	simm.s32 $0x9400;
	v3 =	vperm.xlane v3, v2  }
0x34f: {  	[hbm4b:s2+s3] =	stream.indirect_vreg.scatter [tilespmem:s25], [sflag:$0x2], $0x80, v4, vm0, $0xb8;
	[tilespmem:$0x18400] =	vst v63  }
0x350: {  	s26 =	simm.s32 $0x9C00;
	v3 =	vadd.s32 v1, v3  }
0x351: {  	[hbm4b:s4+s3] =	stream.indirect_vreg.scatter [tilespmem:s26], [sflag:$0x2], $0x80, v4, vm0, $0xb8;
	[tilespmem:$0x18400] =	vst v63  }
0x352: {  	s28 =	simm.s32 $0xA400  }
0x353: {  	[hbm4b:s5+s3] =	stream.indirect_vreg.scatter [tilespmem:s28], [sflag:$0x2], $0x80, v4, vm0, $0xb8;
	[tilespmem:$0x18400] =	vst v63  }
0x354: {  	s29 =	simm.s32 $0xAC00  }
0x355: {  	[hbm4b:s2+s3] =	stream.indirect_vreg.scatter [tilespmem:s29], [sflag:$0x2], $0x80, v3, vm0, $0xb8;
	[tilespmem:$0x18400] =	vst v63  }
0x356: {  	s30 =	simm.s32 $0xB400  }
0x357: {  	[hbm4b:s4+s3] =	stream.indirect_vreg.scatter [tilespmem:s30], [sflag:$0x2], $0x80, v3, vm0, $0xb8;
	[tilespmem:$0x18400] =	vst v63  }
0x358: {  	s29 =	simm.s32 $0xBC00  }
0x359: {  	[hbm4b:s5+s3] =	stream.indirect_vreg.scatter [tilespmem:s29], [sflag:$0x2], $0x80, v3, vm0, $0xb8;
	[tilespmem:$0x18400] =	vst v63  }
0x35a: {  	v3 =	vld [tilespmem:$0x2C0];
	_ =	sdelay $0x4  }
0x35b: {  	v44 =	vshrl.u32 v3, $0x3  }
0x35c: {  	v4 =	vmul.u32 $0x30, v44  }
0x35d: {  	v3 =	vand.u32 $0x7, v3  }
0x35e: {  	v3 =	vor.u32 v3, v4  }
0x35f: {  	v4 =	vperm.xlane v3, v0;
	_ =	sdelay $0x1  }
0x360: {  	v4 =	vadd.s32 v1, v4;
	_ =	sdelay $0x3  }
0x361: {  	s31 =	simm.s32 $0xC400;
	v3 =	vperm.xlane v3, v2  }
0x362: {  	[hbm4b:s2+s3] =	stream.indirect_vreg.scatter [tilespmem:s31], [sflag:$0x2], $0x80, v4, vm0, $0xb8;
	[tilespmem:$0x18400] =	vst v63  }
0x363: {  	s30 =	simm.s32 $0xCC00;
	v3 =	vadd.s32 v1, v3  }
0x364: {  	[hbm4b:s4+s3] =	stream.indirect_vreg.scatter [tilespmem:s30], [sflag:$0x2], $0x80, v4, vm0, $0xb8;
	[tilespmem:$0x18400] =	vst v63  }
0x365: {  	s16 =	simm.s32 $0xD400  }
0x366: {  	[hbm4b:s5+s3] =	stream.indirect_vreg.scatter [tilespmem:s16], [sflag:$0x2], $0x80, v4, vm0, $0xb8;
	[tilespmem:$0x18400] =	vst v63  }
0x367: {  	s17 =	simm.s32 $0xDC00  }
0x368: {  	[hbm4b:s2+s3] =	stream.indirect_vreg.scatter [tilespmem:s17], [sflag:$0x2], $0x80, v3, vm0, $0xb8;
	[tilespmem:$0x18400] =	vst v63  }
0x369: {  	s31 =	simm.s32 $0xE400  }
0x36a: {  	[hbm4b:s4+s3] =	stream.indirect_vreg.scatter [tilespmem:s31], [sflag:$0x2], $0x80, v3, vm0, $0xb8;
	[tilespmem:$0x18400] =	vst v63  }
0x36b: {  	s7 =	simm.s32 $0xEC00  }
0x36c: {  	[hbm4b:s5+s3] =	stream.indirect_vreg.scatter [tilespmem:s7], [sflag:$0x2], $0x80, v3, vm0, $0xb8;
	[tilespmem:$0x18400] =	vst v63  }
0x36d: {  	v3 =	vld [tilespmem:$0x2D0];
	_ =	sdelay $0x4  }
0x36e: {  	v45 =	vshrl.u32 v3, $0x3  }
0x36f: {  	v4 =	vmul.u32 $0x30, v45  }
0x370: {  	v3 =	vand.u32 $0x7, v3  }
0x371: {  	v3 =	vor.u32 v3, v4  }
0x372: {  	v4 =	vperm.xlane v3, v0;
	_ =	sdelay $0x1  }
0x373: {  	v4 =	vadd.s32 v1, v4;
	_ =	sdelay $0x3  }
0x374: {  	s8 =	simm.s32 $0xF400;
	v3 =	vperm.xlane v3, v2  }
0x375: {  	[hbm4b:s2+s3] =	stream.indirect_vreg.scatter [tilespmem:s8], [sflag:$0x2], $0x80, v4, vm0, $0xb8;
	[tilespmem:$0x18400] =	vst v63  }
0x376: {  	s7 =	simm.s32 $0xFC00;
	v3 =	vadd.s32 v1, v3  }
0x377: {  	[hbm4b:s4+s3] =	stream.indirect_vreg.scatter [tilespmem:s7], [sflag:$0x2], $0x80, v4, vm0, $0xb8;
	[tilespmem:$0x18400] =	vst v63  }
0x378: {  	s9 =	simm.s32 $0x10400  }
0x379: {  	[hbm4b:s5+s3] =	stream.indirect_vreg.scatter [tilespmem:s9], [sflag:$0x2], $0x80, v4, vm0, $0xb8;
	[tilespmem:$0x18400] =	vst v63  }
0x37a: {  	s8 =	simm.s32 $0x10C00  }
0x37b: {  	[hbm4b:s2+s3] =	stream.indirect_vreg.scatter [tilespmem:s8], [sflag:$0x2], $0x80, v3, vm0, $0xb8;
	[tilespmem:$0x18400] =	vst v63  }
0x37c: {  	s10 =	simm.s32 $0x11400  }
0x37d: {  	[hbm4b:s4+s3] =	stream.indirect_vreg.scatter [tilespmem:s10], [sflag:$0x2], $0x80, v3, vm0, $0xb8;
	[tilespmem:$0x18400] =	vst v63  }
0x37e: {  	s9 =	simm.s32 $0x11C00  }
0x37f: {  	[hbm4b:s5+s3] =	stream.indirect_vreg.scatter [tilespmem:s9], [sflag:$0x2], $0x80, v3, vm0, $0xb8;
	[tilespmem:$0x18400] =	vst v63  }
0x380: {  	v3 =	vld [tilespmem:$0x2E0];
	_ =	sdelay $0x4  }
0x381: {  	v46 =	vshrl.u32 v3, $0x3  }
0x382: {  	v4 =	vmul.u32 $0x30, v46  }
0x383: {  	v3 =	vand.u32 $0x7, v3  }
0x384: {  	v3 =	vor.u32 v3, v4  }
0x385: {  	v4 =	vperm.xlane v3, v0;
	_ =	sdelay $0x1  }
0x386: {  	v4 =	vadd.s32 v1, v4;
	_ =	sdelay $0x3  }
0x387: {  	s6 =	simm.s32 $0x12400;
	v3 =	vperm.xlane v3, v2  }
0x388: {  	[hbm4b:s2+s3] =	stream.indirect_vreg.scatter [tilespmem:s6], [sflag:$0x2], $0x80, v4, vm0, $0xb8;
	[tilespmem:$0x18400] =	vst v63  }
0x389: {  	s10 =	simm.s32 $0x12C00;
	v3 =	vadd.s32 v1, v3  }
0x38a: {  	[hbm4b:s4+s3] =	stream.indirect_vreg.scatter [tilespmem:s10], [sflag:$0x2], $0x80, v4, vm0, $0xb8;
	[tilespmem:$0x18400] =	vst v63  }
0x38b: {  	s11 =	simm.s32 $0x13400  }
0x38c: {  	[hbm4b:s5+s3] =	stream.indirect_vreg.scatter [tilespmem:s11], [sflag:$0x2], $0x80, v4, vm0, $0xb8;
	[tilespmem:$0x18400] =	vst v63  }
0x38d: {  	s11 =	simm.s32 $0x13C00  }
0x38e: {  	[hbm4b:s2+s3] =	stream.indirect_vreg.scatter [tilespmem:s11], [sflag:$0x2], $0x80, v3, vm0, $0xb8;
	[tilespmem:$0x18400] =	vst v63  }
0x38f: {  	s12 =	simm.s32 $0x14400  }
0x390: {  	[hbm4b:s4+s3] =	stream.indirect_vreg.scatter [tilespmem:s12], [sflag:$0x2], $0x80, v3, vm0, $0xb8;
	[tilespmem:$0x18400] =	vst v63  }
0x391: {  	s12 =	simm.s32 $0x14C00  }
0x392: {  	[hbm4b:s5+s3] =	stream.indirect_vreg.scatter [tilespmem:s12], [sflag:$0x2], $0x80, v3, vm0, $0xb8;
	[tilespmem:$0x18400] =	vst v63  }
0x393: {  	v3 =	vld [tilespmem:$0x2F0];
	_ =	sdelay $0x4  }
0x394: {  	v47 =	vshrl.u32 v3, $0x3  }
0x395: {  	v4 =	vmul.u32 $0x30, v47  }
0x396: {  	v3 =	vand.u32 $0x7, v3  }
0x397: {  	v3 =	vor.u32 v3, v4  }
0x398: {  	v4 =	vperm.xlane v3, v0;
	_ =	sdelay $0x1  }
0x399: {  	v4 =	vadd.s32 v1, v4;
	_ =	sdelay $0x3  }
0x39a: {  	s23 =	simm.s32 $0x15400;
	v3 =	vperm.xlane v3, v2  }
0x39b: {  	[hbm4b:s2+s3] =	stream.indirect_vreg.scatter [tilespmem:s23], [sflag:$0x2], $0x80, v4, vm0, $0xb8;
	[tilespmem:$0x18400] =	vst v63  }
0x39c: {  	s24 =	simm.s32 $0x15C00;
	v3 =	vadd.s32 v1, v3  }
0x39d: {  	[hbm4b:s4+s3] =	stream.indirect_vreg.scatter [tilespmem:s24], [sflag:$0x2], $0x80, v4, vm0, $0xb8;
	[tilespmem:$0x18400] =	vst v63  }
0x39e: {  	s13 =	simm.s32 $0x16400  }
0x39f: {  	[hbm4b:s5+s3] =	stream.indirect_vreg.scatter [tilespmem:s13], [sflag:$0x2], $0x80, v4, vm0, $0xb8;
	[tilespmem:$0x18400] =	vst v63  }
0x3a0: {  	s25 =	simm.s32 $0x16C00  }
0x3a1: {  	[hbm4b:s2+s3] =	stream.indirect_vreg.scatter [tilespmem:s25], [sflag:$0x2], $0x80, v3, vm0, $0xb8;
	[tilespmem:$0x18400] =	vst v63  }
0x3a2: {  	s14 =	simm.s32 $0x17400  }
0x3a3: {  	[hbm4b:s4+s3] =	stream.indirect_vreg.scatter [tilespmem:s14], [sflag:$0x2], $0x80, v3, vm0, $0xb8;
	[tilespmem:$0x18400] =	vst v63  }
0x3a4: {  	s26 =	simm.s32 $0x17C00  }
0x3a5: {  	[hbm4b:s5+s3] =	stream.indirect_vreg.scatter [tilespmem:s26], [sflag:$0x2], $0x80, v3, vm0, $0xb8;
	[tilespmem:$0x18400] =	vst v63  }
0x3a6: {  	v3 =	vld [tilespmem:$0x300];
	_ =	sdelay $0x4  }
0x3a7: {  	v48 =	vshrl.u32 v3, $0x3  }
0x3a8: {  	v4 =	vmul.u32 $0x30, v48  }
0x3a9: {  	v3 =	vand.u32 $0x7, v3  }
0x3aa: {  	v3 =	vor.u32 v3, v4  }
0x3ab: {  	v4 =	vperm.xlane v3, v0;
	_ =	sdelay $0x1  }
0x3ac: {  	v4 =	vadd.s32 v1, v4;
	_ =	sdelay $0x3  }
0x3ad: {  	s28 =	simm.s32 $0x400;
	v3 =	vperm.xlane v3, v2  }
0x3ae: {  	[hbm4b:s2+s3] =	stream.indirect_vreg.scatter [tilespmem:s28], [sflag:$0x2], $0x80, v4, vm0, $0xb8;
	[tilespmem:$0x18400] =	vst v63  }
0x3af: {  	s29 =	simm.s32 $0xC00;
	v3 =	vadd.s32 v1, v3  }
0x3b0: {  	[hbm4b:s4+s3] =	stream.indirect_vreg.scatter [tilespmem:s29], [sflag:$0x2], $0x80, v4, vm0, $0xb8;
	[tilespmem:$0x18400] =	vst v63  }
0x3b1: {  	s30 =	simm.s32 $0x1400  }
0x3b2: {  	[hbm4b:s5+s3] =	stream.indirect_vreg.scatter [tilespmem:s30], [sflag:$0x2], $0x80, v4, vm0, $0xb8;
	[tilespmem:$0x18400] =	vst v63  }
0x3b3: {  	s31 =	simm.s32 $0x1C00  }
0x3b4: {  	[hbm4b:s2+s3] =	stream.indirect_vreg.scatter [tilespmem:s31], [sflag:$0x2], $0x80, v3, vm0, $0xb8;
	[tilespmem:$0x18400] =	vst v63  }
0x3b5: {  	s1 =	simm.s32 $0x2400  }
0x3b6: {  	[hbm4b:s4+s3] =	stream.indirect_vreg.scatter [tilespmem:s1], [sflag:$0x2], $0x80, v3, vm0, $0xb8;
	[tilespmem:$0x18400] =	vst v63  }
0x3b7: {  	s9 =	simm.s32 $0x2C00  }
0x3b8: {  	[hbm4b:s5+s3] =	stream.indirect_vreg.scatter [tilespmem:s9], [sflag:$0x2], $0x80, v3, vm0, $0xb8;
	[tilespmem:$0x18400] =	vst v63  }
0x3b9: {  	v3 =	vld [tilespmem:$0x310];
	_ =	sdelay $0x4  }
0x3ba: {  	v49 =	vshrl.u32 v3, $0x3  }
0x3bb: {  	v4 =	vmul.u32 $0x30, v49  }
0x3bc: {  	v3 =	vand.u32 $0x7, v3  }
0x3bd: {  	v3 =	vor.u32 v3, v4  }
0x3be: {  	v4 =	vperm.xlane v3, v0;
	_ =	sdelay $0x1  }
0x3bf: {  	v4 =	vadd.s32 v1, v4;
	_ =	sdelay $0x3  }
0x3c0: {  	s11 =	simm.s32 $0x3400;
	v3 =	vperm.xlane v3, v2  }
0x3c1: {  	[hbm4b:s2+s3] =	stream.indirect_vreg.scatter [tilespmem:s11], [sflag:$0x2], $0x80, v4, vm0, $0xb8;
	[tilespmem:$0x18400] =	vst v63  }
0x3c2: {  	s12 =	simm.s32 $0x3C00;
	v3 =	vadd.s32 v1, v3  }
0x3c3: {  	[hbm4b:s4+s3] =	stream.indirect_vreg.scatter [tilespmem:s12], [sflag:$0x2], $0x80, v4, vm0, $0xb8;
	[tilespmem:$0x18400] =	vst v63  }
0x3c4: {  	s13 =	simm.s32 $0x4400  }
0x3c5: {  	[hbm4b:s5+s3] =	stream.indirect_vreg.scatter [tilespmem:s13], [sflag:$0x2], $0x80, v4, vm0, $0xb8;
	[tilespmem:$0x18400] =	vst v63  }
0x3c6: {  	s14 =	simm.s32 $0x4C00  }
0x3c7: {  	[hbm4b:s2+s3] =	stream.indirect_vreg.scatter [tilespmem:s14], [sflag:$0x2], $0x80, v3, vm0, $0xb8;
	[tilespmem:$0x18400] =	vst v63  }
0x3c8: {  	s25 =	simm.s32 $0x5400  }
0x3c9: {  	[hbm4b:s4+s3] =	stream.indirect_vreg.scatter [tilespmem:s25], [sflag:$0x2], $0x80, v3, vm0, $0xb8;
	[tilespmem:$0x18400] =	vst v63  }
0x3ca: {  	s26 =	simm.s32 $0x5C00  }
0x3cb: {  	[hbm4b:s5+s3] =	stream.indirect_vreg.scatter [tilespmem:s26], [sflag:$0x2], $0x80, v3, vm0, $0xb8;
	[tilespmem:$0x18400] =	vst v63  }
0x3cc: {  	v3 =	vld [tilespmem:$0x320];
	_ =	sdelay $0x4  }
0x3cd: {  	v50 =	vshrl.u32 v3, $0x3  }
0x3ce: {  	v4 =	vmul.u32 $0x30, v50  }
0x3cf: {  	v3 =	vand.u32 $0x7, v3  }
0x3d0: {  	v3 =	vor.u32 v3, v4  }
0x3d1: {  	v4 =	vperm.xlane v3, v0;
	_ =	sdelay $0x1  }
0x3d2: {  	v4 =	vadd.s32 v1, v4;
	_ =	sdelay $0x3  }
0x3d3: {  	s28 =	simm.s32 $0x6400;
	v3 =	vperm.xlane v3, v2  }
0x3d4: {  	[hbm4b:s2+s3] =	stream.indirect_vreg.scatter [tilespmem:s28], [sflag:$0x2], $0x80, v4, vm0, $0xb8;
	[tilespmem:$0x18400] =	vst v63  }
0x3d5: {  	s29 =	simm.s32 $0x6C00;
	v3 =	vadd.s32 v1, v3  }
0x3d6: {  	[hbm4b:s4+s3] =	stream.indirect_vreg.scatter [tilespmem:s29], [sflag:$0x2], $0x80, v4, vm0, $0xb8;
	[tilespmem:$0x18400] =	vst v63  }
0x3d7: {  	s30 =	simm.s32 $0x7400  }
0x3d8: {  	[hbm4b:s5+s3] =	stream.indirect_vreg.scatter [tilespmem:s30], [sflag:$0x2], $0x80, v4, vm0, $0xb8;
	[tilespmem:$0x18400] =	vst v63  }
0x3d9: {  	s31 =	simm.s32 $0x7C00  }
0x3da: {  	[hbm4b:s2+s3] =	stream.indirect_vreg.scatter [tilespmem:s31], [sflag:$0x2], $0x80, v3, vm0, $0xb8;
	[tilespmem:$0x18400] =	vst v63  }
0x3db: {  	s1 =	simm.s32 $0x8400  }
0x3dc: {  	[hbm4b:s4+s3] =	stream.indirect_vreg.scatter [tilespmem:s1], [sflag:$0x2], $0x80, v3, vm0, $0xb8;
	[tilespmem:$0x18400] =	vst v63  }
0x3dd: {  	s9 =	simm.s32 $0x8C00  }
0x3de: {  	[hbm4b:s5+s3] =	stream.indirect_vreg.scatter [tilespmem:s9], [sflag:$0x2], $0x80, v3, vm0, $0xb8;
	[tilespmem:$0x18400] =	vst v63  }
0x3df: {  	v3 =	vld [tilespmem:$0x330];
	_ =	sdelay $0x4  }
0x3e0: {  	v51 =	vshrl.u32 v3, $0x3  }
0x3e1: {  	v4 =	vmul.u32 $0x30, v51  }
0x3e2: {  	v3 =	vand.u32 $0x7, v3  }
0x3e3: {  	v3 =	vor.u32 v3, v4  }
0x3e4: {  	v4 =	vperm.xlane v3, v0;
	_ =	sdelay $0x1  }
0x3e5: {  	v4 =	vadd.s32 v1, v4;
	_ =	sdelay $0x3  }
0x3e6: {  	s30 =	simm.s32 $0x9400;
	v3 =	vperm.xlane v3, v2  }
0x3e7: {  	[hbm4b:s2+s3] =	stream.indirect_vreg.scatter [tilespmem:s30], [sflag:$0x2], $0x80, v4, vm0, $0xb8;
	[tilespmem:$0x18400] =	vst v63  }
0x3e8: {  	s31 =	simm.s32 $0x9C00;
	v3 =	vadd.s32 v1, v3  }
0x3e9: {  	[hbm4b:s4+s3] =	stream.indirect_vreg.scatter [tilespmem:s31], [sflag:$0x2], $0x80, v4, vm0, $0xb8;
	[tilespmem:$0x18400] =	vst v63  }
0x3ea: {  	s1 =	simm.s32 $0xA400  }
0x3eb: {  	[hbm4b:s5+s3] =	stream.indirect_vreg.scatter [tilespmem:s1], [sflag:$0x2], $0x80, v4, vm0, $0xb8;
	[tilespmem:$0x18400] =	vst v63  }
0x3ec: {  	s9 =	simm.s32 $0xAC00  }
0x3ed: {  	[hbm4b:s2+s3] =	stream.indirect_vreg.scatter [tilespmem:s9], [sflag:$0x2], $0x80, v3, vm0, $0xb8;
	[tilespmem:$0x18400] =	vst v63  }
0x3ee: {  	s1 =	simm.s32 $0xB400  }
0x3ef: {  	[hbm4b:s4+s3] =	stream.indirect_vreg.scatter [tilespmem:s1], [sflag:$0x2], $0x80, v3, vm0, $0xb8;
	[tilespmem:$0x18400] =	vst v63  }
0x3f0: {  	s9 =	simm.s32 $0xBC00  }
0x3f1: {  	[hbm4b:s5+s3] =	stream.indirect_vreg.scatter [tilespmem:s9], [sflag:$0x2], $0x80, v3, vm0, $0xb8;
	[tilespmem:$0x18400] =	vst v63  }
0x3f2: {  	v3 =	vld [tilespmem:$0x340];
	_ =	sdelay $0x4  }
0x3f3: {  	v52 =	vshrl.u32 v3, $0x3  }
0x3f4: {  	v4 =	vmul.u32 $0x30, v52  }
0x3f5: {  	v3 =	vand.u32 $0x7, v3  }
0x3f6: {  	v3 =	vor.u32 v3, v4  }
0x3f7: {  	v4 =	vperm.xlane v3, v0;
	_ =	sdelay $0x1  }
0x3f8: {  	v4 =	vadd.s32 v1, v4;
	_ =	sdelay $0x3  }
0x3f9: {  	s1 =	simm.s32 $0xC400;
	v3 =	vperm.xlane v3, v2  }
0x3fa: {  	[hbm4b:s2+s3] =	stream.indirect_vreg.scatter [tilespmem:s1], [sflag:$0x2], $0x80, v4, vm0, $0xb8;
	[tilespmem:$0x18400] =	vst v63  }
0x3fb: {  	s9 =	simm.s32 $0xCC00;
	v3 =	vadd.s32 v1, v3  }
0x3fc: {  	[hbm4b:s4+s3] =	stream.indirect_vreg.scatter [tilespmem:s9], [sflag:$0x2], $0x80, v4, vm0, $0xb8;
	[tilespmem:$0x18400] =	vst v63  }
0x3fd: {  	s18 =	simm.s32 $0xD400  }
0x3fe: {  	[hbm4b:s5+s3] =	stream.indirect_vreg.scatter [tilespmem:s18], [sflag:$0x2], $0x80, v4, vm0, $0xb8;
	[tilespmem:$0x18400] =	vst v63  }
0x3ff: {  	s19 =	simm.s32 $0xDC00  }
0x400: {  	[hbm4b:s2+s3] =	stream.indirect_vreg.scatter [tilespmem:s19], [sflag:$0x2], $0x80, v3, vm0, $0xb8;
	[tilespmem:$0x18400] =	vst v63  }
0x401: {  	s15 =	simm.s32 $0xE400  }
0x402: {  	[hbm4b:s4+s3] =	stream.indirect_vreg.scatter [tilespmem:s15], [sflag:$0x2], $0x80, v3, vm0, $0xb8;
	[tilespmem:$0x18400] =	vst v63  }
0x403: {  	s19 =	simm.s32 $0xEC00  }
0x404: {  	[hbm4b:s5+s3] =	stream.indirect_vreg.scatter [tilespmem:s19], [sflag:$0x2], $0x80, v3, vm0, $0xb8;
	[tilespmem:$0x18400] =	vst v63  }
0x405: {  	v3 =	vld [tilespmem:$0x350];
	_ =	sdelay $0x4  }
0x406: {  	v53 =	vshrl.u32 v3, $0x3  }
0x407: {  	v4 =	vmul.u32 $0x30, v53  }
0x408: {  	v3 =	vand.u32 $0x7, v3  }
0x409: {  	v3 =	vor.u32 v3, v4  }
0x40a: {  	v4 =	vperm.xlane v3, v0;
	_ =	sdelay $0x1  }
0x40b: {  	v4 =	vadd.s32 v1, v4;
	_ =	sdelay $0x3  }
0x40c: {  	s16 =	simm.s32 $0xF400;
	v3 =	vperm.xlane v3, v2  }
0x40d: {  	[hbm4b:s2+s3] =	stream.indirect_vreg.scatter [tilespmem:s16], [sflag:$0x2], $0x80, v4, vm0, $0xb8;
	[tilespmem:$0x18400] =	vst v63  }
0x40e: {  	s1 =	simm.s32 $0xFC00;
	v3 =	vadd.s32 v1, v3  }
0x40f: {  	[hbm4b:s4+s3] =	stream.indirect_vreg.scatter [tilespmem:s1], [sflag:$0x2], $0x80, v4, vm0, $0xb8;
	[tilespmem:$0x18400] =	vst v63  }
0x410: {  	s17 =	simm.s32 $0x10400  }
0x411: {  	[hbm4b:s5+s3] =	stream.indirect_vreg.scatter [tilespmem:s17], [sflag:$0x2], $0x80, v4, vm0, $0xb8;
	[tilespmem:$0x18400] =	vst v63  }
0x412: {  	s19 =	simm.s32 $0x10C00  }
0x413: {  	[hbm4b:s2+s3] =	stream.indirect_vreg.scatter [tilespmem:s19], [sflag:$0x2], $0x80, v3, vm0, $0xb8;
	[tilespmem:$0x18400] =	vst v63  }
0x414: {  	s20 =	simm.s32 $0x11400  }
0x415: {  	[hbm4b:s4+s3] =	stream.indirect_vreg.scatter [tilespmem:s20], [sflag:$0x2], $0x80, v3, vm0, $0xb8;
	[tilespmem:$0x18400] =	vst v63  }
0x416: {  	s20 =	simm.s32 $0x11C00  }
0x417: {  	[hbm4b:s5+s3] =	stream.indirect_vreg.scatter [tilespmem:s20], [sflag:$0x2], $0x80, v3, vm0, $0xb8;
	[tilespmem:$0x18400] =	vst v63  }
0x418: {  	v3 =	vld [tilespmem:$0x360];
	_ =	sdelay $0x4  }
0x419: {  	v54 =	vshrl.u32 v3, $0x3  }
0x41a: {  	v4 =	vmul.u32 $0x30, v54  }
0x41b: {  	v3 =	vand.u32 $0x7, v3  }
0x41c: {  	v3 =	vor.u32 v3, v4  }
0x41d: {  	v4 =	vperm.xlane v3, v0;
	_ =	sdelay $0x1  }
0x41e: {  	v4 =	vadd.s32 v1, v4;
	_ =	sdelay $0x3  }
0x41f: {  	s1 =	simm.s32 $0x12400;
	v3 =	vperm.xlane v3, v2  }
0x420: {  	[hbm4b:s2+s3] =	stream.indirect_vreg.scatter [tilespmem:s1], [sflag:$0x2], $0x80, v4, vm0, $0xb8;
	[tilespmem:$0x18400] =	vst v63  }
0x421: {  	s20 =	simm.s32 $0x12C00;
	v3 =	vadd.s32 v1, v3  }
0x422: {  	[hbm4b:s4+s3] =	stream.indirect_vreg.scatter [tilespmem:s20], [sflag:$0x2], $0x80, v4, vm0, $0xb8;
	[tilespmem:$0x18400] =	vst v63  }
0x423: {  	s21 =	simm.s32 $0x13400  }
0x424: {  	[hbm4b:s5+s3] =	stream.indirect_vreg.scatter [tilespmem:s21], [sflag:$0x2], $0x80, v4, vm0, $0xb8;
	[tilespmem:$0x18400] =	vst v63  }
0x425: {  	s21 =	simm.s32 $0x13C00  }
0x426: {  	[hbm4b:s2+s3] =	stream.indirect_vreg.scatter [tilespmem:s21], [sflag:$0x2], $0x80, v3, vm0, $0xb8;
	[tilespmem:$0x18400] =	vst v63  }
0x427: {  	s22 =	simm.s32 $0x14400  }
0x428: {  	[hbm4b:s4+s3] =	stream.indirect_vreg.scatter [tilespmem:s22], [sflag:$0x2], $0x80, v3, vm0, $0xb8;
	[tilespmem:$0x18400] =	vst v63  }
0x429: {  	s22 =	simm.s32 $0x14C00  }
0x42a: {  	[hbm4b:s5+s3] =	stream.indirect_vreg.scatter [tilespmem:s22], [sflag:$0x2], $0x80, v3, vm0, $0xb8;
	[tilespmem:$0x18400] =	vst v63  }
0x42b: {  	v3 =	vld [tilespmem:$0x370];
	_ =	sdelay $0x4  }
0x42c: {  	v55 =	vshrl.u32 v3, $0x3  }
0x42d: {  	v4 =	vmul.u32 $0x30, v55  }
0x42e: {  	v3 =	vand.u32 $0x7, v3  }
0x42f: {  	v3 =	vor.u32 v3, v4  }
0x430: {  	v4 =	vperm.xlane v3, v0;
	_ =	sdelay $0x1  }
0x431: {  	v4 =	vadd.s32 v1, v4;
	_ =	sdelay $0x3  }
0x432: {  	s1 =	simm.s32 $0x15400;
	v3 =	vperm.xlane v3, v2  }
0x433: {  	[hbm4b:s2+s3] =	stream.indirect_vreg.scatter [tilespmem:s1], [sflag:$0x2], $0x80, v4, vm0, $0xb8;
	[tilespmem:$0x18400] =	vst v63  }
0x434: {  	s22 =	simm.s32 $0x15C00;
	v3 =	vadd.s32 v1, v3  }
0x435: {  	[hbm4b:s4+s3] =	stream.indirect_vreg.scatter [tilespmem:s22], [sflag:$0x2], $0x80, v4, vm0, $0xb8;
	[tilespmem:$0x18400] =	vst v63  }
0x436: {  	s23 =	simm.s32 $0x16400  }
0x437: {  	[hbm4b:s5+s3] =	stream.indirect_vreg.scatter [tilespmem:s23], [sflag:$0x2], $0x80, v4, vm0, $0xb8;
	[tilespmem:$0x18400] =	vst v63  }
0x438: {  	s23 =	simm.s32 $0x16C00  }
0x439: {  	[hbm4b:s2+s3] =	stream.indirect_vreg.scatter [tilespmem:s23], [sflag:$0x2], $0x80, v3, vm0, $0xb8;
	[tilespmem:$0x18400] =	vst v63  }
0x43a: {  	s24 =	simm.s32 $0x17400  }
0x43b: {  	[hbm4b:s4+s3] =	stream.indirect_vreg.scatter [tilespmem:s24], [sflag:$0x2], $0x80, v3, vm0, $0xb8;
	[tilespmem:$0x18400] =	vst v63  }
0x43c: {  	s1 =	simm.s32 $0x17C00  }
0x43d: {  	[hbm4b:s5+s3] =	stream.indirect_vreg.scatter [tilespmem:s1], [sflag:$0x2], $0x80, v3, vm0, $0xb8;
	[tilespmem:$0x18400] =	vst v63  }
0x43e: {  	v3 =	vld [tilespmem:$0x380];
	_ =	sdelay $0x4  }
0x43f: {  	v56 =	vshrl.u32 v3, $0x3  }
0x440: {  	v4 =	vmul.u32 $0x30, v56  }
0x441: {  	v3 =	vand.u32 $0x7, v3  }
0x442: {  	v3 =	vor.u32 v3, v4  }
0x443: {  	v4 =	vperm.xlane v3, v0;
	_ =	sdelay $0x1  }
0x444: {  	v4 =	vadd.s32 v1, v4;
	_ =	sdelay $0x3  }
0x445: {  	s1 =	simm.s32 $0x400;
	v3 =	vperm.xlane v3, v2  }
0x446: {  	[hbm4b:s2+s3] =	stream.indirect_vreg.scatter [tilespmem:s1], [sflag:$0x2], $0x80, v4, vm0, $0xb8;
	[tilespmem:$0x18400] =	vst v63  }
0x447: {  	v3 =	vadd.s32 v1, v3;
	s1 =	simm.s32 $0xC00  }
0x448: {  	[hbm4b:s4+s3] =	stream.indirect_vreg.scatter [tilespmem:s1], [sflag:$0x2], $0x80, v4, vm0, $0xb8;
	[tilespmem:$0x18400] =	vst v63  }
0x449: {  	s7 =	simm.s32 $0x1400  }
0x44a: {  	[hbm4b:s5+s3] =	stream.indirect_vreg.scatter [tilespmem:s7], [sflag:$0x2], $0x80, v4, vm0, $0xb8;
	[tilespmem:$0x18400] =	vst v63  }
0x44b: {  	s8 =	simm.s32 $0x1C00  }
0x44c: {  	[hbm4b:s2+s3] =	stream.indirect_vreg.scatter [tilespmem:s8], [sflag:$0x2], $0x80, v3, vm0, $0xb8;
	[tilespmem:$0x18400] =	vst v63  }
0x44d: {  	s10 =	simm.s32 $0x2400  }
0x44e: {  	[hbm4b:s4+s3] =	stream.indirect_vreg.scatter [tilespmem:s10], [sflag:$0x2], $0x80, v3, vm0, $0xb8;
	[tilespmem:$0x18400] =	vst v63  }
0x44f: {  	s8 =	simm.s32 $0x2C00  }
0x450: {  	[hbm4b:s5+s3] =	stream.indirect_vreg.scatter [tilespmem:s8], [sflag:$0x2], $0x80, v3, vm0, $0xb8;
	[tilespmem:$0x18400] =	vst v63  }
0x451: {  	v3 =	vld [tilespmem:$0x390];
	_ =	sdelay $0x4  }
0x452: {  	v57 =	vshrl.u32 v3, $0x3  }
0x453: {  	v4 =	vmul.u32 $0x30, v57  }
0x454: {  	v3 =	vand.u32 $0x7, v3  }
0x455: {  	v3 =	vor.u32 v3, v4  }
0x456: {  	v4 =	vperm.xlane v3, v0;
	_ =	sdelay $0x1  }
0x457: {  	v4 =	vadd.s32 v1, v4;
	_ =	sdelay $0x3  }
0x458: {  	s10 =	simm.s32 $0x3400;
	v3 =	vperm.xlane v3, v2  }
0x459: {  	[hbm4b:s2+s3] =	stream.indirect_vreg.scatter [tilespmem:s10], [sflag:$0x2], $0x80, v4, vm0, $0xb8;
	[tilespmem:$0x18400] =	vst v63  }
0x45a: {  	s11 =	simm.s32 $0x3C00;
	v3 =	vadd.s32 v1, v3  }
0x45b: {  	[hbm4b:s4+s3] =	stream.indirect_vreg.scatter [tilespmem:s11], [sflag:$0x2], $0x80, v4, vm0, $0xb8;
	[tilespmem:$0x18400] =	vst v63  }
0x45c: {  	s12 =	simm.s32 $0x4400  }
0x45d: {  	[hbm4b:s5+s3] =	stream.indirect_vreg.scatter [tilespmem:s12], [sflag:$0x2], $0x80, v4, vm0, $0xb8;
	[tilespmem:$0x18400] =	vst v63  }
0x45e: {  	s13 =	simm.s32 $0x4C00  }
0x45f: {  	[hbm4b:s2+s3] =	stream.indirect_vreg.scatter [tilespmem:s13], [sflag:$0x2], $0x80, v3, vm0, $0xb8;
	[tilespmem:$0x18400] =	vst v63  }
0x460: {  	s14 =	simm.s32 $0x5400  }
0x461: {  	[hbm4b:s4+s3] =	stream.indirect_vreg.scatter [tilespmem:s14], [sflag:$0x2], $0x80, v3, vm0, $0xb8;
	[tilespmem:$0x18400] =	vst v63  }
0x462: {  	s13 =	simm.s32 $0x5C00  }
0x463: {  	[hbm4b:s5+s3] =	stream.indirect_vreg.scatter [tilespmem:s13], [sflag:$0x2], $0x80, v3, vm0, $0xb8;
	[tilespmem:$0x18400] =	vst v63  }
0x464: {  	v3 =	vld [tilespmem:$0x3A0];
	_ =	sdelay $0x4  }
0x465: {  	v58 =	vshrl.u32 v3, $0x3  }
0x466: {  	v4 =	vmul.u32 $0x30, v58  }
0x467: {  	v3 =	vand.u32 $0x7, v3  }
0x468: {  	v3 =	vor.u32 v3, v4  }
0x469: {  	v4 =	vperm.xlane v3, v0;
	_ =	sdelay $0x1  }
0x46a: {  	v4 =	vadd.s32 v1, v4;
	_ =	sdelay $0x3  }
0x46b: {  	s14 =	simm.s32 $0x6400;
	v3 =	vperm.xlane v3, v2  }
0x46c: {  	[hbm4b:s2+s3] =	stream.indirect_vreg.scatter [tilespmem:s14], [sflag:$0x2], $0x80, v4, vm0, $0xb8;
	[tilespmem:$0x18400] =	vst v63  }
0x46d: {  	s25 =	simm.s32 $0x6C00;
	v3 =	vadd.s32 v1, v3  }
0x46e: {  	[hbm4b:s4+s3] =	stream.indirect_vreg.scatter [tilespmem:s25], [sflag:$0x2], $0x80, v4, vm0, $0xb8;
	[tilespmem:$0x18400] =	vst v63  }
0x46f: {  	s26 =	simm.s32 $0x7400  }
0x470: {  	[hbm4b:s5+s3] =	stream.indirect_vreg.scatter [tilespmem:s26], [sflag:$0x2], $0x80, v4, vm0, $0xb8;
	[tilespmem:$0x18400] =	vst v63  }
0x471: {  	s28 =	simm.s32 $0x7C00  }
0x472: {  	[hbm4b:s2+s3] =	stream.indirect_vreg.scatter [tilespmem:s28], [sflag:$0x2], $0x80, v3, vm0, $0xb8;
	[tilespmem:$0x18400] =	vst v63  }
0x473: {  	s29 =	simm.s32 $0x8400  }
0x474: {  	[hbm4b:s4+s3] =	stream.indirect_vreg.scatter [tilespmem:s29], [sflag:$0x2], $0x80, v3, vm0, $0xb8;
	[tilespmem:$0x18400] =	vst v63  }
0x475: {  	s28 =	simm.s32 $0x8C00  }
0x476: {  	[hbm4b:s5+s3] =	stream.indirect_vreg.scatter [tilespmem:s28], [sflag:$0x2], $0x80, v3, vm0, $0xb8;
	[tilespmem:$0x18400] =	vst v63  }
0x477: {  	v3 =	vld [tilespmem:$0x3B0];
	_ =	sdelay $0x4  }
0x478: {  	v59 =	vshrl.u32 v3, $0x3  }
0x479: {  	v4 =	vmul.u32 $0x30, v59  }
0x47a: {  	v3 =	vand.u32 $0x7, v3  }
0x47b: {  	v3 =	vor.u32 v3, v4  }
0x47c: {  	v4 =	vperm.xlane v3, v0;
	_ =	sdelay $0x1  }
0x47d: {  	v4 =	vadd.s32 v1, v4;
	_ =	sdelay $0x3  }
0x47e: {  	s29 =	simm.s32 $0x9400;
	v3 =	vperm.xlane v3, v2  }
0x47f: {  	[hbm4b:s2+s3] =	stream.indirect_vreg.scatter [tilespmem:s29], [sflag:$0x2], $0x80, v4, vm0, $0xb8;
	[tilespmem:$0x18400] =	vst v63  }
0x480: {  	s30 =	simm.s32 $0x9C00;
	v3 =	vadd.s32 v1, v3  }
0x481: {  	[hbm4b:s4+s3] =	stream.indirect_vreg.scatter [tilespmem:s30], [sflag:$0x2], $0x80, v4, vm0, $0xb8;
	[tilespmem:$0x18400] =	vst v63  }
0x482: {  	s31 =	simm.s32 $0xA400  }
0x483: {  	[hbm4b:s5+s3] =	stream.indirect_vreg.scatter [tilespmem:s31], [sflag:$0x2], $0x80, v4, vm0, $0xb8;
	[tilespmem:$0x18400] =	vst v63  }
0x484: {  	s7 =	simm.s32 $0xAC00  }
0x485: {  	[hbm4b:s2+s3] =	stream.indirect_vreg.scatter [tilespmem:s7], [sflag:$0x2], $0x80, v3, vm0, $0xb8;
	[tilespmem:$0x18400] =	vst v63  }
0x486: {  	s8 =	simm.s32 $0xB400  }
0x487: {  	[hbm4b:s4+s3] =	stream.indirect_vreg.scatter [tilespmem:s8], [sflag:$0x2], $0x80, v3, vm0, $0xb8;
	[tilespmem:$0x18400] =	vst v63  }
0x488: {  	s10 =	simm.s32 $0xBC00  }
0x489: {  	[hbm4b:s5+s3] =	stream.indirect_vreg.scatter [tilespmem:s10], [sflag:$0x2], $0x80, v3, vm0, $0xb8;
	[tilespmem:$0x18400] =	vst v63  }
0x48a: {  	v3 =	vld [tilespmem:$0x3C0];
	_ =	sdelay $0x4  }
0x48b: {  	v60 =	vshrl.u32 v3, $0x3  }
0x48c: {  	v4 =	vmul.u32 $0x30, v60  }
0x48d: {  	v3 =	vand.u32 $0x7, v3  }
0x48e: {  	v3 =	vor.u32 v3, v4  }
0x48f: {  	v4 =	vperm.xlane v3, v0;
	_ =	sdelay $0x1  }
0x490: {  	v4 =	vadd.s32 v1, v4;
	_ =	sdelay $0x3  }
0x491: {  	s11 =	simm.s32 $0xC400;
	v3 =	vperm.xlane v3, v2  }
0x492: {  	[hbm4b:s2+s3] =	stream.indirect_vreg.scatter [tilespmem:s11], [sflag:$0x2], $0x80, v4, vm0, $0xb8;
	[tilespmem:$0x18400] =	vst v63  }
0x493: {  	s12 =	simm.s32 $0xCC00;
	v3 =	vadd.s32 v1, v3  }
0x494: {  	[hbm4b:s4+s3] =	stream.indirect_vreg.scatter [tilespmem:s12], [sflag:$0x2], $0x80, v4, vm0, $0xb8;
	[tilespmem:$0x18400] =	vst v63  }
0x495: {  	s9 =	simm.s32 $0xD400  }
0x496: {  	[hbm4b:s5+s3] =	stream.indirect_vreg.scatter [tilespmem:s9], [sflag:$0x2], $0x80, v4, vm0, $0xb8;
	[tilespmem:$0x18400] =	vst v63  }
0x497: {  	s18 =	simm.s32 $0xDC00  }
0x498: {  	[hbm4b:s2+s3] =	stream.indirect_vreg.scatter [tilespmem:s18], [sflag:$0x2], $0x80, v3, vm0, $0xb8;
	[tilespmem:$0x18400] =	vst v63  }
0x499: {  	s6 =	simm.s32 $0xE400  }
0x49a: {  	[hbm4b:s4+s3] =	stream.indirect_vreg.scatter [tilespmem:s6], [sflag:$0x2], $0x80, v3, vm0, $0xb8;
	[tilespmem:$0x18400] =	vst v63  }
0x49b: {  	s14 =	simm.s32 $0xEC00  }
0x49c: {  	[hbm4b:s5+s3] =	stream.indirect_vreg.scatter [tilespmem:s14], [sflag:$0x2], $0x80, v3, vm0, $0xb8;
	[tilespmem:$0x18400] =	vst v63  }
0x49d: {  	v3 =	vld [tilespmem:$0x3D0];
	_ =	sdelay $0x4  }
0x49e: {  	v61 =	vshrl.u32 v3, $0x3  }
0x49f: {  	v4 =	vmul.u32 $0x30, v61  }
0x4a0: {  	v3 =	vand.u32 $0x7, v3  }
0x4a1: {  	v3 =	vor.u32 v3, v4  }
0x4a2: {  	v4 =	vperm.xlane v3, v0;
	_ =	sdelay $0x1  }
0x4a3: {  	v4 =	vadd.s32 v1, v4;
	_ =	sdelay $0x3  }
0x4a4: {  	s15 =	simm.s32 $0xF400;
	v3 =	vperm.xlane v3, v2  }
0x4a5: {  	[hbm4b:s2+s3] =	stream.indirect_vreg.scatter [tilespmem:s15], [sflag:$0x2], $0x80, v4, vm0, $0xb8;
	[tilespmem:$0x18400] =	vst v63  }
0x4a6: {  	v3 =	vadd.s32 v1, v3;
	s15 =	simm.s32 $0xFC00  }
0x4a7: {  	[hbm4b:s4+s3] =	stream.indirect_vreg.scatter [tilespmem:s15], [sflag:$0x2], $0x80, v4, vm0, $0xb8;
	[tilespmem:$0x18400] =	vst v63  }
0x4a8: {  	s16 =	simm.s32 $0x10400  }
0x4a9: {  	[hbm4b:s5+s3] =	stream.indirect_vreg.scatter [tilespmem:s16], [sflag:$0x2], $0x80, v4, vm0, $0xb8;
	[tilespmem:$0x18400] =	vst v63  }
0x4aa: {  	s16 =	simm.s32 $0x10C00  }
0x4ab: {  	[hbm4b:s2+s3] =	stream.indirect_vreg.scatter [tilespmem:s16], [sflag:$0x2], $0x80, v3, vm0, $0xb8;
	[tilespmem:$0x18400] =	vst v63  }
0x4ac: {  	s17 =	simm.s32 $0x11400  }
0x4ad: {  	[hbm4b:s4+s3] =	stream.indirect_vreg.scatter [tilespmem:s17], [sflag:$0x2], $0x80, v3, vm0, $0xb8;
	[tilespmem:$0x18400] =	vst v63  }
0x4ae: {  	s18 =	simm.s32 $0x11C00  }
0x4af: {  	[hbm4b:s5+s3] =	stream.indirect_vreg.scatter [tilespmem:s18], [sflag:$0x2], $0x80, v3, vm0, $0xb8;
	[tilespmem:$0x18400] =	vst v63  }
0x4b0: {  	v3 =	vld [tilespmem:$0x3E0];
	_ =	sdelay $0x4  }
0x4b1: {  	v62 =	vshrl.u32 v3, $0x3  }
0x4b2: {  	v4 =	vmul.u32 $0x30, v62  }
0x4b3: {  	v3 =	vand.u32 $0x7, v3  }
0x4b4: {  	v3 =	vor.u32 v3, v4  }
0x4b5: {  	v4 =	vperm.xlane v3, v0;
	_ =	sdelay $0x1  }
0x4b6: {  	v4 =	vadd.s32 v1, v4;
	_ =	sdelay $0x3  }
0x4b7: {  	s25 =	simm.s32 $0x12400;
	v3 =	vperm.xlane v3, v2  }
0x4b8: {  	[hbm4b:s2+s3] =	stream.indirect_vreg.scatter [tilespmem:s25], [sflag:$0x2], $0x80, v4, vm0, $0xb8;
	[tilespmem:$0x18400] =	vst v63  }
0x4b9: {  	s26 =	simm.s32 $0x12C00;
	v3 =	vadd.s32 v1, v3  }
0x4ba: {  	[hbm4b:s4+s3] =	stream.indirect_vreg.scatter [tilespmem:s26], [sflag:$0x2], $0x80, v4, vm0, $0xb8;
	[tilespmem:$0x18400] =	vst v63  }
0x4bb: {  	s19 =	simm.s32 $0x13400  }
0x4bc: {  	[hbm4b:s5+s3] =	stream.indirect_vreg.scatter [tilespmem:s19], [sflag:$0x2], $0x80, v4, vm0, $0xb8;
	[tilespmem:$0x18400] =	vst v63  }
0x4bd: {  	s28 =	simm.s32 $0x13C00  }
0x4be: {  	[hbm4b:s2+s3] =	stream.indirect_vreg.scatter [tilespmem:s28], [sflag:$0x2], $0x80, v3, vm0, $0xb8;
	[tilespmem:$0x18400] =	vst v63  }
0x4bf: {  	s20 =	simm.s32 $0x14400  }
0x4c0: {  	[hbm4b:s4+s3] =	stream.indirect_vreg.scatter [tilespmem:s20], [sflag:$0x2], $0x80, v3, vm0, $0xb8;
	[tilespmem:$0x18400] =	vst v63  }
0x4c1: {  	s29 =	simm.s32 $0x14C00  }
0x4c2: {  	[hbm4b:s5+s3] =	stream.indirect_vreg.scatter [tilespmem:s29], [sflag:$0x2], $0x80, v3, vm0, $0xb8;
	[tilespmem:$0x18400] =	vst v63  }
0x4c3: {  	v3 =	vld [tilespmem:$0x3F0];
	_ =	sdelay $0x4  }
0x4c4: {  	v63 =	vshrl.u32 v3, $0x3  }
0x4c5: {  	v4 =	vmul.u32 $0x30, v63  }
0x4c6: {  	v3 =	vand.u32 $0x7, v3  }
0x4c7: {  	v3 =	vor.u32 v3, v4  }
0x4c8: {  	v4 =	vperm.xlane v3, v0;
	_ =	sdelay $0x1  }
0x4c9: {  	v4 =	vadd.s32 v1, v4;
	_ =	sdelay $0x3  }
0x4ca: {  	s30 =	simm.s32 $0x15400;
	v3 =	vperm.xlane v3, v2  }
0x4cb: {  	[hbm4b:s2+s3] =	stream.indirect_vreg.scatter [tilespmem:s30], [sflag:$0x2], $0x80, v4, vm0, $0xb8;
	[tilespmem:$0x18400] =	vst v63  }
0x4cc: {  	s31 =	simm.s32 $0x15C00;
	v3 =	vadd.s32 v1, v3  }
0x4cd: {  	[hbm4b:s4+s3] =	stream.indirect_vreg.scatter [tilespmem:s31], [sflag:$0x2], $0x80, v4, vm0, $0xb8;
	[tilespmem:$0x18400] =	vst v63  }
0x4ce: {  	s21 =	simm.s32 $0x16400  }
0x4cf: {  	[hbm4b:s5+s3] =	stream.indirect_vreg.scatter [tilespmem:s21], [sflag:$0x2], $0x80, v4, vm0, $0xb8;
	[tilespmem:$0x18400] =	vst v63  }
0x4d0: {  	s23 =	simm.s32 $0x16C00  }
0x4d1: {  	[hbm4b:s2+s3] =	stream.indirect_vreg.scatter [tilespmem:s23], [sflag:$0x2], $0x80, v3, vm0, $0xb8;
	[tilespmem:$0x18400] =	vst v63  }
0x4d2: {  	s22 =	simm.s32 $0x17400  }
0x4d3: {  	[hbm4b:s4+s3] =	stream.indirect_vreg.scatter [tilespmem:s22], [sflag:$0x2], $0x80, v3, vm0, $0xb8;
	[tilespmem:$0x18400] =	vst v63  }
0x4d4: {  	s24 =	simm.s32 $0x17C00  }
0x4d5: {  	[hbm4b:s5+s3] =	stream.indirect_vreg.scatter [tilespmem:s24], [sflag:$0x2], $0x80, v3, vm0, $0xb8;
	[tilespmem:$0x18400] =	vst v63  }
0x4d6: {  	s13 =	rddreg [dreg:$0x6];
	_ =	swait.ge [sflag:s0], $0x18000  }
0x4d7: {  	[sflag:s0] =	ssyncset.done $0x0  }
0x4d8: {  	[sflag:s0] =	ssyncadd.s32 $0xFFFE8000  }
0x4d9: {  	_ =	swait.ge [sflag:s0], $0x18000  }
0x4da: {  	[sflag:s0] =	ssyncset.done $0x0  }
0x4db: {  	[sflag:s0] =	ssyncadd.s32 $0xFFFE8000  }
0x4dc: {  	_ =	swait.ge [sflag:s0], $0x18000  }
0x4dd: {  	[sflag:s0] =	ssyncset.done $0x0  }
0x4de: {  	[sflag:s0] =	ssyncadd.s32 $0xFFFE8000  }
0x4df: {  	_ =	swait.ge [sflag:s0], $0x18000  }
0x4e0: {  	[sflag:s0] =	ssyncset.done $0x0  }
0x4e1: {  	[sflag:s0] =	ssyncadd.s32 $0xFFFE8000  }
0x4e2: {  	_ =	swait.ge [sflag:s0], $0x18000  }
0x4e3: {  	[sflag:s0] =	ssyncset.done $0x0  }
0x4e4: {  	[sflag:s0] =	ssyncadd.s32 $0xFFFE8000  }
0x4e5: {  	_ =	swait.ge [sflag:s0], $0x18000  }
0x4e6: {  	[sflag:s0] =	ssyncset.done $0x0  }
0x4e7: {  	[sflag:s0] =	ssyncadd.s32 $0xFFFE8000  }
0x4e8: {  	p0 =	sne.s32 s13, $0x1;
	_ =	swait.ge [sflag:s0], $0x18000  }
.Ltmp0:
0x4e9: {  	[sflag:s0] =	ssyncset.done $0x0;
	(pc) =	sbr.rel @p0 .LBB2_1-.Ltmp0, $4  }
0x4ea: {  	[sflag:s0] =	ssyncadd.s32 $0xFFFE8000  }
0x4eb: {  	_ =	swait.ge [sflag:s0], $0x18000  }
0x4ec: {  	[sflag:s0] =	ssyncset.done $0x0  }
0x4ed: {  	s1 =	sadd.s32 $0xFFFFFFFF, s13;
	[sflag:s0] =	ssyncadd.s32 $0xFFFE8000  }
0x4ee: {  	_ =	sfence.sel $0x180000  }
0x4ef: {  	[bflag:$0x0] =	sbarrier.arrive $0xFFFF  }
0x4f0: {  	_ =	strace $0x90000047  }
0x4f1: {  	s0 =	stileid.u32;
	[bflag:$0x2] =	sbarrier.arrive $0xFFFF  }
0x4f2: {  	p0 =	sne.s32 s0, $0x0;
	s0 =	rddreg [dreg:$0x3]  }
0x4f3: {  	s0 =	sadd.s32 @!p0 $0x100000, s0  }
0x4f4: {  	[sflag:s0] =	ssyncadd.tile.s32 @!p0 $0x1;
	_ =	shalt  }
.Lfunc_end2:
_tile_overlayer_lowered:
.L_overlay_start_2:
0x4f5: {  	(tag) =	ssettag $0x2  }
0x4f6: {  	s0 =	rddreg [dreg:$0x0];
	s2 =	stileid.u32  }
0x4f7: {  	s1 =	rddreg [dreg:$0x1];
	p0 =	sne.s32 s2, $0x0  }
0x4f8: {  	s3 =	rddreg [dreg:$0x2];
	[bflag:$0x3] =	sbarrier.arrive $0xFFFF;
	s2 =	simm.s32 @!p0 $0x1C03  }
0x4f9: {  	[timem:s3], [sflag:s2] =	dma.local @!p0 [hbm:s0], s1  }
0x4fa: {  	s0 =	simm.s32 @!p0 $0x3  }
0x4fb: {  	_ =	swait.ge @!p0 [sflag:s0], s1  }
0x4fc: {  	s1 =	ssub.s32 @!p0 $0x0, s1;
	[sflag:s0] =	ssyncset.done @!p0 $0x0  }
0x4fd: {  	[sflag:s0] =	ssyncadd.s32 @!p0 s1  }
0x4fe: {  	[bflag:$0x3] =	sbarrier.arrive $0xFFFF  }
0x4ff: {  	_ =	shalt  }

</sc_bundles>
